<compile_context>
chip_gen: v7x
topology: tpu7x:2x2x1
jax: 0.10.2.dev20260603
libtpu: 0.0.44.dev20260713+nightly
codegen_flags: <defaults>
</compile_context>

<pallas_src>
import functools
import jax
import jax.numpy as jnp
from jax import lax
from jax.experimental import pallas as pl
from jax.experimental.pallas import tpu as pltpu
from jax.experimental.pallas import tpu_sc as plsc

N = 50000
E = 800000
NC = 2
NS = 16
R = N // NC
DRAIN = 1563
RT = NS * DRAIN
W_COL = 80


def _sc_gather(hl, hr, src, dst):
  CH = 128
  NW = NC * NS
  NCHUNK = E // CH
  ITERS = NCHUNK // NW
  XTRA = NCHUNK - ITERS * NW

  mesh = plsc.VectorSubcoreMesh(core_axis_name="c", subcore_axis_name="s")

  @functools.partial(
      pl.kernel,
      out_type=(jax.ShapeDtypeStruct((E, 64), jnp.float32),
                jax.ShapeDtypeStruct((E, 64), jnp.float32)),
      mesh=mesh,
      compiler_params=pltpu.CompilerParams(use_tc_tiling_on_sc=False),
      scratch_types=[
          pltpu.VMEM((CH,), jnp.int32),
          pltpu.VMEM((CH,), jnp.int32),
          pltpu.VMEM((CH, 64), jnp.float32),
          pltpu.VMEM((CH, 64), jnp.float32),
          pltpu.SemaphoreType.DMA,
          pltpu.SemaphoreType.DMA,
      ],
  )
  def k(hl_h, hr_h, src_h, dst_h, el_h, er_h, isv, idv, rbl, rbr, sem1, sem2):
    c = lax.axis_index("c")
    s = lax.axis_index("s")
    wid = s * NC + c

    def chunk(i):
      off = i * CH
      pltpu.sync_copy(src_h.at[pl.ds(off, CH)], isv)
      pltpu.sync_copy(dst_h.at[pl.ds(off, CH)], idv)
      a = pltpu.async_copy(hl_h.at[isv], rbl, sem1)
      b = pltpu.async_copy(hr_h.at[idv], rbr, sem2)
      a.wait()
      b.wait()
      pltpu.sync_copy(rbl, el_h.at[pl.ds(off, CH)])
      pltpu.sync_copy(rbr, er_h.at[pl.ds(off, CH)])

    def step(t, carry):
      chunk(t * NW + wid)
      return carry

    lax.fori_loop(0, ITERS, step, 0)

    @pl.when(wid < XTRA)
    def _():
      chunk(ITERS * NW + wid)

  return k(hl, hr, src, dst)



def _sc_scatter(w, dst, zinit):
  GRP = 4
  CH = 16
  BCH = GRP * CH
  PERW = E // NS
  ITERS = PERW // BCH
  REM = PERW - ITERS * BCH
  assert REM % CH == 0 and (ITERS * BCH) % 8 == 0

  mesh = plsc.VectorSubcoreMesh(core_axis_name="c", subcore_axis_name="s")

  @functools.partial(
      pl.kernel,
      out_type=jax.ShapeDtypeStruct((NC * RT, W_COL), jnp.float32),
      mesh=mesh,
      compiler_params=pltpu.CompilerParams(use_tc_tiling_on_sc=False),
      scratch_types=[
          pltpu.VMEM_SHARED((RT, W_COL), jnp.float32),
          pltpu.VMEM((BCH,), jnp.int32),
          pltpu.VMEM((BCH, W_COL), jnp.float32),
          pltpu.SemaphoreType.DMA,
      ],
  )
  def k(w_h, dst_h, z_h, out_h, acc, dstb, wb, sem):
    c = lax.axis_index("c")
    s = lax.axis_index("s")
    base = c * R

    pltpu.sync_copy(z_h, acc.at[pl.ds(s * DRAIN, DRAIN)])
    plsc.subcore_barrier()

    def step(t, carry):
      off = s * PERW + t * BCH
      pltpu.sync_copy(dst_h.at[pl.ds(off, BCH)], dstb)
      pltpu.sync_copy(w_h.at[pl.ds(off, BCH)], wb)
      descs = []
      for g in range(GRP):
        l = dstb[pl.ds(g * CH, CH)] - base
        inb = (l >= 0) & (l < R)
        lvec = jnp.where(inb, l, R)
        descs.append(
            pltpu.async_copy(wb.at[pl.ds(g * CH, CH)], acc.at[lvec], sem,
                             add=True))
      for d in descs:
        d.wait()
      return carry

    lax.fori_loop(0, ITERS, step, 0)

    for r in range(REM // CH):
      roff = s * PERW + ITERS * BCH + r * CH
      pltpu.sync_copy(dst_h.at[pl.ds(roff, CH)], dstb.at[pl.ds(0, CH)])
      pltpu.sync_copy(w_h.at[pl.ds(roff, CH)], wb.at[pl.ds(0, CH)])
      l = dstb[pl.ds(0, CH)] - base
      inb = (l >= 0) & (l < R)
      lvec = jnp.where(inb, l, R)
      pltpu.sync_copy(wb.at[pl.ds(0, CH)], acc.at[lvec], add=True)
    plsc.subcore_barrier()

    pltpu.sync_copy(acc.at[pl.ds(s * DRAIN, DRAIN)],
                    out_h.at[pl.ds(c * RT + s * DRAIN, DRAIN)])

  return k(w, dst, zinit)



def _mm2_body(x_ref, wl_ref, wr_ref, o1_ref, o2_ref):
  xv = x_ref[...]
  o1_ref[...] = jnp.dot(xv, wl_ref[...], preferred_element_type=jnp.float32)
  o2_ref[...] = jnp.dot(xv, wr_ref[...], preferred_element_type=jnp.float32)


def _mm2(x, wl, wr):
  n, f = x.shape
  d = wl.shape[1]
  BN = 1000
  return pl.pallas_call(
      _mm2_body,
      grid=(n // BN,),
      in_specs=[
          pl.BlockSpec((BN, f), lambda i: (i, 0)),
          pl.BlockSpec((f, d), lambda i: (0, 0)),
          pl.BlockSpec((f, d), lambda i: (0, 0)),
      ],
      out_specs=[
          pl.BlockSpec((BN, d), lambda i: (i, 0)),
          pl.BlockSpec((BN, d), lambda i: (i, 0)),
      ],
      out_shape=[jax.ShapeDtypeStruct((n, d), jnp.float32),
                 jax.ShapeDtypeStruct((n, d), jnp.float32)],
  )(x, wl, wr)


def _lrelu(x):
  return jnp.where(x >= 0, x, 0.2 * x)


def _edge1_body(el_ref, er_ref, a_ref, w_ref):
  el = el_ref[...]
  z = _lrelu(el + er_ref[...])
  a = a_ref[...]
  parts = []
  exs = []
  for h in range(4):
    zh = z[:, 16 * h:16 * h + 16]
    eh = jnp.sum(zh * a[h, :][None, :], axis=1, keepdims=True)
    exh = jnp.exp(eh)
    exs.append(exh)
    parts.append(exh * el[:, 16 * h:16 * h + 16])
  ex = jnp.concatenate(exs, axis=1)
  pad = jnp.zeros((el.shape[0], 12), jnp.float32)
  w_ref[...] = jnp.concatenate(parts + [ex, pad], axis=1)


def _edge1(el, er, a1):
  BE = 1000
  return pl.pallas_call(
      _edge1_body,
      grid=(E // BE,),
      in_specs=[
          pl.BlockSpec((BE, 64), lambda i: (i, 0)),
          pl.BlockSpec((BE, 64), lambda i: (i, 0)),
          pl.BlockSpec((4, 16), lambda i: (0, 0)),
      ],
      out_specs=pl.BlockSpec((BE, W_COL), lambda i: (i, 0)),
      out_shape=jax.ShapeDtypeStruct((E, W_COL), jnp.float32),
  )(el, er, a1)


def _edge2_body(el_ref, er_ref, a_ref, w_ref):
  el = el_ref[...]
  z = _lrelu(el + er_ref[...])
  e = jnp.sum(z * a_ref[...], axis=1, keepdims=True)
  ex = jnp.exp(e)
  exb = jnp.broadcast_to(ex, (el.shape[0], 16))
  w_ref[...] = jnp.concatenate([ex * el, exb], axis=1)


def _edge2(el, er, a2):
  BE = 1000
  return pl.pallas_call(
      _edge2_body,
      grid=(E // BE,),
      in_specs=[
          pl.BlockSpec((BE, 64), lambda i: (i, 0)),
          pl.BlockSpec((BE, 64), lambda i: (i, 0)),
          pl.BlockSpec((1, 64), lambda i: (0, 0)),
      ],
      out_specs=pl.BlockSpec((BE, W_COL), lambda i: (i, 0)),
      out_shape=jax.ShapeDtypeStruct((E, W_COL), jnp.float32),
  )(el, er, a2)


def _layer_norm(o, g, b):
  mu = jnp.mean(o, axis=-1, keepdims=True)
  var = jnp.mean((o - mu) * (o - mu), axis=-1, keepdims=True)
  return (o - mu) / jnp.sqrt(var + 1e-5) * g + b


def _norm1_body(acc_ref, g_ref, b_ref, o_ref):
  acc = acc_ref[...]
  parts = []
  for h in range(4):
    den = acc[:, 64 + h:65 + h] + 1e-16
    parts.append(acc[:, 16 * h:16 * h + 16] / den)
  o = jnp.concatenate(parts, axis=1)
  o_ref[...] = _lrelu(_layer_norm(o, g_ref[...], b_ref[...]))


def _norm2_body(acc_ref, g_ref, b_ref, o_ref):
  acc = acc_ref[...]
  den = acc[:, 64:65] + 1e-16
  o = acc[:, :64] / den
  o_ref[...] = _lrelu(_layer_norm(o, g_ref[...], b_ref[...]))


def _norm(acc, g, b, body):
  BN = 1000
  return pl.pallas_call(
      body,
      grid=(N // BN,),
      in_specs=[
          pl.BlockSpec((BN, W_COL), lambda i: (i, 0)),
          pl.BlockSpec((1, 64), lambda i: (0, 0)),
          pl.BlockSpec((1, 64), lambda i: (0, 0)),
      ],
      out_specs=pl.BlockSpec((BN, 64), lambda i: (i, 0)),
      out_shape=jax.ShapeDtypeStruct((N, 64), jnp.float32),
  )(acc, g.reshape(1, 64), b.reshape(1, 64))


def _final_body(seg_ref, h_ref, w_ref, b_ref, o_ref):
  o_ref[0] = jnp.dot(h_ref[0], w_ref[...],
                     preferred_element_type=jnp.float32) + b_ref[...]


def _final(h2, seg_index, cls_W, cls_b):
  n_cls = cls_W.shape[1]
  n_seg = seg_index.shape[0]
  grid_spec = pltpu.PrefetchScalarGridSpec(
      num_scalar_prefetch=1,
      grid=(n_seg,),
      in_specs=[
          pl.BlockSpec((1, 1, 64), lambda i, seg: (seg[i], 0, 0)),
          pl.BlockSpec((64, n_cls), lambda i, seg: (0, 0)),
          pl.BlockSpec((1, n_cls), lambda i, seg: (0, 0)),
      ],
      out_specs=pl.BlockSpec((1, 1, n_cls), lambda i, seg: (i, 0, 0)),
  )
  out = pl.pallas_call(
      _final_body,
      grid_spec=grid_spec,
      out_shape=jax.ShapeDtypeStruct((n_seg, 1, n_cls), jnp.float32),
  )(seg_index, h2.reshape(N, 1, 64), cls_W, cls_b.reshape(1, n_cls))
  return out.reshape(n_seg, n_cls)



def _gat_layer(h, src, dst, Wl, Wr, a, zinit, edge_body):
  hl, hr = _mm2(h, Wl, Wr)
  el, er = _sc_gather(hl, hr, src, dst)
  w = edge_body(el, er, a)
  accp = _sc_scatter(w, dst, zinit)
  return jnp.concatenate([accp[:R], accp[RT:RT + R]], axis=0)


def kernel(x, adj, seg_index, Wl1, Wr1, a1, ln1_g, ln1_b,
           Wl2, Wr2, a2, ln2_g, ln2_b, cls_W, cls_b):
  xs = x[0]
  src = adj[0, 0]
  dst = adj[0, 1]
  zinit = jnp.zeros((DRAIN, W_COL), jnp.float32)

  acc1 = _gat_layer(xs, src, dst, Wl1, Wr1, a1, zinit, _edge1)
  h1 = _norm(acc1, ln1_g, ln1_b, _norm1_body)

  acc2 = _gat_layer(h1, src, dst, Wl2, Wr2, a2, zinit, _edge2)
  h2 = _norm(acc2, ln2_g, ln2_b, _norm2_body)

  return _final(h2, seg_index, cls_W, cls_b)

# --- scband reference (transcript-rebuilt; emitter-appended) ---
"""Pipeline reference for scband-gatmodel-31001073943306 (READ-ONLY COPY).

The authoritative reference and input builder live on the scoring server;
editing this copy changes nothing except your own understanding.
"""

import jax, jax.numpy as jnp
import numpy as np

N = 50000
E = 800000
F_IN = 144
H1, D1 = 4, 16
D_HID = 64
D_OUT = 64
N_CLS = 400
N_SEG = 16


def _layer_norm(h, g, b, eps=1e-5):
    mu = jnp.mean(h, axis=-1, keepdims=True)
    var = jnp.var(h, axis=-1, keepdims=True)
    return (h - mu) / jnp.sqrt(var + eps) * g + b


def _gatv2(x, edges, Wl, Wr, a, concat, negative_slope=0.2):
    # x: [N, F]; edges: [2, E]; Wl, Wr: [F, H*D]; a: [H, D]
    n = x.shape[0]
    H, D = a.shape
    hl = (x @ Wl).reshape(n, H, D)
    hr = (x @ Wr).reshape(n, H, D)
    src = edges[0]
    dst = edges[1]
    # GATv2 attention logits per edge/head
    e = jnp.sum(a[None, :, :] * jax.nn.leaky_relu(hl[src] + hr[dst], negative_slope), axis=-1)  # [E, H]
    m = jax.ops.segment_max(e, dst, num_segments=n)  # [N, H]
    ex = jnp.exp(e - m[dst])
    denom = jax.ops.segment_sum(ex, dst, num_segments=n) + 1e-16  # [N, H]
    alpha = ex / denom[dst]  # [E, H]
    msg = alpha[:, :, None] * hl[src]  # [E, H, D]
    out = jax.ops.segment_sum(msg, dst, num_segments=n)  # [N, H, D]
    if concat:
        return out.reshape(n, H * D)
    return out.mean(axis=1)


def setup_inputs(seed: int = 0) -> dict:
    key = jax.random.key(seed)
    ks = jax.random.split(key, 16)
    x = jax.random.normal(ks[0], (1, N, F_IN), dtype=jnp.float32)
    adj = jax.random.randint(ks[1], (1, 2, E), 0, N, dtype=jnp.int32)
    seg_index = jax.random.randint(ks[2], (N_SEG,), 0, N, dtype=jnp.int32)
    s1 = float(np.sqrt(2.0 / F_IN))
    s2 = float(np.sqrt(2.0 / D_HID))
    Wl1 = jax.random.normal(ks[3], (F_IN, H1 * D1), dtype=jnp.float32) * s1
    Wr1 = jax.random.normal(ks[4], (F_IN, H1 * D1), dtype=jnp.float32) * s1
    a1 = jax.random.normal(ks[5], (H1, D1), dtype=jnp.float32) * float(np.sqrt(2.0 / D1))
    ln1_g = jnp.ones((D_HID,), dtype=jnp.float32)
    ln1_b = jnp.zeros((D_HID,), dtype=jnp.float32)
    Wl2 = jax.random.normal(ks[6], (D_HID, 1 * D_OUT), dtype=jnp.float32) * s2
    Wr2 = jax.random.normal(ks[7], (D_HID, 1 * D_OUT), dtype=jnp.float32) * s2
    a2 = jax.random.normal(ks[8], (1, D_OUT), dtype=jnp.float32) * float(np.sqrt(2.0 / D_OUT))
    ln2_g = jnp.ones((D_OUT,), dtype=jnp.float32)
    ln2_b = jnp.zeros((D_OUT,), dtype=jnp.float32)
    cls_W = jax.random.normal(ks[9], (D_OUT, N_CLS), dtype=jnp.float32) * float(np.sqrt(2.0 / D_OUT))
    cls_b = jnp.zeros((N_CLS,), dtype=jnp.float32)
    return {"x": x, "adj": adj, "seg_index": seg_index, "Wl1": Wl1, "Wr1": Wr1, "a1": a1, "ln1_g": ln1_g, "ln1_b": ln1_b, "Wl2": Wl2, "Wr2": Wr2, "a2": a2, "ln2_g": ln2_g, "ln2_b": ln2_b, "cls_W": cls_W, "cls_b": cls_b}


def reference(x, adj, seg_index, Wl1, Wr1, a1, ln1_g, ln1_b, Wl2, Wr2, a2, ln2_g, ln2_b, cls_W, cls_b):
    xs = x[0]
    edges = adj[0]
    h = _gatv2(xs, edges, Wl1, Wr1, a1, concat=True)
    h = _layer_norm(h, ln1_g, ln1_b)
    h = jax.nn.leaky_relu(h, 0.2)
    # dropout is identity in eval mode
    h = _gatv2(h, edges, Wl2, Wr2, a2, concat=False)
    h = _layer_norm(h, ln2_g, ln2_b)
    h = jax.nn.leaky_relu(h, 0.2)
    h = h[seg_index]
    return h @ cls_W + cls_b

if __name__ == "__main__":
    import jax
    _d = setup_inputs()
    print(jax.jit(kernel)(*tuple(_d.values())))

</pallas_src>

<mosaic_0001>
#map = affine_map<(d0, d1) -> (0, 0)>
#map1 = affine_map<(d0, d1) -> (0)>
module attributes {stable_mosaic.version = 14 : i64} {
  func.func @k(%arg0: i32, %arg1: i32, %arg2: memref<800000x80xf32, #tpu.memory_space<hbm>>, %arg3: memref<800000xi32, #tpu.memory_space<hbm>>, %arg4: memref<1563x80xf32, #tpu.memory_space<hbm>>, %arg5: memref<50016x80xf32, #tpu.memory_space<hbm>>, %arg6: memref<25008x80xf32, #tpu.memory_space<vmem_shared>>, %arg7: memref<64xi32, #tpu.memory_space<vmem>>, %arg8: memref<64x80xf32, #tpu.memory_space<vmem>>, %arg9: memref<!tpu.dma_semaphore, #tpu.memory_space<semaphore_mem>>) attributes {dimension_semantics = [#tpu.dimension_semantics<core_parallel>, #tpu.dimension_semantics<subcore_parallel>], iteration_bounds = array<i64: 2, 16>, scalar_prefetch = 0 : i64, scratch_operands = 4 : i64, tpu.core_type = #tpu.core_type<sc_vector_subcore>, window_params = [{transform_indices = #map}, {transform_indices = #map1}, {transform_indices = #map}, {transform_indices = #map}]} {
    %mul3A = arith.constant 25000 : i32
    %mul3A_0 = arith.muli %arg0, %mul3A : i32
    %mul3A_1 = arith.constant 1563 : i32
    %mul3A_2 = arith.muli %arg1, %mul3A_1 : i32
    "tpu.region"() ({
      %run_scoped3A = tpu.sem_alloc : memref<!tpu.dma_semaphore, #tpu.memory_space<semaphore_mem>>
      %dma_start3A = arith.constant 0 : i32
      %dma_start3A_28 = tpu.memref_slice %arg6[%mul3A_2, %dma_start3A] : memref<25008x80xf32, #tpu.memory_space<vmem_shared>> -> memref<1563x80xf32, #tpu.memory_space<vmem_shared>>
      tpu.enqueue_dma source(%arg4 : memref<1563x80xf32, #tpu.memory_space<hbm>>) target(%dma_start3A_28 : memref<1563x80xf32, #tpu.memory_space<vmem_shared>>) target_semaphore(%run_scoped3A : memref<!tpu.dma_semaphore, #tpu.memory_space<semaphore_mem>>)
      %dma_wait3A = arith.constant 0 : i32
      %dma_wait3A_29 = tpu.memref_slice %arg6[%mul3A_2, %dma_wait3A] : memref<25008x80xf32, #tpu.memory_space<vmem_shared>> -> memref<1563x80xf32, #tpu.memory_space<vmem_shared>>
      tpu.wait_dma2 semaphore(%run_scoped3A : memref<!tpu.dma_semaphore, #tpu.memory_space<semaphore_mem>>) src(%arg4 : memref<1563x80xf32, #tpu.memory_space<hbm>>) dst(%dma_wait3A_29 : memref<1563x80xf32, #tpu.memory_space<vmem_shared>>)
      tpu.yield
    }) : () -> ()
    %barrier3A = arith.constant 0 : index
    tpu.barrier barrier_id(%barrier3A)
    %scan3A = arith.constant 0 : i32
    %scan3A_3 = arith.constant 0 : i32
    %scan3A_4 = arith.constant 781 : i32
    %scan3A_5 = arith.addi %scan3A_3, %scan3A_4 : i32
    %scan3A_6 = arith.constant 1 : i32
    scf.for %scan3A_28 = %scan3A_3 to %scan3A_5 step %scan3A_6  : i32 {
      %mul3A_29 = arith.constant 50000 : i32
      %mul3A_30 = arith.muli %arg1, %mul3A_29 : i32
      %mul3A_31 = arith.constant 64 : i32
      %mul3A_32 = arith.muli %scan3A_28, %mul3A_31 : i32
      %add3A_33 = arith.addi %mul3A_30, %mul3A_32 : i32
      "tpu.region"() ({
        %run_scoped3A = tpu.sem_alloc : memref<!tpu.dma_semaphore, #tpu.memory_space<semaphore_mem>>
        %dma_start3A_140 = tpu.memref_slice %arg3[%add3A_33] : memref<800000xi32, #tpu.memory_space<hbm>> -> memref<64xi32, #tpu.memory_space<hbm>>
        %dma_start3A_141 = tpu.memref_slice %arg3[%add3A_33] : memref<800000xi32, #tpu.memory_space<hbm>> -> memref<64xi32, #tpu.memory_space<hbm>>
        tpu.enqueue_dma source(%dma_start3A_141 : memref<64xi32, #tpu.memory_space<hbm>>) target(%arg7 : memref<64xi32, #tpu.memory_space<vmem>>) target_semaphore(%run_scoped3A : memref<!tpu.dma_semaphore, #tpu.memory_space<semaphore_mem>>)
        %dma_wait3A_142 = tpu.memref_slice %arg3[%add3A_33] : memref<800000xi32, #tpu.memory_space<hbm>> -> memref<64xi32, #tpu.memory_space<hbm>>
        %dma_wait3A_143 = tpu.memref_slice %arg3[%add3A_33] : memref<800000xi32, #tpu.memory_space<hbm>> -> memref<64xi32, #tpu.memory_space<hbm>>
        tpu.wait_dma2 semaphore(%run_scoped3A : memref<!tpu.dma_semaphore, #tpu.memory_space<semaphore_mem>>) src(%dma_wait3A_143 : memref<64xi32, #tpu.memory_space<hbm>>) dst(%arg7 : memref<64xi32, #tpu.memory_space<vmem>>)
        tpu.yield
      }) : () -> ()
      "tpu.region"() ({
        %run_scoped3A = tpu.sem_alloc : memref<!tpu.dma_semaphore, #tpu.memory_space<semaphore_mem>>
        %dma_start3A_140 = arith.constant 0 : i32
        %dma_start3A_141 = tpu.memref_slice %arg2[%add3A_33, %dma_start3A_140] : memref<800000x80xf32, #tpu.memory_space<hbm>> -> memref<64x80xf32, #tpu.memory_space<hbm>>
        %dma_start3A_142 = arith.constant 0 : i32
        %dma_start3A_143 = tpu.memref_slice %arg2[%add3A_33, %dma_start3A_142] : memref<800000x80xf32, #tpu.memory_space<hbm>> -> memref<64x80xf32, #tpu.memory_space<hbm>>
        tpu.enqueue_dma source(%dma_start3A_143 : memref<64x80xf32, #tpu.memory_space<hbm>>) target(%arg8 : memref<64x80xf32, #tpu.memory_space<vmem>>) target_semaphore(%run_scoped3A : memref<!tpu.dma_semaphore, #tpu.memory_space<semaphore_mem>>)
        %dma_wait3A_144 = arith.constant 0 : i32
        %dma_wait3A_145 = tpu.memref_slice %arg2[%add3A_33, %dma_wait3A_144] : memref<800000x80xf32, #tpu.memory_space<hbm>> -> memref<64x80xf32, #tpu.memory_space<hbm>>
        %dma_wait3A_146 = arith.constant 0 : i32
        %dma_wait3A_147 = tpu.memref_slice %arg2[%add3A_33, %dma_wait3A_146] : memref<800000x80xf32, #tpu.memory_space<hbm>> -> memref<64x80xf32, #tpu.memory_space<hbm>>
        tpu.wait_dma2 semaphore(%run_scoped3A : memref<!tpu.dma_semaphore, #tpu.memory_space<semaphore_mem>>) src(%dma_wait3A_147 : memref<64x80xf32, #tpu.memory_space<hbm>>) dst(%arg8 : memref<64x80xf32, #tpu.memory_space<vmem>>)
        tpu.yield
      }) : () -> ()
      %get3A_34 = arith.constant 0 : index
      %get3A_35 = tpu.vector_load %arg7[%get3A_34] {strides = array<i32>} : memref<64xi32, #tpu.memory_space<vmem>>, vector<16xi32>,
      %get3A_36 = vector.shape_cast %get3A_35 : vector<16xi32> to vector<16xi32>
      %sub3A_37 = vector.broadcast %mul3A_0 : i32 to vector<16xi32>
      %sub3A_38 = arith.subi %get3A_36, %sub3A_37 : vector<16xi32>
      %ge3A_39 = arith.constant 0 : i32
      %ge3A_40 = vector.broadcast %ge3A_39 : i32 to vector<16xi32>
      %ge3A_41 = arith.cmpi sge, %sub3A_38, %ge3A_40 : vector<16xi32>
      %lt3A_42 = arith.constant 25000 : i32
      %lt3A_43 = vector.broadcast %lt3A_42 : i32 to vector<16xi32>
      %lt3A_44 = arith.cmpi slt, %sub3A_38, %lt3A_43 : vector<16xi32>
      %and3A_45 = arith.andi %ge3A_41, %lt3A_44 : vector<16xi1>
      %jit3A_46 = arith.constant 25000 : i32
      %broadcast_in_dim3A_47 = vector.broadcast %jit3A_46 : i32 to vector<16xi32>
      %select_n3A_48 = arith.select %and3A_45, %sub3A_38, %broadcast_in_dim3A_47 : vector<16xi1>, vector<16xi32>
      %dma_start3A = arith.constant 0 : i32
      %dma_start3A_49 = arith.constant 0 : i32
      %dma_start3A_50 = tpu.memref_slice %arg8[%dma_start3A, %dma_start3A_49] : memref<64x80xf32, #tpu.memory_space<vmem>> -> memref<16x80xf32, #tpu.memory_space<vmem>>
      %dma_start3A_51 = arith.constant 0 : i32
      %dma_start3A_52 = arith.constant 0 : i32
      %dma_start3A_53 = tpu.memref_slice %arg6[%dma_start3A_51, %dma_start3A_52] : memref<25008x80xf32, #tpu.memory_space<vmem_shared>> -> memref<25008x80xf32, #tpu.memory_space<vmem_shared>>
      tpu.enqueue_indirect_dma source(%dma_start3A_50 : memref<16x80xf32, #tpu.memory_space<vmem>>) target(%dma_start3A_53 : memref<25008x80xf32, #tpu.memory_space<vmem_shared>>) offsets(%select_n3A_48 : vector<16xi32>) semaphore(%arg9 : memref<!tpu.dma_semaphore, #tpu.memory_space<semaphore_mem>>) {add = true}
      %get3A_54 = arith.constant 16 : index
      %get3A_55 = tpu.vector_load %arg7[%get3A_54] {strides = array<i32>} : memref<64xi32, #tpu.memory_space<vmem>>, vector<16xi32>,
      %get3A_56 = vector.shape_cast %get3A_55 : vector<16xi32> to vector<16xi32>
      %sub3A_57 = vector.broadcast %mul3A_0 : i32 to vector<16xi32>
      %sub3A_58 = arith.subi %get3A_56, %sub3A_57 : vector<16xi32>
      %ge3A_59 = arith.constant 0 : i32
      %ge3A_60 = vector.broadcast %ge3A_59 : i32 to vector<16xi32>
      %ge3A_61 = arith.cmpi sge, %sub3A_58, %ge3A_60 : vector<16xi32>
      %lt3A_62 = arith.constant 25000 : i32
      %lt3A_63 = vector.broadcast %lt3A_62 : i32 to vector<16xi32>
      %lt3A_64 = arith.cmpi slt, %sub3A_58, %lt3A_63 : vector<16xi32>
      %and3A_65 = arith.andi %ge3A_61, %lt3A_64 : vector<16xi1>
      %jit3A_66 = arith.constant 25000 : i32
      %broadcast_in_dim3A_67 = vector.broadcast %jit3A_66 : i32 to vector<16xi32>
      %select_n3A_68 = arith.select %and3A_65, %sub3A_58, %broadcast_in_dim3A_67 : vector<16xi1>, vector<16xi32>
      %dma_start3A_69 = arith.constant 16 : i32
      %dma_start3A_70 = arith.constant 0 : i32
      %dma_start3A_71 = tpu.memref_slice %arg8[%dma_start3A_69, %dma_start3A_70] : memref<64x80xf32, #tpu.memory_space<vmem>> -> memref<16x80xf32, #tpu.memory_space<vmem>>
      %dma_start3A_72 = arith.constant 0 : i32
      %dma_start3A_73 = arith.constant 0 : i32
      %dma_start3A_74 = tpu.memref_slice %arg6[%dma_start3A_72, %dma_start3A_73] : memref<25008x80xf32, #tpu.memory_space<vmem_shared>> -> memref<25008x80xf32, #tpu.memory_space<vmem_shared>>
      tpu.enqueue_indirect_dma source(%dma_start3A_71 : memref<16x80xf32, #tpu.memory_space<vmem>>) target(%dma_start3A_74 : memref<25008x80xf32, #tpu.memory_space<vmem_shared>>) offsets(%select_n3A_68 : vector<16xi32>) semaphore(%arg9 : memref<!tpu.dma_semaphore, #tpu.memory_space<semaphore_mem>>) {add = true}
      %get3A_75 = arith.constant 32 : index
      %get3A_76 = tpu.vector_load %arg7[%get3A_75] {strides = array<i32>} : memref<64xi32, #tpu.memory_space<vmem>>, vector<16xi32>,
      %get3A_77 = vector.shape_cast %get3A_76 : vector<16xi32> to vector<16xi32>
      %sub3A_78 = vector.broadcast %mul3A_0 : i32 to vector<16xi32>
      %sub3A_79 = arith.subi %get3A_77, %sub3A_78 : vector<16xi32>
      %ge3A_80 = arith.constant 0 : i32
      %ge3A_81 = vector.broadcast %ge3A_80 : i32 to vector<16xi32>
      %ge3A_82 = arith.cmpi sge, %sub3A_79, %ge3A_81 : vector<16xi32>
      %lt3A_83 = arith.constant 25000 : i32
      %lt3A_84 = vector.broadcast %lt3A_83 : i32 to vector<16xi32>
      %lt3A_85 = arith.cmpi slt, %sub3A_79, %lt3A_84 : vector<16xi32>
      %and3A_86 = arith.andi %ge3A_82, %lt3A_85 : vector<16xi1>
      %jit3A_87 = arith.constant 25000 : i32
      %broadcast_in_dim3A_88 = vector.broadcast %jit3A_87 : i32 to vector<16xi32>
      %select_n3A_89 = arith.select %and3A_86, %sub3A_79, %broadcast_in_dim3A_88 : vector<16xi1>, vector<16xi32>
      %dma_start3A_90 = arith.constant 32 : i32
      %dma_start3A_91 = arith.constant 0 : i32
      %dma_start3A_92 = tpu.memref_slice %arg8[%dma_start3A_90, %dma_start3A_91] : memref<64x80xf32, #tpu.memory_space<vmem>> -> memref<16x80xf32, #tpu.memory_space<vmem>>
      %dma_start3A_93 = arith.constant 0 : i32
      %dma_start3A_94 = arith.constant 0 : i32
      %dma_start3A_95 = tpu.memref_slice %arg6[%dma_start3A_93, %dma_start3A_94] : memref<25008x80xf32, #tpu.memory_space<vmem_shared>> -> memref<25008x80xf32, #tpu.memory_space<vmem_shared>>
      tpu.enqueue_indirect_dma source(%dma_start3A_92 : memref<16x80xf32, #tpu.memory_space<vmem>>) target(%dma_start3A_95 : memref<25008x80xf32, #tpu.memory_space<vmem_shared>>) offsets(%select_n3A_89 : vector<16xi32>) semaphore(%arg9 : memref<!tpu.dma_semaphore, #tpu.memory_space<semaphore_mem>>) {add = true}
      %get3A_96 = arith.constant 48 : index
      %get3A_97 = tpu.vector_load %arg7[%get3A_96] {strides = array<i32>} : memref<64xi32, #tpu.memory_space<vmem>>, vector<16xi32>,
      %get3A_98 = vector.shape_cast %get3A_97 : vector<16xi32> to vector<16xi32>
      %sub3A_99 = vector.broadcast %mul3A_0 : i32 to vector<16xi32>
      %sub3A_100 = arith.subi %get3A_98, %sub3A_99 : vector<16xi32>
      %ge3A_101 = arith.constant 0 : i32
      %ge3A_102 = vector.broadcast %ge3A_101 : i32 to vector<16xi32>
      %ge3A_103 = arith.cmpi sge, %sub3A_100, %ge3A_102 : vector<16xi32>
      %lt3A_104 = arith.constant 25000 : i32
      %lt3A_105 = vector.broadcast %lt3A_104 : i32 to vector<16xi32>
      %lt3A_106 = arith.cmpi slt, %sub3A_100, %lt3A_105 : vector<16xi32>
      %and3A_107 = arith.andi %ge3A_103, %lt3A_106 : vector<16xi1>
      %jit3A_108 = arith.constant 25000 : i32
      %broadcast_in_dim3A_109 = vector.broadcast %jit3A_108 : i32 to vector<16xi32>
      %select_n3A_110 = arith.select %and3A_107, %sub3A_100, %broadcast_in_dim3A_109 : vector<16xi1>, vector<16xi32>
      %dma_start3A_111 = arith.constant 48 : i32
      %dma_start3A_112 = arith.constant 0 : i32
      %dma_start3A_113 = tpu.memref_slice %arg8[%dma_start3A_111, %dma_start3A_112] : memref<64x80xf32, #tpu.memory_space<vmem>> -> memref<16x80xf32, #tpu.memory_space<vmem>>
      %dma_start3A_114 = arith.constant 0 : i32
      %dma_start3A_115 = arith.constant 0 : i32
      %dma_start3A_116 = tpu.memref_slice %arg6[%dma_start3A_114, %dma_start3A_115] : memref<25008x80xf32, #tpu.memory_space<vmem_shared>> -> memref<25008x80xf32, #tpu.memory_space<vmem_shared>>
      tpu.enqueue_indirect_dma source(%dma_start3A_113 : memref<16x80xf32, #tpu.memory_space<vmem>>) target(%dma_start3A_116 : memref<25008x80xf32, #tpu.memory_space<vmem_shared>>) offsets(%select_n3A_110 : vector<16xi32>) semaphore(%arg9 : memref<!tpu.dma_semaphore, #tpu.memory_space<semaphore_mem>>) {add = true}
      %dma_wait3A = arith.constant 0 : i32
      %dma_wait3A_117 = arith.constant 0 : i32
      %dma_wait3A_118 = tpu.memref_slice %arg8[%dma_wait3A, %dma_wait3A_117] : memref<64x80xf32, #tpu.memory_space<vmem>> -> memref<16x80xf32, #tpu.memory_space<vmem>>
      %dma_wait3A_119 = arith.constant 0 : i32
      %dma_wait3A_120 = arith.constant 0 : i32
      %dma_wait3A_121 = tpu.memref_slice %arg6[%dma_wait3A_119, %dma_wait3A_120] : memref<25008x80xf32, #tpu.memory_space<vmem_shared>> -> memref<25008x80xf32, #tpu.memory_space<vmem_shared>>
      tpu.wait_indirect_dma semaphore(%arg9 : memref<!tpu.dma_semaphore, #tpu.memory_space<semaphore_mem>>) src(%dma_wait3A_118 : memref<16x80xf32, #tpu.memory_space<vmem>>) dst(%dma_wait3A_121 : memref<25008x80xf32, #tpu.memory_space<vmem_shared>>)
      %dma_wait3A_122 = arith.constant 16 : i32
      %dma_wait3A_123 = arith.constant 0 : i32
      %dma_wait3A_124 = tpu.memref_slice %arg8[%dma_wait3A_122, %dma_wait3A_123] : memref<64x80xf32, #tpu.memory_space<vmem>> -> memref<16x80xf32, #tpu.memory_space<vmem>>
      %dma_wait3A_125 = arith.constant 0 : i32
      %dma_wait3A_126 = arith.constant 0 : i32
      %dma_wait3A_127 = tpu.memref_slice %arg6[%dma_wait3A_125, %dma_wait3A_126] : memref<25008x80xf32, #tpu.memory_space<vmem_shared>> -> memref<25008x80xf32, #tpu.memory_space<vmem_shared>>
      tpu.wait_indirect_dma semaphore(%arg9 : memref<!tpu.dma_semaphore, #tpu.memory_space<semaphore_mem>>) src(%dma_wait3A_124 : memref<16x80xf32, #tpu.memory_space<vmem>>) dst(%dma_wait3A_127 : memref<25008x80xf32, #tpu.memory_space<vmem_shared>>)
      %dma_wait3A_128 = arith.constant 32 : i32
      %dma_wait3A_129 = arith.constant 0 : i32
      %dma_wait3A_130 = tpu.memref_slice %arg8[%dma_wait3A_128, %dma_wait3A_129] : memref<64x80xf32, #tpu.memory_space<vmem>> -> memref<16x80xf32, #tpu.memory_space<vmem>>
      %dma_wait3A_131 = arith.constant 0 : i32
      %dma_wait3A_132 = arith.constant 0 : i32
      %dma_wait3A_133 = tpu.memref_slice %arg6[%dma_wait3A_131, %dma_wait3A_132] : memref<25008x80xf32, #tpu.memory_space<vmem_shared>> -> memref<25008x80xf32, #tpu.memory_space<vmem_shared>>
      tpu.wait_indirect_dma semaphore(%arg9 : memref<!tpu.dma_semaphore, #tpu.memory_space<semaphore_mem>>) src(%dma_wait3A_130 : memref<16x80xf32, #tpu.memory_space<vmem>>) dst(%dma_wait3A_133 : memref<25008x80xf32, #tpu.memory_space<vmem_shared>>)
      %dma_wait3A_134 = arith.constant 48 : i32
      %dma_wait3A_135 = arith.constant 0 : i32
      %dma_wait3A_136 = tpu.memref_slice %arg8[%dma_wait3A_134, %dma_wait3A_135] : memref<64x80xf32, #tpu.memory_space<vmem>> -> memref<16x80xf32, #tpu.memory_space<vmem>>
      %dma_wait3A_137 = arith.constant 0 : i32
      %dma_wait3A_138 = arith.constant 0 : i32
      %dma_wait3A_139 = tpu.memref_slice %arg6[%dma_wait3A_137, %dma_wait3A_138] : memref<25008x80xf32, #tpu.memory_space<vmem_shared>> -> memref<25008x80xf32, #tpu.memory_space<vmem_shared>>
      tpu.wait_indirect_dma semaphore(%arg9 : memref<!tpu.dma_semaphore, #tpu.memory_space<semaphore_mem>>) src(%dma_wait3A_136 : memref<16x80xf32, #tpu.memory_space<vmem>>) dst(%dma_wait3A_139 : memref<25008x80xf32, #tpu.memory_space<vmem_shared>>)
    }
    %scan3A_7 = arith.constant 781 : i32
    %mul3A_8 = arith.constant 50000 : i32
    %mul3A_9 = arith.muli %arg1, %mul3A_8 : i32
    %add3A = arith.constant 49984 : i32
    %add3A_10 = arith.addi %mul3A_9, %add3A : i32
    %add3A_11 = arith.constant 0 : i32
    %add3A_12 = arith.addi %add3A_10, %add3A_11 : i32
    "tpu.region"() ({
      %run_scoped3A = tpu.sem_alloc : memref<!tpu.dma_semaphore, #tpu.memory_space<semaphore_mem>>
      %dma_start3A = arith.constant 0 : i32
      %dma_start3A_28 = tpu.memref_slice %arg7[%dma_start3A] : memref<64xi32, #tpu.memory_space<vmem>> -> memref<16xi32, #tpu.memory_space<vmem>>
      %dma_start3A_29 = tpu.memref_slice %arg3[%add3A_12] : memref<800000xi32, #tpu.memory_space<hbm>> -> memref<16xi32, #tpu.memory_space<hbm>>
      %dma_start3A_30 = arith.constant 0 : i32
      %dma_start3A_31 = tpu.memref_slice %arg7[%dma_start3A_30] : memref<64xi32, #tpu.memory_space<vmem>> -> memref<16xi32, #tpu.memory_space<vmem>>
      %dma_start3A_32 = tpu.memref_slice %arg3[%add3A_12] : memref<800000xi32, #tpu.memory_space<hbm>> -> memref<16xi32, #tpu.memory_space<hbm>>
      tpu.enqueue_dma source(%dma_start3A_32 : memref<16xi32, #tpu.memory_space<hbm>>) target(%dma_start3A_31 : memref<16xi32, #tpu.memory_space<vmem>>) target_semaphore(%run_scoped3A : memref<!tpu.dma_semaphore, #tpu.memory_space<semaphore_mem>>)
      %dma_wait3A = arith.constant 0 : i32
      %dma_wait3A_33 = tpu.memref_slice %arg7[%dma_wait3A] : memref<64xi32, #tpu.memory_space<vmem>> -> memref<16xi32, #tpu.memory_space<vmem>>
      %dma_wait3A_34 = tpu.memref_slice %arg3[%add3A_12] : memref<800000xi32, #tpu.memory_space<hbm>> -> memref<16xi32, #tpu.memory_space<hbm>>
      %dma_wait3A_35 = arith.constant 0 : i32
      %dma_wait3A_36 = tpu.memref_slice %arg7[%dma_wait3A_35] : memref<64xi32, #tpu.memory_space<vmem>> -> memref<16xi32, #tpu.memory_space<vmem>>
      %dma_wait3A_37 = tpu.memref_slice %arg3[%add3A_12] : memref<800000xi32, #tpu.memory_space<hbm>> -> memref<16xi32, #tpu.memory_space<hbm>>
      tpu.wait_dma2 semaphore(%run_scoped3A : memref<!tpu.dma_semaphore, #tpu.memory_space<semaphore_mem>>) src(%dma_wait3A_37 : memref<16xi32, #tpu.memory_space<hbm>>) dst(%dma_wait3A_36 : memref<16xi32, #tpu.memory_space<vmem>>)
      tpu.yield
    }) : () -> ()
    "tpu.region"() ({
      %run_scoped3A = tpu.sem_alloc : memref<!tpu.dma_semaphore, #tpu.memory_space<semaphore_mem>>
      %dma_start3A = arith.constant 0 : i32
      %dma_start3A_28 = arith.constant 0 : i32
      %dma_start3A_29 = tpu.memref_slice %arg8[%dma_start3A, %dma_start3A_28] : memref<64x80xf32, #tpu.memory_space<vmem>> -> memref<16x80xf32, #tpu.memory_space<vmem>>
      %dma_start3A_30 = arith.constant 0 : i32
      %dma_start3A_31 = tpu.memref_slice %arg2[%add3A_12, %dma_start3A_30] : memref<800000x80xf32, #tpu.memory_space<hbm>> -> memref<16x80xf32, #tpu.memory_space<hbm>>
      %dma_start3A_32 = arith.constant 0 : i32
      %dma_start3A_33 = arith.constant 0 : i32
      %dma_start3A_34 = tpu.memref_slice %arg8[%dma_start3A_32, %dma_start3A_33] : memref<64x80xf32, #tpu.memory_space<vmem>> -> memref<16x80xf32, #tpu.memory_space<vmem>>
      %dma_start3A_35 = arith.constant 0 : i32
      %dma_start3A_36 = tpu.memref_slice %arg2[%add3A_12, %dma_start3A_35] : memref<800000x80xf32, #tpu.memory_space<hbm>> -> memref<16x80xf32, #tpu.memory_space<hbm>>
      tpu.enqueue_dma source(%dma_start3A_36 : memref<16x80xf32, #tpu.memory_space<hbm>>) target(%dma_start3A_34 : memref<16x80xf32, #tpu.memory_space<vmem>>) target_semaphore(%run_scoped3A : memref<!tpu.dma_semaphore, #tpu.memory_space<semaphore_mem>>)
      %dma_wait3A = arith.constant 0 : i32
      %dma_wait3A_37 = arith.constant 0 : i32
      %dma_wait3A_38 = tpu.memref_slice %arg8[%dma_wait3A, %dma_wait3A_37] : memref<64x80xf32, #tpu.memory_space<vmem>> -> memref<16x80xf32, #tpu.memory_space<vmem>>
      %dma_wait3A_39 = arith.constant 0 : i32
      %dma_wait3A_40 = tpu.memref_slice %arg2[%add3A_12, %dma_wait3A_39] : memref<800000x80xf32, #tpu.memory_space<hbm>> -> memref<16x80xf32, #tpu.memory_space<hbm>>
      %dma_wait3A_41 = arith.constant 0 : i32
      %dma_wait3A_42 = arith.constant 0 : i32
      %dma_wait3A_43 = tpu.memref_slice %arg8[%dma_wait3A_41, %dma_wait3A_42] : memref<64x80xf32, #tpu.memory_space<vmem>> -> memref<16x80xf32, #tpu.memory_space<vmem>>
      %dma_wait3A_44 = arith.constant 0 : i32
      %dma_wait3A_45 = tpu.memref_slice %arg2[%add3A_12, %dma_wait3A_44] : memref<800000x80xf32, #tpu.memory_space<hbm>> -> memref<16x80xf32, #tpu.memory_space<hbm>>
      tpu.wait_dma2 semaphore(%run_scoped3A : memref<!tpu.dma_semaphore, #tpu.memory_space<semaphore_mem>>) src(%dma_wait3A_45 : memref<16x80xf32, #tpu.memory_space<hbm>>) dst(%dma_wait3A_43 : memref<16x80xf32, #tpu.memory_space<vmem>>)
      tpu.yield
    }) : () -> ()
    %get3A = arith.constant 0 : index
    %get3A_13 = tpu.vector_load %arg7[%get3A] {strides = array<i32>} : memref<64xi32, #tpu.memory_space<vmem>>, vector<16xi32>,
    %get3A_14 = vector.shape_cast %get3A_13 : vector<16xi32> to vector<16xi32>
    %sub3A = vector.broadcast %mul3A_0 : i32 to vector<16xi32>
    %sub3A_15 = arith.subi %get3A_14, %sub3A : vector<16xi32>
    %ge3A = arith.constant 0 : i32
    %ge3A_16 = vector.broadcast %ge3A : i32 to vector<16xi32>
    %ge3A_17 = arith.cmpi sge, %sub3A_15, %ge3A_16 : vector<16xi32>
    %lt3A = arith.constant 25000 : i32
    %lt3A_18 = vector.broadcast %lt3A : i32 to vector<16xi32>
    %lt3A_19 = arith.cmpi slt, %sub3A_15, %lt3A_18 : vector<16xi32>
    %and3A = arith.andi %ge3A_17, %lt3A_19 : vector<16xi1>
    %jit3A = arith.constant 25000 : i32
    %broadcast_in_dim3A = vector.broadcast %jit3A : i32 to vector<16xi32>
    %select_n3A = arith.select %and3A, %sub3A_15, %broadcast_in_dim3A : vector<16xi1>, vector<16xi32>
    "tpu.region"() ({
      %run_scoped3A = tpu.sem_alloc : memref<!tpu.dma_semaphore, #tpu.memory_space<semaphore_mem>>
      %dma_start3A = arith.constant 0 : i32
      %dma_start3A_28 = arith.constant 0 : i32
      %dma_start3A_29 = tpu.memref_slice %arg8[%dma_start3A, %dma_start3A_28] : memref<64x80xf32, #tpu.memory_space<vmem>> -> memref<16x80xf32, #tpu.memory_space<vmem>>
      %dma_start3A_30 = arith.constant 0 : i32
      %dma_start3A_31 = arith.constant 0 : i32
      %dma_start3A_32 = tpu.memref_slice %arg6[%dma_start3A_30, %dma_start3A_31] : memref<25008x80xf32, #tpu.memory_space<vmem_shared>> -> memref<25008x80xf32, #tpu.memory_space<vmem_shared>>
      tpu.enqueue_indirect_dma source(%dma_start3A_29 : memref<16x80xf32, #tpu.memory_space<vmem>>) target(%dma_start3A_32 : memref<25008x80xf32, #tpu.memory_space<vmem_shared>>) offsets(%select_n3A : vector<16xi32>) semaphore(%run_scoped3A : memref<!tpu.dma_semaphore, #tpu.memory_space<semaphore_mem>>) {add = true}
      %dma_wait3A = arith.constant 0 : i32
      %dma_wait3A_33 = arith.constant 0 : i32
      %dma_wait3A_34 = tpu.memref_slice %arg8[%dma_wait3A, %dma_wait3A_33] : memref<64x80xf32, #tpu.memory_space<vmem>> -> memref<16x80xf32, #tpu.memory_space<vmem>>
      %dma_wait3A_35 = arith.constant 0 : i32
      %dma_wait3A_36 = arith.constant 0 : i32
      %dma_wait3A_37 = tpu.memref_slice %arg6[%dma_wait3A_35, %dma_wait3A_36] : memref<25008x80xf32, #tpu.memory_space<vmem_shared>> -> memref<25008x80xf32, #tpu.memory_space<vmem_shared>>
      tpu.wait_indirect_dma semaphore(%run_scoped3A : memref<!tpu.dma_semaphore, #tpu.memory_space<semaphore_mem>>) src(%dma_wait3A_34 : memref<16x80xf32, #tpu.memory_space<vmem>>) dst(%dma_wait3A_37 : memref<25008x80xf32, #tpu.memory_space<vmem_shared>>)
      tpu.yield
    }) : () -> ()
    %barrier3A_20 = arith.constant 0 : index
    tpu.barrier barrier_id(%barrier3A_20)
    %mul3A_21 = arith.constant 1563 : i32
    %mul3A_22 = arith.muli %arg1, %mul3A_21 : i32
    %mul3A_23 = arith.constant 25008 : i32
    %mul3A_24 = arith.muli %arg0, %mul3A_23 : i32
    %mul3A_25 = arith.constant 1563 : i32
    %mul3A_26 = arith.muli %arg1, %mul3A_25 : i32
    %add3A_27 = arith.addi %mul3A_24, %mul3A_26 : i32
    "tpu.region"() ({
      %run_scoped3A = tpu.sem_alloc : memref<!tpu.dma_semaphore, #tpu.memory_space<semaphore_mem>>
      %dma_start3A = arith.constant 0 : i32
      %dma_start3A_28 = tpu.memref_slice %arg5[%add3A_27, %dma_start3A] : memref<50016x80xf32, #tpu.memory_space<hbm>> -> memref<1563x80xf32, #tpu.memory_space<hbm>>
      %dma_start3A_29 = arith.constant 0 : i32
      %dma_start3A_30 = tpu.memref_slice %arg6[%mul3A_22, %dma_start3A_29] : memref<25008x80xf32, #tpu.memory_space<vmem_shared>> -> memref<1563x80xf32, #tpu.memory_space<vmem_shared>>
      tpu.enqueue_dma source(%dma_start3A_30 : memref<1563x80xf32, #tpu.memory_space<vmem_shared>>) target(%dma_start3A_28 : memref<1563x80xf32, #tpu.memory_space<hbm>>) target_semaphore(%run_scoped3A : memref<!tpu.dma_semaphore, #tpu.memory_space<semaphore_mem>>)
      %dma_wait3A = arith.constant 0 : i32
      %dma_wait3A_31 = tpu.memref_slice %arg5[%add3A_27, %dma_wait3A] : memref<50016x80xf32, #tpu.memory_space<hbm>> -> memref<1563x80xf32, #tpu.memory_space<hbm>>
      %dma_wait3A_32 = arith.constant 0 : i32
      %dma_wait3A_33 = tpu.memref_slice %arg6[%mul3A_22, %dma_wait3A_32] : memref<25008x80xf32, #tpu.memory_space<vmem_shared>> -> memref<1563x80xf32, #tpu.memory_space<vmem_shared>>
      tpu.wait_dma2 semaphore(%run_scoped3A : memref<!tpu.dma_semaphore, #tpu.memory_space<semaphore_mem>>) src(%dma_wait3A_33 : memref<1563x80xf32, #tpu.memory_space<vmem_shared>>) dst(%dma_wait3A_31 : memref<1563x80xf32, #tpu.memory_space<hbm>>)
      tpu.yield
    }) : () -> ()
    return
  }
}

#map = affine_map<(d0, d1) -> (0, 0)>
#map1 = affine_map<(d0, d1) -> (0)>
module attributes {stable_mosaic.version = 14 : i64} {
  func.func @k(%arg0: i32, %arg1: i32, %arg2: memref<50000x64xf32, #tpu.memory_space<hbm>>, %arg3: memref<50000x64xf32, #tpu.memory_space<hbm>>, %arg4: memref<800000xi32, #tpu.memory_space<hbm>>, %arg5: memref<800000xi32, #tpu.memory_space<hbm>>, %arg6: memref<800000x64xf32, #tpu.memory_space<hbm>>, %arg7: memref<800000x64xf32, #tpu.memory_space<hbm>>, %arg8: memref<128xi32, #tpu.memory_space<vmem>>, %arg9: memref<128xi32, #tpu.memory_space<vmem>>, %arg10: memref<128x64xf32, #tpu.memory_space<vmem>>, %arg11: memref<128x64xf32, #tpu.memory_space<vmem>>, %arg12: memref<!tpu.dma_semaphore, #tpu.memory_space<semaphore_mem>>, %arg13: memref<!tpu.dma_semaphore, #tpu.memory_space<semaphore_mem>>) attributes {dimension_semantics = [#tpu.dimension_semantics<core_parallel>, #tpu.dimension_semantics<subcore_parallel>], iteration_bounds = array<i64: 2, 16>, scalar_prefetch = 0 : i64, scratch_operands = 6 : i64, tpu.core_type = #tpu.core_type<sc_vector_subcore>, window_params = [{transform_indices = #map}, {transform_indices = #map}, {transform_indices = #map1}, {transform_indices = #map1}, {transform_indices = #map}, {transform_indices = #map}]} {
    %mul3A = arith.constant 2 : i32
    %mul3A_0 = arith.muli %arg1, %mul3A : i32
    %add3A = arith.addi %mul3A_0, %arg0 : i32
    %scan3A = arith.constant 0 : i32
    %scan3A_1 = arith.constant 0 : i32
    %scan3A_2 = arith.constant 195 : i32
    %scan3A_3 = arith.addi %scan3A_1, %scan3A_2 : i32
    %scan3A_4 = arith.constant 1 : i32
    scf.for %scan3A_8 = %scan3A_1 to %scan3A_3 step %scan3A_4  : i32 {
      %mul3A_9 = arith.constant 32 : i32
      %mul3A_10 = arith.muli %scan3A_8, %mul3A_9 : i32
      %add3A_11 = arith.addi %mul3A_10, %add3A : i32
      %mul3A_12 = arith.constant 128 : i32
      %mul3A_13 = arith.muli %add3A_11, %mul3A_12 : i32
      "tpu.region"() ({
        %run_scoped3A = tpu.sem_alloc : memref<!tpu.dma_semaphore, #tpu.memory_space<semaphore_mem>>
        %dma_start3A_24 = tpu.memref_slice %arg4[%mul3A_13] : memref<800000xi32, #tpu.memory_space<hbm>> -> memref<128xi32, #tpu.memory_space<hbm>>
        %dma_start3A_25 = tpu.memref_slice %arg4[%mul3A_13] : memref<800000xi32, #tpu.memory_space<hbm>> -> memref<128xi32, #tpu.memory_space<hbm>>
        tpu.enqueue_dma source(%dma_start3A_25 : memref<128xi32, #tpu.memory_space<hbm>>) target(%arg8 : memref<128xi32, #tpu.memory_space<vmem>>) target_semaphore(%run_scoped3A : memref<!tpu.dma_semaphore, #tpu.memory_space<semaphore_mem>>)
        %dma_wait3A_26 = tpu.memref_slice %arg4[%mul3A_13] : memref<800000xi32, #tpu.memory_space<hbm>> -> memref<128xi32, #tpu.memory_space<hbm>>
        %dma_wait3A_27 = tpu.memref_slice %arg4[%mul3A_13] : memref<800000xi32, #tpu.memory_space<hbm>> -> memref<128xi32, #tpu.memory_space<hbm>>
        tpu.wait_dma2 semaphore(%run_scoped3A : memref<!tpu.dma_semaphore, #tpu.memory_space<semaphore_mem>>) src(%dma_wait3A_27 : memref<128xi32, #tpu.memory_space<hbm>>) dst(%arg8 : memref<128xi32, #tpu.memory_space<vmem>>)
        tpu.yield
      }) : () -> ()
      "tpu.region"() ({
        %run_scoped3A = tpu.sem_alloc : memref<!tpu.dma_semaphore, #tpu.memory_space<semaphore_mem>>
        %dma_start3A_24 = tpu.memref_slice %arg5[%mul3A_13] : memref<800000xi32, #tpu.memory_space<hbm>> -> memref<128xi32, #tpu.memory_space<hbm>>
        %dma_start3A_25 = tpu.memref_slice %arg5[%mul3A_13] : memref<800000xi32, #tpu.memory_space<hbm>> -> memref<128xi32, #tpu.memory_space<hbm>>
        tpu.enqueue_dma source(%dma_start3A_25 : memref<128xi32, #tpu.memory_space<hbm>>) target(%arg9 : memref<128xi32, #tpu.memory_space<vmem>>) target_semaphore(%run_scoped3A : memref<!tpu.dma_semaphore, #tpu.memory_space<semaphore_mem>>)
        %dma_wait3A_26 = tpu.memref_slice %arg5[%mul3A_13] : memref<800000xi32, #tpu.memory_space<hbm>> -> memref<128xi32, #tpu.memory_space<hbm>>
        %dma_wait3A_27 = tpu.memref_slice %arg5[%mul3A_13] : memref<800000xi32, #tpu.memory_space<hbm>> -> memref<128xi32, #tpu.memory_space<hbm>>
        tpu.wait_dma2 semaphore(%run_scoped3A : memref<!tpu.dma_semaphore, #tpu.memory_space<semaphore_mem>>) src(%dma_wait3A_27 : memref<128xi32, #tpu.memory_space<hbm>>) dst(%arg9 : memref<128xi32, #tpu.memory_space<vmem>>)
        tpu.yield
      }) : () -> ()
      %dma_start3A = arith.constant 0 : i32
      %dma_start3A_14 = arith.constant 0 : i32
      %dma_start3A_15 = tpu.memref_slice %arg2[%dma_start3A, %dma_start3A_14] : memref<50000x64xf32, #tpu.memory_space<hbm>> -> memref<50000x64xf32, #tpu.memory_space<hbm>>
      tpu.enqueue_indirect_dma source(%dma_start3A_15 : memref<50000x64xf32, #tpu.memory_space<hbm>>) target(%arg10 : memref<128x64xf32, #tpu.memory_space<vmem>>) offsets(%arg8 : memref<128xi32, #tpu.memory_space<vmem>>) semaphore(%arg12 : memref<!tpu.dma_semaphore, #tpu.memory_space<semaphore_mem>>)
      %dma_start3A_16 = arith.constant 0 : i32
      %dma_start3A_17 = arith.constant 0 : i32
      %dma_start3A_18 = tpu.memref_slice %arg3[%dma_start3A_16, %dma_start3A_17] : memref<50000x64xf32, #tpu.memory_space<hbm>> -> memref<50000x64xf32, #tpu.memory_space<hbm>>
      tpu.enqueue_indirect_dma source(%dma_start3A_18 : memref<50000x64xf32, #tpu.memory_space<hbm>>) target(%arg11 : memref<128x64xf32, #tpu.memory_space<vmem>>) offsets(%arg9 : memref<128xi32, #tpu.memory_space<vmem>>) semaphore(%arg13 : memref<!tpu.dma_semaphore, #tpu.memory_space<semaphore_mem>>)
      %dma_wait3A = arith.constant 0 : i32
      %dma_wait3A_19 = arith.constant 0 : i32
      %dma_wait3A_20 = tpu.memref_slice %arg2[%dma_wait3A, %dma_wait3A_19] : memref<50000x64xf32, #tpu.memory_space<hbm>> -> memref<50000x64xf32, #tpu.memory_space<hbm>>
      tpu.wait_indirect_dma semaphore(%arg12 : memref<!tpu.dma_semaphore, #tpu.memory_space<semaphore_mem>>) src(%dma_wait3A_20 : memref<50000x64xf32, #tpu.memory_space<hbm>>) dst(%arg10 : memref<128x64xf32, #tpu.memory_space<vmem>>)
      %dma_wait3A_21 = arith.constant 0 : i32
      %dma_wait3A_22 = arith.constant 0 : i32
      %dma_wait3A_23 = tpu.memref_slice %arg3[%dma_wait3A_21, %dma_wait3A_22] : memref<50000x64xf32, #tpu.memory_space<hbm>> -> memref<50000x64xf32, #tpu.memory_space<hbm>>
      tpu.wait_indirect_dma semaphore(%arg13 : memref<!tpu.dma_semaphore, #tpu.memory_space<semaphore_mem>>) src(%dma_wait3A_23 : memref<50000x64xf32, #tpu.memory_space<hbm>>) dst(%arg11 : memref<128x64xf32, #tpu.memory_space<vmem>>)
      "tpu.region"() ({
        %run_scoped3A = tpu.sem_alloc : memref<!tpu.dma_semaphore, #tpu.memory_space<semaphore_mem>>
        %dma_start3A_24 = arith.constant 0 : i32
        %dma_start3A_25 = tpu.memref_slice %arg6[%mul3A_13, %dma_start3A_24] : memref<800000x64xf32, #tpu.memory_space<hbm>> -> memref<128x64xf32, #tpu.memory_space<hbm>>
        %dma_start3A_26 = arith.constant 0 : i32
        %dma_start3A_27 = tpu.memref_slice %arg6[%mul3A_13, %dma_start3A_26] : memref<800000x64xf32, #tpu.memory_space<hbm>> -> memref<128x64xf32, #tpu.memory_space<hbm>>
        tpu.enqueue_dma source(%arg10 : memref<128x64xf32, #tpu.memory_space<vmem>>) target(%dma_start3A_27 : memref<128x64xf32, #tpu.memory_space<hbm>>) target_semaphore(%run_scoped3A : memref<!tpu.dma_semaphore, #tpu.memory_space<semaphore_mem>>)
        %dma_wait3A_28 = arith.constant 0 : i32
        %dma_wait3A_29 = tpu.memref_slice %arg6[%mul3A_13, %dma_wait3A_28] : memref<800000x64xf32, #tpu.memory_space<hbm>> -> memref<128x64xf32, #tpu.memory_space<hbm>>
        %dma_wait3A_30 = arith.constant 0 : i32
        %dma_wait3A_31 = tpu.memref_slice %arg6[%mul3A_13, %dma_wait3A_30] : memref<800000x64xf32, #tpu.memory_space<hbm>> -> memref<128x64xf32, #tpu.memory_space<hbm>>
        tpu.wait_dma2 semaphore(%run_scoped3A : memref<!tpu.dma_semaphore, #tpu.memory_space<semaphore_mem>>) src(%arg10 : memref<128x64xf32, #tpu.memory_space<vmem>>) dst(%dma_wait3A_31 : memref<128x64xf32, #tpu.memory_space<hbm>>)
        tpu.yield
      }) : () -> ()
      "tpu.region"() ({
        %run_scoped3A = tpu.sem_alloc : memref<!tpu.dma_semaphore, #tpu.memory_space<semaphore_mem>>
        %dma_start3A_24 = arith.constant 0 : i32
        %dma_start3A_25 = tpu.memref_slice %arg7[%mul3A_13, %dma_start3A_24] : memref<800000x64xf32, #tpu.memory_space<hbm>> -> memref<128x64xf32, #tpu.memory_space<hbm>>
        %dma_start3A_26 = arith.constant 0 : i32
        %dma_start3A_27 = tpu.memref_slice %arg7[%mul3A_13, %dma_start3A_26] : memref<800000x64xf32, #tpu.memory_space<hbm>> -> memref<128x64xf32, #tpu.memory_space<hbm>>
        tpu.enqueue_dma source(%arg11 : memref<128x64xf32, #tpu.memory_space<vmem>>) target(%dma_start3A_27 : memref<128x64xf32, #tpu.memory_space<hbm>>) target_semaphore(%run_scoped3A : memref<!tpu.dma_semaphore, #tpu.memory_space<semaphore_mem>>)
        %dma_wait3A_28 = arith.constant 0 : i32
        %dma_wait3A_29 = tpu.memref_slice %arg7[%mul3A_13, %dma_wait3A_28] : memref<800000x64xf32, #tpu.memory_space<hbm>> -> memref<128x64xf32, #tpu.memory_space<hbm>>
        %dma_wait3A_30 = arith.constant 0 : i32
        %dma_wait3A_31 = tpu.memref_slice %arg7[%mul3A_13, %dma_wait3A_30] : memref<800000x64xf32, #tpu.memory_space<hbm>> -> memref<128x64xf32, #tpu.memory_space<hbm>>
        tpu.wait_dma2 semaphore(%run_scoped3A : memref<!tpu.dma_semaphore, #tpu.memory_space<semaphore_mem>>) src(%arg11 : memref<128x64xf32, #tpu.memory_space<vmem>>) dst(%dma_wait3A_31 : memref<128x64xf32, #tpu.memory_space<hbm>>)
        tpu.yield
      }) : () -> ()
    }
    %scan3A_5 = arith.constant 195 : i32
    %lt3A = arith.constant 10 : i32
    %lt3A_6 = arith.cmpi slt, %add3A, %lt3A : i32
    %convert_element_type3A = arith.extui %lt3A_6 : i1 to i32
    %cond3A = arith.constant 0 : i32
    %cond3A_7 = arith.cmpi ne, %convert_element_type3A, %cond3A : i32
    scf.if %cond3A_7 {
      %add3A_8 = arith.constant 6240 : i32
      %add3A_9 = arith.addi %add3A_8, %add3A : i32
      %mul3A_10 = arith.constant 128 : i32
      %mul3A_11 = arith.muli %add3A_9, %mul3A_10 : i32
      "tpu.region"() ({
        %run_scoped3A = tpu.sem_alloc : memref<!tpu.dma_semaphore, #tpu.memory_space<semaphore_mem>>
        %dma_start3A_22 = tpu.memref_slice %arg4[%mul3A_11] : memref<800000xi32, #tpu.memory_space<hbm>> -> memref<128xi32, #tpu.memory_space<hbm>>
        %dma_start3A_23 = tpu.memref_slice %arg4[%mul3A_11] : memref<800000xi32, #tpu.memory_space<hbm>> -> memref<128xi32, #tpu.memory_space<hbm>>
        tpu.enqueue_dma source(%dma_start3A_23 : memref<128xi32, #tpu.memory_space<hbm>>) target(%arg8 : memref<128xi32, #tpu.memory_space<vmem>>) target_semaphore(%run_scoped3A : memref<!tpu.dma_semaphore, #tpu.memory_space<semaphore_mem>>)
        %dma_wait3A_24 = tpu.memref_slice %arg4[%mul3A_11] : memref<800000xi32, #tpu.memory_space<hbm>> -> memref<128xi32, #tpu.memory_space<hbm>>
        %dma_wait3A_25 = tpu.memref_slice %arg4[%mul3A_11] : memref<800000xi32, #tpu.memory_space<hbm>> -> memref<128xi32, #tpu.memory_space<hbm>>
        tpu.wait_dma2 semaphore(%run_scoped3A : memref<!tpu.dma_semaphore, #tpu.memory_space<semaphore_mem>>) src(%dma_wait3A_25 : memref<128xi32, #tpu.memory_space<hbm>>) dst(%arg8 : memref<128xi32, #tpu.memory_space<vmem>>)
        tpu.yield
      }) : () -> ()
      "tpu.region"() ({
        %run_scoped3A = tpu.sem_alloc : memref<!tpu.dma_semaphore, #tpu.memory_space<semaphore_mem>>
        %dma_start3A_22 = tpu.memref_slice %arg5[%mul3A_11] : memref<800000xi32, #tpu.memory_space<hbm>> -> memref<128xi32, #tpu.memory_space<hbm>>
        %dma_start3A_23 = tpu.memref_slice %arg5[%mul3A_11] : memref<800000xi32, #tpu.memory_space<hbm>> -> memref<128xi32, #tpu.memory_space<hbm>>
        tpu.enqueue_dma source(%dma_start3A_23 : memref<128xi32, #tpu.memory_space<hbm>>) target(%arg9 : memref<128xi32, #tpu.memory_space<vmem>>) target_semaphore(%run_scoped3A : memref<!tpu.dma_semaphore, #tpu.memory_space<semaphore_mem>>)
        %dma_wait3A_24 = tpu.memref_slice %arg5[%mul3A_11] : memref<800000xi32, #tpu.memory_space<hbm>> -> memref<128xi32, #tpu.memory_space<hbm>>
        %dma_wait3A_25 = tpu.memref_slice %arg5[%mul3A_11] : memref<800000xi32, #tpu.memory_space<hbm>> -> memref<128xi32, #tpu.memory_space<hbm>>
        tpu.wait_dma2 semaphore(%run_scoped3A : memref<!tpu.dma_semaphore, #tpu.memory_space<semaphore_mem>>) src(%dma_wait3A_25 : memref<128xi32, #tpu.memory_space<hbm>>) dst(%arg9 : memref<128xi32, #tpu.memory_space<vmem>>)
        tpu.yield
      }) : () -> ()
      %dma_start3A = arith.constant 0 : i32
      %dma_start3A_12 = arith.constant 0 : i32
      %dma_start3A_13 = tpu.memref_slice %arg2[%dma_start3A, %dma_start3A_12] : memref<50000x64xf32, #tpu.memory_space<hbm>> -> memref<50000x64xf32, #tpu.memory_space<hbm>>
      tpu.enqueue_indirect_dma source(%dma_start3A_13 : memref<50000x64xf32, #tpu.memory_space<hbm>>) target(%arg10 : memref<128x64xf32, #tpu.memory_space<vmem>>) offsets(%arg8 : memref<128xi32, #tpu.memory_space<vmem>>) semaphore(%arg12 : memref<!tpu.dma_semaphore, #tpu.memory_space<semaphore_mem>>)
      %dma_start3A_14 = arith.constant 0 : i32
      %dma_start3A_15 = arith.constant 0 : i32
      %dma_start3A_16 = tpu.memref_slice %arg3[%dma_start3A_14, %dma_start3A_15] : memref<50000x64xf32, #tpu.memory_space<hbm>> -> memref<50000x64xf32, #tpu.memory_space<hbm>>
      tpu.enqueue_indirect_dma source(%dma_start3A_16 : memref<50000x64xf32, #tpu.memory_space<hbm>>) target(%arg11 : memref<128x64xf32, #tpu.memory_space<vmem>>) offsets(%arg9 : memref<128xi32, #tpu.memory_space<vmem>>) semaphore(%arg13 : memref<!tpu.dma_semaphore, #tpu.memory_space<semaphore_mem>>)
      %dma_wait3A = arith.constant 0 : i32
      %dma_wait3A_17 = arith.constant 0 : i32
      %dma_wait3A_18 = tpu.memref_slice %arg2[%dma_wait3A, %dma_wait3A_17] : memref<50000x64xf32, #tpu.memory_space<hbm>> -> memref<50000x64xf32, #tpu.memory_space<hbm>>
      tpu.wait_indirect_dma semaphore(%arg12 : memref<!tpu.dma_semaphore, #tpu.memory_space<semaphore_mem>>) src(%dma_wait3A_18 : memref<50000x64xf32, #tpu.memory_space<hbm>>) dst(%arg10 : memref<128x64xf32, #tpu.memory_space<vmem>>)
      %dma_wait3A_19 = arith.constant 0 : i32
      %dma_wait3A_20 = arith.constant 0 : i32
      %dma_wait3A_21 = tpu.memref_slice %arg3[%dma_wait3A_19, %dma_wait3A_20] : memref<50000x64xf32, #tpu.memory_space<hbm>> -> memref<50000x64xf32, #tpu.memory_space<hbm>>
      tpu.wait_indirect_dma semaphore(%arg13 : memref<!tpu.dma_semaphore, #tpu.memory_space<semaphore_mem>>) src(%dma_wait3A_21 : memref<50000x64xf32, #tpu.memory_space<hbm>>) dst(%arg11 : memref<128x64xf32, #tpu.memory_space<vmem>>)
      "tpu.region"() ({
        %run_scoped3A = tpu.sem_alloc : memref<!tpu.dma_semaphore, #tpu.memory_space<semaphore_mem>>
        %dma_start3A_22 = arith.constant 0 : i32
        %dma_start3A_23 = tpu.memref_slice %arg6[%mul3A_11, %dma_start3A_22] : memref<800000x64xf32, #tpu.memory_space<hbm>> -> memref<128x64xf32, #tpu.memory_space<hbm>>
        %dma_start3A_24 = arith.constant 0 : i32
        %dma_start3A_25 = tpu.memref_slice %arg6[%mul3A_11, %dma_start3A_24] : memref<800000x64xf32, #tpu.memory_space<hbm>> -> memref<128x64xf32, #tpu.memory_space<hbm>>
        tpu.enqueue_dma source(%arg10 : memref<128x64xf32, #tpu.memory_space<vmem>>) target(%dma_start3A_25 : memref<128x64xf32, #tpu.memory_space<hbm>>) target_semaphore(%run_scoped3A : memref<!tpu.dma_semaphore, #tpu.memory_space<semaphore_mem>>)
        %dma_wait3A_26 = arith.constant 0 : i32
        %dma_wait3A_27 = tpu.memref_slice %arg6[%mul3A_11, %dma_wait3A_26] : memref<800000x64xf32, #tpu.memory_space<hbm>> -> memref<128x64xf32, #tpu.memory_space<hbm>>
        %dma_wait3A_28 = arith.constant 0 : i32
        %dma_wait3A_29 = tpu.memref_slice %arg6[%mul3A_11, %dma_wait3A_28] : memref<800000x64xf32, #tpu.memory_space<hbm>> -> memref<128x64xf32, #tpu.memory_space<hbm>>
        tpu.wait_dma2 semaphore(%run_scoped3A : memref<!tpu.dma_semaphore, #tpu.memory_space<semaphore_mem>>) src(%arg10 : memref<128x64xf32, #tpu.memory_space<vmem>>) dst(%dma_wait3A_29 : memref<128x64xf32, #tpu.memory_space<hbm>>)
        tpu.yield
      }) : () -> ()
      "tpu.region"() ({
        %run_scoped3A = tpu.sem_alloc : memref<!tpu.dma_semaphore, #tpu.memory_space<semaphore_mem>>
        %dma_start3A_22 = arith.constant 0 : i32
        %dma_start3A_23 = tpu.memref_slice %arg7[%mul3A_11, %dma_start3A_22] : memref<800000x64xf32, #tpu.memory_space<hbm>> -> memref<128x64xf32, #tpu.memory_space<hbm>>
        %dma_start3A_24 = arith.constant 0 : i32
        %dma_start3A_25 = tpu.memref_slice %arg7[%mul3A_11, %dma_start3A_24] : memref<800000x64xf32, #tpu.memory_space<hbm>> -> memref<128x64xf32, #tpu.memory_space<hbm>>
        tpu.enqueue_dma source(%arg11 : memref<128x64xf32, #tpu.memory_space<vmem>>) target(%dma_start3A_25 : memref<128x64xf32, #tpu.memory_space<hbm>>) target_semaphore(%run_scoped3A : memref<!tpu.dma_semaphore, #tpu.memory_space<semaphore_mem>>)
        %dma_wait3A_26 = arith.constant 0 : i32
        %dma_wait3A_27 = tpu.memref_slice %arg7[%mul3A_11, %dma_wait3A_26] : memref<800000x64xf32, #tpu.memory_space<hbm>> -> memref<128x64xf32, #tpu.memory_space<hbm>>
        %dma_wait3A_28 = arith.constant 0 : i32
        %dma_wait3A_29 = tpu.memref_slice %arg7[%mul3A_11, %dma_wait3A_28] : memref<800000x64xf32, #tpu.memory_space<hbm>> -> memref<128x64xf32, #tpu.memory_space<hbm>>
        tpu.wait_dma2 semaphore(%run_scoped3A : memref<!tpu.dma_semaphore, #tpu.memory_space<semaphore_mem>>) src(%arg11 : memref<128x64xf32, #tpu.memory_space<vmem>>) dst(%dma_wait3A_29 : memref<128x64xf32, #tpu.memory_space<hbm>>)
        tpu.yield
      }) : () -> ()
    } else {
    }
    return
  }
}

#map = affine_map<(d0, d1) -> (0, 0)>
#map1 = affine_map<(d0, d1) -> (0)>
module attributes {stable_mosaic.version = 14 : i64} {
  func.func @k(%arg0: i32, %arg1: i32, %arg2: memref<800000x80xf32, #tpu.memory_space<hbm>>, %arg3: memref<800000xi32, #tpu.memory_space<hbm>>, %arg4: memref<1563x80xf32, #tpu.memory_space<hbm>>, %arg5: memref<50016x80xf32, #tpu.memory_space<hbm>>, %arg6: memref<25008x80xf32, #tpu.memory_space<vmem_shared>>, %arg7: memref<64xi32, #tpu.memory_space<vmem>>, %arg8: memref<64x80xf32, #tpu.memory_space<vmem>>, %arg9: memref<!tpu.dma_semaphore, #tpu.memory_space<semaphore_mem>>) attributes {dimension_semantics = [#tpu.dimension_semantics<core_parallel>, #tpu.dimension_semantics<subcore_parallel>], iteration_bounds = array<i64: 2, 16>, scalar_prefetch = 0 : i64, scratch_operands = 4 : i64, tpu.core_type = #tpu.core_type<sc_vector_subcore>, window_params = [{transform_indices = #map}, {transform_indices = #map1}, {transform_indices = #map}, {transform_indices = #map}]} {
    %mul3A = arith.constant 25000 : i32
    %mul3A_0 = arith.muli %arg0, %mul3A : i32
    %mul3A_1 = arith.constant 1563 : i32
    %mul3A_2 = arith.muli %arg1, %mul3A_1 : i32
    "tpu.region"() ({
      %run_scoped3A = tpu.sem_alloc : memref<!tpu.dma_semaphore, #tpu.memory_space<semaphore_mem>>
      %dma_start3A = arith.constant 0 : i32
      %dma_start3A_28 = tpu.memref_slice %arg6[%mul3A_2, %dma_start3A] : memref<25008x80xf32, #tpu.memory_space<vmem_shared>> -> memref<1563x80xf32, #tpu.memory_space<vmem_shared>>
      tpu.enqueue_dma source(%arg4 : memref<1563x80xf32, #tpu.memory_space<hbm>>) target(%dma_start3A_28 : memref<1563x80xf32, #tpu.memory_space<vmem_shared>>) target_semaphore(%run_scoped3A : memref<!tpu.dma_semaphore, #tpu.memory_space<semaphore_mem>>)
      %dma_wait3A = arith.constant 0 : i32
      %dma_wait3A_29 = tpu.memref_slice %arg6[%mul3A_2, %dma_wait3A] : memref<25008x80xf32, #tpu.memory_space<vmem_shared>> -> memref<1563x80xf32, #tpu.memory_space<vmem_shared>>
      tpu.wait_dma2 semaphore(%run_scoped3A : memref<!tpu.dma_semaphore, #tpu.memory_space<semaphore_mem>>) src(%arg4 : memref<1563x80xf32, #tpu.memory_space<hbm>>) dst(%dma_wait3A_29 : memref<1563x80xf32, #tpu.memory_space<vmem_shared>>)
      tpu.yield
    }) : () -> ()
    %barrier3A = arith.constant 0 : index
    tpu.barrier barrier_id(%barrier3A)
    %scan3A = arith.constant 0 : i32
    %scan3A_3 = arith.constant 0 : i32
    %scan3A_4 = arith.constant 781 : i32
    %scan3A_5 = arith.addi %scan3A_3, %scan3A_4 : i32
    %scan3A_6 = arith.constant 1 : i32
    scf.for %scan3A_28 = %scan3A_3 to %scan3A_5 step %scan3A_6  : i32 {
      %mul3A_29 = arith.constant 50000 : i32
      %mul3A_30 = arith.muli %arg1, %mul3A_29 : i32
      %mul3A_31 = arith.constant 64 : i32
      %mul3A_32 = arith.muli %scan3A_28, %mul3A_31 : i32
      %add3A_33 = arith.addi %mul3A_30, %mul3A_32 : i32
      "tpu.region"() ({
        %run_scoped3A = tpu.sem_alloc : memref<!tpu.dma_semaphore, #tpu.memory_space<semaphore_mem>>
        %dma_start3A_140 = tpu.memref_slice %arg3[%add3A_33] : memref<800000xi32, #tpu.memory_space<hbm>> -> memref<64xi32, #tpu.memory_space<hbm>>
        %dma_start3A_141 = tpu.memref_slice %arg3[%add3A_33] : memref<800000xi32, #tpu.memory_space<hbm>> -> memref<64xi32, #tpu.memory_space<hbm>>
        tpu.enqueue_dma source(%dma_start3A_141 : memref<64xi32, #tpu.memory_space<hbm>>) target(%arg7 : memref<64xi32, #tpu.memory_space<vmem>>) target_semaphore(%run_scoped3A : memref<!tpu.dma_semaphore, #tpu.memory_space<semaphore_mem>>)
        %dma_wait3A_142 = tpu.memref_slice %arg3[%add3A_33] : memref<800000xi32, #tpu.memory_space<hbm>> -> memref<64xi32, #tpu.memory_space<hbm>>
        %dma_wait3A_143 = tpu.memref_slice %arg3[%add3A_33] : memref<800000xi32, #tpu.memory_space<hbm>> -> memref<64xi32, #tpu.memory_space<hbm>>
        tpu.wait_dma2 semaphore(%run_scoped3A : memref<!tpu.dma_semaphore, #tpu.memory_space<semaphore_mem>>) src(%dma_wait3A_143 : memref<64xi32, #tpu.memory_space<hbm>>) dst(%arg7 : memref<64xi32, #tpu.memory_space<vmem>>)
        tpu.yield
      }) : () -> ()
      "tpu.region"() ({
        %run_scoped3A = tpu.sem_alloc : memref<!tpu.dma_semaphore, #tpu.memory_space<semaphore_mem>>
        %dma_start3A_140 = arith.constant 0 : i32
        %dma_start3A_141 = tpu.memref_slice %arg2[%add3A_33, %dma_start3A_140] : memref<800000x80xf32, #tpu.memory_space<hbm>> -> memref<64x80xf32, #tpu.memory_space<hbm>>
        %dma_start3A_142 = arith.constant 0 : i32
        %dma_start3A_143 = tpu.memref_slice %arg2[%add3A_33, %dma_start3A_142] : memref<800000x80xf32, #tpu.memory_space<hbm>> -> memref<64x80xf32, #tpu.memory_space<hbm>>
        tpu.enqueue_dma source(%dma_start3A_143 : memref<64x80xf32, #tpu.memory_space<hbm>>) target(%arg8 : memref<64x80xf32, #tpu.memory_space<vmem>>) target_semaphore(%run_scoped3A : memref<!tpu.dma_semaphore, #tpu.memory_space<semaphore_mem>>)
        %dma_wait3A_144 = arith.constant 0 : i32
        %dma_wait3A_145 = tpu.memref_slice %arg2[%add3A_33, %dma_wait3A_144] : memref<800000x80xf32, #tpu.memory_space<hbm>> -> memref<64x80xf32, #tpu.memory_space<hbm>>
        %dma_wait3A_146 = arith.constant 0 : i32
        %dma_wait3A_147 = tpu.memref_slice %arg2[%add3A_33, %dma_wait3A_146] : memref<800000x80xf32, #tpu.memory_space<hbm>> -> memref<64x80xf32, #tpu.memory_space<hbm>>
        tpu.wait_dma2 semaphore(%run_scoped3A : memref<!tpu.dma_semaphore, #tpu.memory_space<semaphore_mem>>) src(%dma_wait3A_147 : memref<64x80xf32, #tpu.memory_space<hbm>>) dst(%arg8 : memref<64x80xf32, #tpu.memory_space<vmem>>)
        tpu.yield
      }) : () -> ()
      %get3A_34 = arith.constant 0 : index
      %get3A_35 = tpu.vector_load %arg7[%get3A_34] {strides = array<i32>} : memref<64xi32, #tpu.memory_space<vmem>>, vector<16xi32>,
      %get3A_36 = vector.shape_cast %get3A_35 : vector<16xi32> to vector<16xi32>
      %sub3A_37 = vector.broadcast %mul3A_0 : i32 to vector<16xi32>
      %sub3A_38 = arith.subi %get3A_36, %sub3A_37 : vector<16xi32>
      %ge3A_39 = arith.constant 0 : i32
      %ge3A_40 = vector.broadcast %ge3A_39 : i32 to vector<16xi32>
      %ge3A_41 = arith.cmpi sge, %sub3A_38, %ge3A_40 : vector<16xi32>
      %lt3A_42 = arith.constant 25000 : i32
      %lt3A_43 = vector.broadcast %lt3A_42 : i32 to vector<16xi32>
      %lt3A_44 = arith.cmpi slt, %sub3A_38, %lt3A_43 : vector<16xi32>
      %and3A_45 = arith.andi %ge3A_41, %lt3A_44 : vector<16xi1>
      %jit3A_46 = arith.constant 25000 : i32
      %broadcast_in_dim3A_47 = vector.broadcast %jit3A_46 : i32 to vector<16xi32>
      %select_n3A_48 = arith.select %and3A_45, %sub3A_38, %broadcast_in_dim3A_47 : vector<16xi1>, vector<16xi32>
      %dma_start3A = arith.constant 0 : i32
      %dma_start3A_49 = arith.constant 0 : i32
      %dma_start3A_50 = tpu.memref_slice %arg8[%dma_start3A, %dma_start3A_49] : memref<64x80xf32, #tpu.memory_space<vmem>> -> memref<16x80xf32, #tpu.memory_space<vmem>>
      %dma_start3A_51 = arith.constant 0 : i32
      %dma_start3A_52 = arith.constant 0 : i32
      %dma_start3A_53 = tpu.memref_slice %arg6[%dma_start3A_51, %dma_start3A_52] : memref<25008x80xf32, #tpu.memory_space<vmem_shared>> -> memref<25008x80xf32, #tpu.memory_space<vmem_shared>>
      tpu.enqueue_indirect_dma source(%dma_start3A_50 : memref<16x80xf32, #tpu.memory_space<vmem>>) target(%dma_start3A_53 : memref<25008x80xf32, #tpu.memory_space<vmem_shared>>) offsets(%select_n3A_48 : vector<16xi32>) semaphore(%arg9 : memref<!tpu.dma_semaphore, #tpu.memory_space<semaphore_mem>>) {add = true}
      %get3A_54 = arith.constant 16 : index
      %get3A_55 = tpu.vector_load %arg7[%get3A_54] {strides = array<i32>} : memref<64xi32, #tpu.memory_space<vmem>>, vector<16xi32>,
      %get3A_56 = vector.shape_cast %get3A_55 : vector<16xi32> to vector<16xi32>
      %sub3A_57 = vector.broadcast %mul3A_0 : i32 to vector<16xi32>
      %sub3A_58 = arith.subi %get3A_56, %sub3A_57 : vector<16xi32>
      %ge3A_59 = arith.constant 0 : i32
      %ge3A_60 = vector.broadcast %ge3A_59 : i32 to vector<16xi32>
      %ge3A_61 = arith.cmpi sge, %sub3A_58, %ge3A_60 : vector<16xi32>
      %lt3A_62 = arith.constant 25000 : i32
      %lt3A_63 = vector.broadcast %lt3A_62 : i32 to vector<16xi32>
      %lt3A_64 = arith.cmpi slt, %sub3A_58, %lt3A_63 : vector<16xi32>
      %and3A_65 = arith.andi %ge3A_61, %lt3A_64 : vector<16xi1>
      %jit3A_66 = arith.constant 25000 : i32
      %broadcast_in_dim3A_67 = vector.broadcast %jit3A_66 : i32 to vector<16xi32>
      %select_n3A_68 = arith.select %and3A_65, %sub3A_58, %broadcast_in_dim3A_67 : vector<16xi1>, vector<16xi32>
      %dma_start3A_69 = arith.constant 16 : i32
      %dma_start3A_70 = arith.constant 0 : i32
      %dma_start3A_71 = tpu.memref_slice %arg8[%dma_start3A_69, %dma_start3A_70] : memref<64x80xf32, #tpu.memory_space<vmem>> -> memref<16x80xf32, #tpu.memory_space<vmem>>
      %dma_start3A_72 = arith.constant 0 : i32
      %dma_start3A_73 = arith.constant 0 : i32
      %dma_start3A_74 = tpu.memref_slice %arg6[%dma_start3A_72, %dma_start3A_73] : memref<25008x80xf32, #tpu.memory_space<vmem_shared>> -> memref<25008x80xf32, #tpu.memory_space<vmem_shared>>
      tpu.enqueue_indirect_dma source(%dma_start3A_71 : memref<16x80xf32, #tpu.memory_space<vmem>>) target(%dma_start3A_74 : memref<25008x80xf32, #tpu.memory_space<vmem_shared>>) offsets(%select_n3A_68 : vector<16xi32>) semaphore(%arg9 : memref<!tpu.dma_semaphore, #tpu.memory_space<semaphore_mem>>) {add = true}
      %get3A_75 = arith.constant 32 : index
      %get3A_76 = tpu.vector_load %arg7[%get3A_75] {strides = array<i32>} : memref<64xi32, #tpu.memory_space<vmem>>, vector<16xi32>,
      %get3A_77 = vector.shape_cast %get3A_76 : vector<16xi32> to vector<16xi32>
      %sub3A_78 = vector.broadcast %mul3A_0 : i32 to vector<16xi32>
      %sub3A_79 = arith.subi %get3A_77, %sub3A_78 : vector<16xi32>
      %ge3A_80 = arith.constant 0 : i32
      %ge3A_81 = vector.broadcast %ge3A_80 : i32 to vector<16xi32>
      %ge3A_82 = arith.cmpi sge, %sub3A_79, %ge3A_81 : vector<16xi32>
      %lt3A_83 = arith.constant 25000 : i32
      %lt3A_84 = vector.broadcast %lt3A_83 : i32 to vector<16xi32>
      %lt3A_85 = arith.cmpi slt, %sub3A_79, %lt3A_84 : vector<16xi32>
      %and3A_86 = arith.andi %ge3A_82, %lt3A_85 : vector<16xi1>
      %jit3A_87 = arith.constant 25000 : i32
      %broadcast_in_dim3A_88 = vector.broadcast %jit3A_87 : i32 to vector<16xi32>
      %select_n3A_89 = arith.select %and3A_86, %sub3A_79, %broadcast_in_dim3A_88 : vector<16xi1>, vector<16xi32>
      %dma_start3A_90 = arith.constant 32 : i32
      %dma_start3A_91 = arith.constant 0 : i32
      %dma_start3A_92 = tpu.memref_slice %arg8[%dma_start3A_90, %dma_start3A_91] : memref<64x80xf32, #tpu.memory_space<vmem>> -> memref<16x80xf32, #tpu.memory_space<vmem>>
      %dma_start3A_93 = arith.constant 0 : i32
      %dma_start3A_94 = arith.constant 0 : i32
      %dma_start3A_95 = tpu.memref_slice %arg6[%dma_start3A_93, %dma_start3A_94] : memref<25008x80xf32, #tpu.memory_space<vmem_shared>> -> memref<25008x80xf32, #tpu.memory_space<vmem_shared>>
      tpu.enqueue_indirect_dma source(%dma_start3A_92 : memref<16x80xf32, #tpu.memory_space<vmem>>) target(%dma_start3A_95 : memref<25008x80xf32, #tpu.memory_space<vmem_shared>>) offsets(%select_n3A_89 : vector<16xi32>) semaphore(%arg9 : memref<!tpu.dma_semaphore, #tpu.memory_space<semaphore_mem>>) {add = true}
      %get3A_96 = arith.constant 48 : index
      %get3A_97 = tpu.vector_load %arg7[%get3A_96] {strides = array<i32>} : memref<64xi32, #tpu.memory_space<vmem>>, vector<16xi32>,
      %get3A_98 = vector.shape_cast %get3A_97 : vector<16xi32> to vector<16xi32>
      %sub3A_99 = vector.broadcast %mul3A_0 : i32 to vector<16xi32>
      %sub3A_100 = arith.subi %get3A_98, %sub3A_99 : vector<16xi32>
      %ge3A_101 = arith.constant 0 : i32
      %ge3A_102 = vector.broadcast %ge3A_101 : i32 to vector<16xi32>
      %ge3A_103 = arith.cmpi sge, %sub3A_100, %ge3A_102 : vector<16xi32>
      %lt3A_104 = arith.constant 25000 : i32
      %lt3A_105 = vector.broadcast %lt3A_104 : i32 to vector<16xi32>
      %lt3A_106 = arith.cmpi slt, %sub3A_100, %lt3A_105 : vector<16xi32>
      %and3A_107 = arith.andi %ge3A_103, %lt3A_106 : vector<16xi1>
      %jit3A_108 = arith.constant 25000 : i32
      %broadcast_in_dim3A_109 = vector.broadcast %jit3A_108 : i32 to vector<16xi32>
      %select_n3A_110 = arith.select %and3A_107, %sub3A_100, %broadcast_in_dim3A_109 : vector<16xi1>, vector<16xi32>
      %dma_start3A_111 = arith.constant 48 : i32
      %dma_start3A_112 = arith.constant 0 : i32
      %dma_start3A_113 = tpu.memref_slice %arg8[%dma_start3A_111, %dma_start3A_112] : memref<64x80xf32, #tpu.memory_space<vmem>> -> memref<16x80xf32, #tpu.memory_space<vmem>>
      %dma_start3A_114 = arith.constant 0 : i32
      %dma_start3A_115 = arith.constant 0 : i32
      %dma_start3A_116 = tpu.memref_slice %arg6[%dma_start3A_114, %dma_start3A_115] : memref<25008x80xf32, #tpu.memory_space<vmem_shared>> -> memref<25008x80xf32, #tpu.memory_space<vmem_shared>>
      tpu.enqueue_indirect_dma source(%dma_start3A_113 : memref<16x80xf32, #tpu.memory_space<vmem>>) target(%dma_start3A_116 : memref<25008x80xf32, #tpu.memory_space<vmem_shared>>) offsets(%select_n3A_110 : vector<16xi32>) semaphore(%arg9 : memref<!tpu.dma_semaphore, #tpu.memory_space<semaphore_mem>>) {add = true}
      %dma_wait3A = arith.constant 0 : i32
      %dma_wait3A_117 = arith.constant 0 : i32
      %dma_wait3A_118 = tpu.memref_slice %arg8[%dma_wait3A, %dma_wait3A_117] : memref<64x80xf32, #tpu.memory_space<vmem>> -> memref<16x80xf32, #tpu.memory_space<vmem>>
      %dma_wait3A_119 = arith.constant 0 : i32
      %dma_wait3A_120 = arith.constant 0 : i32
      %dma_wait3A_121 = tpu.memref_slice %arg6[%dma_wait3A_119, %dma_wait3A_120] : memref<25008x80xf32, #tpu.memory_space<vmem_shared>> -> memref<25008x80xf32, #tpu.memory_space<vmem_shared>>
      tpu.wait_indirect_dma semaphore(%arg9 : memref<!tpu.dma_semaphore, #tpu.memory_space<semaphore_mem>>) src(%dma_wait3A_118 : memref<16x80xf32, #tpu.memory_space<vmem>>) dst(%dma_wait3A_121 : memref<25008x80xf32, #tpu.memory_space<vmem_shared>>)
      %dma_wait3A_122 = arith.constant 16 : i32
      %dma_wait3A_123 = arith.constant 0 : i32
      %dma_wait3A_124 = tpu.memref_slice %arg8[%dma_wait3A_122, %dma_wait3A_123] : memref<64x80xf32, #tpu.memory_space<vmem>> -> memref<16x80xf32, #tpu.memory_space<vmem>>
      %dma_wait3A_125 = arith.constant 0 : i32
      %dma_wait3A_126 = arith.constant 0 : i32
      %dma_wait3A_127 = tpu.memref_slice %arg6[%dma_wait3A_125, %dma_wait3A_126] : memref<25008x80xf32, #tpu.memory_space<vmem_shared>> -> memref<25008x80xf32, #tpu.memory_space<vmem_shared>>
      tpu.wait_indirect_dma semaphore(%arg9 : memref<!tpu.dma_semaphore, #tpu.memory_space<semaphore_mem>>) src(%dma_wait3A_124 : memref<16x80xf32, #tpu.memory_space<vmem>>) dst(%dma_wait3A_127 : memref<25008x80xf32, #tpu.memory_space<vmem_shared>>)
      %dma_wait3A_128 = arith.constant 32 : i32
      %dma_wait3A_129 = arith.constant 0 : i32
      %dma_wait3A_130 = tpu.memref_slice %arg8[%dma_wait3A_128, %dma_wait3A_129] : memref<64x80xf32, #tpu.memory_space<vmem>> -> memref<16x80xf32, #tpu.memory_space<vmem>>
      %dma_wait3A_131 = arith.constant 0 : i32
      %dma_wait3A_132 = arith.constant 0 : i32
      %dma_wait3A_133 = tpu.memref_slice %arg6[%dma_wait3A_131, %dma_wait3A_132] : memref<25008x80xf32, #tpu.memory_space<vmem_shared>> -> memref<25008x80xf32, #tpu.memory_space<vmem_shared>>
      tpu.wait_indirect_dma semaphore(%arg9 : memref<!tpu.dma_semaphore, #tpu.memory_space<semaphore_mem>>) src(%dma_wait3A_130 : memref<16x80xf32, #tpu.memory_space<vmem>>) dst(%dma_wait3A_133 : memref<25008x80xf32, #tpu.memory_space<vmem_shared>>)
      %dma_wait3A_134 = arith.constant 48 : i32
      %dma_wait3A_135 = arith.constant 0 : i32
      %dma_wait3A_136 = tpu.memref_slice %arg8[%dma_wait3A_134, %dma_wait3A_135] : memref<64x80xf32, #tpu.memory_space<vmem>> -> memref<16x80xf32, #tpu.memory_space<vmem>>
      %dma_wait3A_137 = arith.constant 0 : i32
      %dma_wait3A_138 = arith.constant 0 : i32
      %dma_wait3A_139 = tpu.memref_slice %arg6[%dma_wait3A_137, %dma_wait3A_138] : memref<25008x80xf32, #tpu.memory_space<vmem_shared>> -> memref<25008x80xf32, #tpu.memory_space<vmem_shared>>
      tpu.wait_indirect_dma semaphore(%arg9 : memref<!tpu.dma_semaphore, #tpu.memory_space<semaphore_mem>>) src(%dma_wait3A_136 : memref<16x80xf32, #tpu.memory_space<vmem>>) dst(%dma_wait3A_139 : memref<25008x80xf32, #tpu.memory_space<vmem_shared>>)
    }
    %scan3A_7 = arith.constant 781 : i32
    %mul3A_8 = arith.constant 50000 : i32
    %mul3A_9 = arith.muli %arg1, %mul3A_8 : i32
    %add3A = arith.constant 49984 : i32
    %add3A_10 = arith.addi %mul3A_9, %add3A : i32
    %add3A_11 = arith.constant 0 : i32
    %add3A_12 = arith.addi %add3A_10, %add3A_11 : i32
    "tpu.region"() ({
      %run_scoped3A = tpu.sem_alloc : memref<!tpu.dma_semaphore, #tpu.memory_space<semaphore_mem>>
      %dma_start3A = arith.constant 0 : i32
      %dma_start3A_28 = tpu.memref_slice %arg7[%dma_start3A] : memref<64xi32, #tpu.memory_space<vmem>> -> memref<16xi32, #tpu.memory_space<vmem>>
      %dma_start3A_29 = tpu.memref_slice %arg3[%add3A_12] : memref<800000xi32, #tpu.memory_space<hbm>> -> memref<16xi32, #tpu.memory_space<hbm>>
      %dma_start3A_30 = arith.constant 0 : i32
      %dma_start3A_31 = tpu.memref_slice %arg7[%dma_start3A_30] : memref<64xi32, #tpu.memory_space<vmem>> -> memref<16xi32, #tpu.memory_space<vmem>>
      %dma_start3A_32 = tpu.memref_slice %arg3[%add3A_12] : memref<800000xi32, #tpu.memory_space<hbm>> -> memref<16xi32, #tpu.memory_space<hbm>>
      tpu.enqueue_dma source(%dma_start3A_32 : memref<16xi32, #tpu.memory_space<hbm>>) target(%dma_start3A_31 : memref<16xi32, #tpu.memory_space<vmem>>) target_semaphore(%run_scoped3A : memref<!tpu.dma_semaphore, #tpu.memory_space<semaphore_mem>>)
      %dma_wait3A = arith.constant 0 : i32
      %dma_wait3A_33 = tpu.memref_slice %arg7[%dma_wait3A] : memref<64xi32, #tpu.memory_space<vmem>> -> memref<16xi32, #tpu.memory_space<vmem>>
      %dma_wait3A_34 = tpu.memref_slice %arg3[%add3A_12] : memref<800000xi32, #tpu.memory_space<hbm>> -> memref<16xi32, #tpu.memory_space<hbm>>
      %dma_wait3A_35 = arith.constant 0 : i32
      %dma_wait3A_36 = tpu.memref_slice %arg7[%dma_wait3A_35] : memref<64xi32, #tpu.memory_space<vmem>> -> memref<16xi32, #tpu.memory_space<vmem>>
      %dma_wait3A_37 = tpu.memref_slice %arg3[%add3A_12] : memref<800000xi32, #tpu.memory_space<hbm>> -> memref<16xi32, #tpu.memory_space<hbm>>
      tpu.wait_dma2 semaphore(%run_scoped3A : memref<!tpu.dma_semaphore, #tpu.memory_space<semaphore_mem>>) src(%dma_wait3A_37 : memref<16xi32, #tpu.memory_space<hbm>>) dst(%dma_wait3A_36 : memref<16xi32, #tpu.memory_space<vmem>>)
      tpu.yield
    }) : () -> ()
    "tpu.region"() ({
      %run_scoped3A = tpu.sem_alloc : memref<!tpu.dma_semaphore, #tpu.memory_space<semaphore_mem>>
      %dma_start3A = arith.constant 0 : i32
      %dma_start3A_28 = arith.constant 0 : i32
      %dma_start3A_29 = tpu.memref_slice %arg8[%dma_start3A, %dma_start3A_28] : memref<64x80xf32, #tpu.memory_space<vmem>> -> memref<16x80xf32, #tpu.memory_space<vmem>>
      %dma_start3A_30 = arith.constant 0 : i32
      %dma_start3A_31 = tpu.memref_slice %arg2[%add3A_12, %dma_start3A_30] : memref<800000x80xf32, #tpu.memory_space<hbm>> -> memref<16x80xf32, #tpu.memory_space<hbm>>
      %dma_start3A_32 = arith.constant 0 : i32
      %dma_start3A_33 = arith.constant 0 : i32
      %dma_start3A_34 = tpu.memref_slice %arg8[%dma_start3A_32, %dma_start3A_33] : memref<64x80xf32, #tpu.memory_space<vmem>> -> memref<16x80xf32, #tpu.memory_space<vmem>>
      %dma_start3A_35 = arith.constant 0 : i32
      %dma_start3A_36 = tpu.memref_slice %arg2[%add3A_12, %dma_start3A_35] : memref<800000x80xf32, #tpu.memory_space<hbm>> -> memref<16x80xf32, #tpu.memory_space<hbm>>
      tpu.enqueue_dma source(%dma_start3A_36 : memref<16x80xf32, #tpu.memory_space<hbm>>) target(%dma_start3A_34 : memref<16x80xf32, #tpu.memory_space<vmem>>) target_semaphore(%run_scoped3A : memref<!tpu.dma_semaphore, #tpu.memory_space<semaphore_mem>>)
      %dma_wait3A = arith.constant 0 : i32
      %dma_wait3A_37 = arith.constant 0 : i32
      %dma_wait3A_38 = tpu.memref_slice %arg8[%dma_wait3A, %dma_wait3A_37] : memref<64x80xf32, #tpu.memory_space<vmem>> -> memref<16x80xf32, #tpu.memory_space<vmem>>
      %dma_wait3A_39 = arith.constant 0 : i32
      %dma_wait3A_40 = tpu.memref_slice %arg2[%add3A_12, %dma_wait3A_39] : memref<800000x80xf32, #tpu.memory_space<hbm>> -> memref<16x80xf32, #tpu.memory_space<hbm>>
      %dma_wait3A_41 = arith.constant 0 : i32
      %dma_wait3A_42 = arith.constant 0 : i32
      %dma_wait3A_43 = tpu.memref_slice %arg8[%dma_wait3A_41, %dma_wait3A_42] : memref<64x80xf32, #tpu.memory_space<vmem>> -> memref<16x80xf32, #tpu.memory_space<vmem>>
      %dma_wait3A_44 = arith.constant 0 : i32
      %dma_wait3A_45 = tpu.memref_slice %arg2[%add3A_12, %dma_wait3A_44] : memref<800000x80xf32, #tpu.memory_space<hbm>> -> memref<16x80xf32, #tpu.memory_space<hbm>>
      tpu.wait_dma2 semaphore(%run_scoped3A : memref<!tpu.dma_semaphore, #tpu.memory_space<semaphore_mem>>) src(%dma_wait3A_45 : memref<16x80xf32, #tpu.memory_space<hbm>>) dst(%dma_wait3A_43 : memref<16x80xf32, #tpu.memory_space<vmem>>)
      tpu.yield
    }) : () -> ()
    %get3A = arith.constant 0 : index
    %get3A_13 = tpu.vector_load %arg7[%get3A] {strides = array<i32>} : memref<64xi32, #tpu.memory_space<vmem>>, vector<16xi32>,
    %get3A_14 = vector.shape_cast %get3A_13 : vector<16xi32> to vector<16xi32>
    %sub3A = vector.broadcast %mul3A_0 : i32 to vector<16xi32>
    %sub3A_15 = arith.subi %get3A_14, %sub3A : vector<16xi32>
    %ge3A = arith.constant 0 : i32
    %ge3A_16 = vector.broadcast %ge3A : i32 to vector<16xi32>
    %ge3A_17 = arith.cmpi sge, %sub3A_15, %ge3A_16 : vector<16xi32>
    %lt3A = arith.constant 25000 : i32
    %lt3A_18 = vector.broadcast %lt3A : i32 to vector<16xi32>
    %lt3A_19 = arith.cmpi slt, %sub3A_15, %lt3A_18 : vector<16xi32>
    %and3A = arith.andi %ge3A_17, %lt3A_19 : vector<16xi1>
    %jit3A = arith.constant 25000 : i32
    %broadcast_in_dim3A = vector.broadcast %jit3A : i32 to vector<16xi32>
    %select_n3A = arith.select %and3A, %sub3A_15, %broadcast_in_dim3A : vector<16xi1>, vector<16xi32>
    "tpu.region"() ({
      %run_scoped3A = tpu.sem_alloc : memref<!tpu.dma_semaphore, #tpu.memory_space<semaphore_mem>>
      %dma_start3A = arith.constant 0 : i32
      %dma_start3A_28 = arith.constant 0 : i32
      %dma_start3A_29 = tpu.memref_slice %arg8[%dma_start3A, %dma_start3A_28] : memref<64x80xf32, #tpu.memory_space<vmem>> -> memref<16x80xf32, #tpu.memory_space<vmem>>
      %dma_start3A_30 = arith.constant 0 : i32
      %dma_start3A_31 = arith.constant 0 : i32
      %dma_start3A_32 = tpu.memref_slice %arg6[%dma_start3A_30, %dma_start3A_31] : memref<25008x80xf32, #tpu.memory_space<vmem_shared>> -> memref<25008x80xf32, #tpu.memory_space<vmem_shared>>
      tpu.enqueue_indirect_dma source(%dma_start3A_29 : memref<16x80xf32, #tpu.memory_space<vmem>>) target(%dma_start3A_32 : memref<25008x80xf32, #tpu.memory_space<vmem_shared>>) offsets(%select_n3A : vector<16xi32>) semaphore(%run_scoped3A : memref<!tpu.dma_semaphore, #tpu.memory_space<semaphore_mem>>) {add = true}
      %dma_wait3A = arith.constant 0 : i32
      %dma_wait3A_33 = arith.constant 0 : i32
      %dma_wait3A_34 = tpu.memref_slice %arg8[%dma_wait3A, %dma_wait3A_33] : memref<64x80xf32, #tpu.memory_space<vmem>> -> memref<16x80xf32, #tpu.memory_space<vmem>>
      %dma_wait3A_35 = arith.constant 0 : i32
      %dma_wait3A_36 = arith.constant 0 : i32
      %dma_wait3A_37 = tpu.memref_slice %arg6[%dma_wait3A_35, %dma_wait3A_36] : memref<25008x80xf32, #tpu.memory_space<vmem_shared>> -> memref<25008x80xf32, #tpu.memory_space<vmem_shared>>
      tpu.wait_indirect_dma semaphore(%run_scoped3A : memref<!tpu.dma_semaphore, #tpu.memory_space<semaphore_mem>>) src(%dma_wait3A_34 : memref<16x80xf32, #tpu.memory_space<vmem>>) dst(%dma_wait3A_37 : memref<25008x80xf32, #tpu.memory_space<vmem_shared>>)
      tpu.yield
    }) : () -> ()
    %barrier3A_20 = arith.constant 0 : index
    tpu.barrier barrier_id(%barrier3A_20)
    %mul3A_21 = arith.constant 1563 : i32
    %mul3A_22 = arith.muli %arg1, %mul3A_21 : i32
    %mul3A_23 = arith.constant 25008 : i32
    %mul3A_24 = arith.muli %arg0, %mul3A_23 : i32
    %mul3A_25 = arith.constant 1563 : i32
    %mul3A_26 = arith.muli %arg1, %mul3A_25 : i32
    %add3A_27 = arith.addi %mul3A_24, %mul3A_26 : i32
    "tpu.region"() ({
      %run_scoped3A = tpu.sem_alloc : memref<!tpu.dma_semaphore, #tpu.memory_space<semaphore_mem>>
      %dma_start3A = arith.constant 0 : i32
      %dma_start3A_28 = tpu.memref_slice %arg5[%add3A_27, %dma_start3A] : memref<50016x80xf32, #tpu.memory_space<hbm>> -> memref<1563x80xf32, #tpu.memory_space<hbm>>
      %dma_start3A_29 = arith.constant 0 : i32
      %dma_start3A_30 = tpu.memref_slice %arg6[%mul3A_22, %dma_start3A_29] : memref<25008x80xf32, #tpu.memory_space<vmem_shared>> -> memref<1563x80xf32, #tpu.memory_space<vmem_shared>>
      tpu.enqueue_dma source(%dma_start3A_30 : memref<1563x80xf32, #tpu.memory_space<vmem_shared>>) target(%dma_start3A_28 : memref<1563x80xf32, #tpu.memory_space<hbm>>) target_semaphore(%run_scoped3A : memref<!tpu.dma_semaphore, #tpu.memory_space<semaphore_mem>>)
      %dma_wait3A = arith.constant 0 : i32
      %dma_wait3A_31 = tpu.memref_slice %arg5[%add3A_27, %dma_wait3A] : memref<50016x80xf32, #tpu.memory_space<hbm>> -> memref<1563x80xf32, #tpu.memory_space<hbm>>
      %dma_wait3A_32 = arith.constant 0 : i32
      %dma_wait3A_33 = tpu.memref_slice %arg6[%mul3A_22, %dma_wait3A_32] : memref<25008x80xf32, #tpu.memory_space<vmem_shared>> -> memref<1563x80xf32, #tpu.memory_space<vmem_shared>>
      tpu.wait_dma2 semaphore(%run_scoped3A : memref<!tpu.dma_semaphore, #tpu.memory_space<semaphore_mem>>) src(%dma_wait3A_33 : memref<1563x80xf32, #tpu.memory_space<vmem_shared>>) dst(%dma_wait3A_31 : memref<1563x80xf32, #tpu.memory_space<hbm>>)
      tpu.yield
    }) : () -> ()
    return
  }
}

#map = affine_map<(d0, d1) -> (0, 0)>
#map1 = affine_map<(d0, d1) -> (0)>
module attributes {stable_mosaic.version = 14 : i64} {
  func.func @k(%arg0: i32, %arg1: i32, %arg2: memref<50000x64xf32, #tpu.memory_space<hbm>>, %arg3: memref<50000x64xf32, #tpu.memory_space<hbm>>, %arg4: memref<800000xi32, #tpu.memory_space<hbm>>, %arg5: memref<800000xi32, #tpu.memory_space<hbm>>, %arg6: memref<800000x64xf32, #tpu.memory_space<hbm>>, %arg7: memref<800000x64xf32, #tpu.memory_space<hbm>>, %arg8: memref<128xi32, #tpu.memory_space<vmem>>, %arg9: memref<128xi32, #tpu.memory_space<vmem>>, %arg10: memref<128x64xf32, #tpu.memory_space<vmem>>, %arg11: memref<128x64xf32, #tpu.memory_space<vmem>>, %arg12: memref<!tpu.dma_semaphore, #tpu.memory_space<semaphore_mem>>, %arg13: memref<!tpu.dma_semaphore, #tpu.memory_space<semaphore_mem>>) attributes {dimension_semantics = [#tpu.dimension_semantics<core_parallel>, #tpu.dimension_semantics<subcore_parallel>], iteration_bounds = array<i64: 2, 16>, scalar_prefetch = 0 : i64, scratch_operands = 6 : i64, tpu.core_type = #tpu.core_type<sc_vector_subcore>, window_params = [{transform_indices = #map}, {transform_indices = #map}, {transform_indices = #map1}, {transform_indices = #map1}, {transform_indices = #map}, {transform_indices = #map}]} {
    %mul3A = arith.constant 2 : i32
    %mul3A_0 = arith.muli %arg1, %mul3A : i32
    %add3A = arith.addi %mul3A_0, %arg0 : i32
    %scan3A = arith.constant 0 : i32
    %scan3A_1 = arith.constant 0 : i32
    %scan3A_2 = arith.constant 195 : i32
    %scan3A_3 = arith.addi %scan3A_1, %scan3A_2 : i32
    %scan3A_4 = arith.constant 1 : i32
    scf.for %scan3A_8 = %scan3A_1 to %scan3A_3 step %scan3A_4  : i32 {
      %mul3A_9 = arith.constant 32 : i32
      %mul3A_10 = arith.muli %scan3A_8, %mul3A_9 : i32
      %add3A_11 = arith.addi %mul3A_10, %add3A : i32
      %mul3A_12 = arith.constant 128 : i32
      %mul3A_13 = arith.muli %add3A_11, %mul3A_12 : i32
      "tpu.region"() ({
        %run_scoped3A = tpu.sem_alloc : memref<!tpu.dma_semaphore, #tpu.memory_space<semaphore_mem>>
        %dma_start3A_24 = tpu.memref_slice %arg4[%mul3A_13] : memref<800000xi32, #tpu.memory_space<hbm>> -> memref<128xi32, #tpu.memory_space<hbm>>
        %dma_start3A_25 = tpu.memref_slice %arg4[%mul3A_13] : memref<800000xi32, #tpu.memory_space<hbm>> -> memref<128xi32, #tpu.memory_space<hbm>>
        tpu.enqueue_dma source(%dma_start3A_25 : memref<128xi32, #tpu.memory_space<hbm>>) target(%arg8 : memref<128xi32, #tpu.memory_space<vmem>>) target_semaphore(%run_scoped3A : memref<!tpu.dma_semaphore, #tpu.memory_space<semaphore_mem>>)
        %dma_wait3A_26 = tpu.memref_slice %arg4[%mul3A_13] : memref<800000xi32, #tpu.memory_space<hbm>> -> memref<128xi32, #tpu.memory_space<hbm>>
        %dma_wait3A_27 = tpu.memref_slice %arg4[%mul3A_13] : memref<800000xi32, #tpu.memory_space<hbm>> -> memref<128xi32, #tpu.memory_space<hbm>>
        tpu.wait_dma2 semaphore(%run_scoped3A : memref<!tpu.dma_semaphore, #tpu.memory_space<semaphore_mem>>) src(%dma_wait3A_27 : memref<128xi32, #tpu.memory_space<hbm>>) dst(%arg8 : memref<128xi32, #tpu.memory_space<vmem>>)
        tpu.yield
      }) : () -> ()
      "tpu.region"() ({
        %run_scoped3A = tpu.sem_alloc : memref<!tpu.dma_semaphore, #tpu.memory_space<semaphore_mem>>
        %dma_start3A_24 = tpu.memref_slice %arg5[%mul3A_13] : memref<800000xi32, #tpu.memory_space<hbm>> -> memref<128xi32, #tpu.memory_space<hbm>>
        %dma_start3A_25 = tpu.memref_slice %arg5[%mul3A_13] : memref<800000xi32, #tpu.memory_space<hbm>> -> memref<128xi32, #tpu.memory_space<hbm>>
        tpu.enqueue_dma source(%dma_start3A_25 : memref<128xi32, #tpu.memory_space<hbm>>) target(%arg9 : memref<128xi32, #tpu.memory_space<vmem>>) target_semaphore(%run_scoped3A : memref<!tpu.dma_semaphore, #tpu.memory_space<semaphore_mem>>)
        %dma_wait3A_26 = tpu.memref_slice %arg5[%mul3A_13] : memref<800000xi32, #tpu.memory_space<hbm>> -> memref<128xi32, #tpu.memory_space<hbm>>
        %dma_wait3A_27 = tpu.memref_slice %arg5[%mul3A_13] : memref<800000xi32, #tpu.memory_space<hbm>> -> memref<128xi32, #tpu.memory_space<hbm>>
        tpu.wait_dma2 semaphore(%run_scoped3A : memref<!tpu.dma_semaphore, #tpu.memory_space<semaphore_mem>>) src(%dma_wait3A_27 : memref<128xi32, #tpu.memory_space<hbm>>) dst(%arg9 : memref<128xi32, #tpu.memory_space<vmem>>)
        tpu.yield
      }) : () -> ()
      %dma_start3A = arith.constant 0 : i32
      %dma_start3A_14 = arith.constant 0 : i32
      %dma_start3A_15 = tpu.memref_slice %arg2[%dma_start3A, %dma_start3A_14] : memref<50000x64xf32, #tpu.memory_space<hbm>> -> memref<50000x64xf32, #tpu.memory_space<hbm>>
      tpu.enqueue_indirect_dma source(%dma_start3A_15 : memref<50000x64xf32, #tpu.memory_space<hbm>>) target(%arg10 : memref<128x64xf32, #tpu.memory_space<vmem>>) offsets(%arg8 : memref<128xi32, #tpu.memory_space<vmem>>) semaphore(%arg12 : memref<!tpu.dma_semaphore, #tpu.memory_space<semaphore_mem>>)
      %dma_start3A_16 = arith.constant 0 : i32
      %dma_start3A_17 = arith.constant 0 : i32
      %dma_start3A_18 = tpu.memref_slice %arg3[%dma_start3A_16, %dma_start3A_17] : memref<50000x64xf32, #tpu.memory_space<hbm>> -> memref<50000x64xf32, #tpu.memory_space<hbm>>
      tpu.enqueue_indirect_dma source(%dma_start3A_18 : memref<50000x64xf32, #tpu.memory_space<hbm>>) target(%arg11 : memref<128x64xf32, #tpu.memory_space<vmem>>) offsets(%arg9 : memref<128xi32, #tpu.memory_space<vmem>>) semaphore(%arg13 : memref<!tpu.dma_semaphore, #tpu.memory_space<semaphore_mem>>)
      %dma_wait3A = arith.constant 0 : i32
      %dma_wait3A_19 = arith.constant 0 : i32
      %dma_wait3A_20 = tpu.memref_slice %arg2[%dma_wait3A, %dma_wait3A_19] : memref<50000x64xf32, #tpu.memory_space<hbm>> -> memref<50000x64xf32, #tpu.memory_space<hbm>>
      tpu.wait_indirect_dma semaphore(%arg12 : memref<!tpu.dma_semaphore, #tpu.memory_space<semaphore_mem>>) src(%dma_wait3A_20 : memref<50000x64xf32, #tpu.memory_space<hbm>>) dst(%arg10 : memref<128x64xf32, #tpu.memory_space<vmem>>)
      %dma_wait3A_21 = arith.constant 0 : i32
      %dma_wait3A_22 = arith.constant 0 : i32
      %dma_wait3A_23 = tpu.memref_slice %arg3[%dma_wait3A_21, %dma_wait3A_22] : memref<50000x64xf32, #tpu.memory_space<hbm>> -> memref<50000x64xf32, #tpu.memory_space<hbm>>
      tpu.wait_indirect_dma semaphore(%arg13 : memref<!tpu.dma_semaphore, #tpu.memory_space<semaphore_mem>>) src(%dma_wait3A_23 : memref<50000x64xf32, #tpu.memory_space<hbm>>) dst(%arg11 : memref<128x64xf32, #tpu.memory_space<vmem>>)
      "tpu.region"() ({
        %run_scoped3A = tpu.sem_alloc : memref<!tpu.dma_semaphore, #tpu.memory_space<semaphore_mem>>
        %dma_start3A_24 = arith.constant 0 : i32
        %dma_start3A_25 = tpu.memref_slice %arg6[%mul3A_13, %dma_start3A_24] : memref<800000x64xf32, #tpu.memory_space<hbm>> -> memref<128x64xf32, #tpu.memory_space<hbm>>
        %dma_start3A_26 = arith.constant 0 : i32
        %dma_start3A_27 = tpu.memref_slice %arg6[%mul3A_13, %dma_start3A_26] : memref<800000x64xf32, #tpu.memory_space<hbm>> -> memref<128x64xf32, #tpu.memory_space<hbm>>
        tpu.enqueue_dma source(%arg10 : memref<128x64xf32, #tpu.memory_space<vmem>>) target(%dma_start3A_27 : memref<128x64xf32, #tpu.memory_space<hbm>>) target_semaphore(%run_scoped3A : memref<!tpu.dma_semaphore, #tpu.memory_space<semaphore_mem>>)
        %dma_wait3A_28 = arith.constant 0 : i32
        %dma_wait3A_29 = tpu.memref_slice %arg6[%mul3A_13, %dma_wait3A_28] : memref<800000x64xf32, #tpu.memory_space<hbm>> -> memref<128x64xf32, #tpu.memory_space<hbm>>
        %dma_wait3A_30 = arith.constant 0 : i32
        %dma_wait3A_31 = tpu.memref_slice %arg6[%mul3A_13, %dma_wait3A_30] : memref<800000x64xf32, #tpu.memory_space<hbm>> -> memref<128x64xf32, #tpu.memory_space<hbm>>
        tpu.wait_dma2 semaphore(%run_scoped3A : memref<!tpu.dma_semaphore, #tpu.memory_space<semaphore_mem>>) src(%arg10 : memref<128x64xf32, #tpu.memory_space<vmem>>) dst(%dma_wait3A_31 : memref<128x64xf32, #tpu.memory_space<hbm>>)
        tpu.yield
      }) : () -> ()
      "tpu.region"() ({
        %run_scoped3A = tpu.sem_alloc : memref<!tpu.dma_semaphore, #tpu.memory_space<semaphore_mem>>
        %dma_start3A_24 = arith.constant 0 : i32
        %dma_start3A_25 = tpu.memref_slice %arg7[%mul3A_13, %dma_start3A_24] : memref<800000x64xf32, #tpu.memory_space<hbm>> -> memref<128x64xf32, #tpu.memory_space<hbm>>
        %dma_start3A_26 = arith.constant 0 : i32
        %dma_start3A_27 = tpu.memref_slice %arg7[%mul3A_13, %dma_start3A_26] : memref<800000x64xf32, #tpu.memory_space<hbm>> -> memref<128x64xf32, #tpu.memory_space<hbm>>
        tpu.enqueue_dma source(%arg11 : memref<128x64xf32, #tpu.memory_space<vmem>>) target(%dma_start3A_27 : memref<128x64xf32, #tpu.memory_space<hbm>>) target_semaphore(%run_scoped3A : memref<!tpu.dma_semaphore, #tpu.memory_space<semaphore_mem>>)
        %dma_wait3A_28 = arith.constant 0 : i32
        %dma_wait3A_29 = tpu.memref_slice %arg7[%mul3A_13, %dma_wait3A_28] : memref<800000x64xf32, #tpu.memory_space<hbm>> -> memref<128x64xf32, #tpu.memory_space<hbm>>
        %dma_wait3A_30 = arith.constant 0 : i32
        %dma_wait3A_31 = tpu.memref_slice %arg7[%mul3A_13, %dma_wait3A_30] : memref<800000x64xf32, #tpu.memory_space<hbm>> -> memref<128x64xf32, #tpu.memory_space<hbm>>
        tpu.wait_dma2 semaphore(%run_scoped3A : memref<!tpu.dma_semaphore, #tpu.memory_space<semaphore_mem>>) src(%arg11 : memref<128x64xf32, #tpu.memory_space<vmem>>) dst(%dma_wait3A_31 : memref<128x64xf32, #tpu.memory_space<hbm>>)
        tpu.yield
      }) : () -> ()
    }
    %scan3A_5 = arith.constant 195 : i32
    %lt3A = arith.constant 10 : i32
    %lt3A_6 = arith.cmpi slt, %add3A, %lt3A : i32
    %convert_element_type3A = arith.extui %lt3A_6 : i1 to i32
    %cond3A = arith.constant 0 : i32
    %cond3A_7 = arith.cmpi ne, %convert_element_type3A, %cond3A : i32
    scf.if %cond3A_7 {
      %add3A_8 = arith.constant 6240 : i32
      %add3A_9 = arith.addi %add3A_8, %add3A : i32
      %mul3A_10 = arith.constant 128 : i32
      %mul3A_11 = arith.muli %add3A_9, %mul3A_10 : i32
      "tpu.region"() ({
        %run_scoped3A = tpu.sem_alloc : memref<!tpu.dma_semaphore, #tpu.memory_space<semaphore_mem>>
        %dma_start3A_22 = tpu.memref_slice %arg4[%mul3A_11] : memref<800000xi32, #tpu.memory_space<hbm>> -> memref<128xi32, #tpu.memory_space<hbm>>
        %dma_start3A_23 = tpu.memref_slice %arg4[%mul3A_11] : memref<800000xi32, #tpu.memory_space<hbm>> -> memref<128xi32, #tpu.memory_space<hbm>>
        tpu.enqueue_dma source(%dma_start3A_23 : memref<128xi32, #tpu.memory_space<hbm>>) target(%arg8 : memref<128xi32, #tpu.memory_space<vmem>>) target_semaphore(%run_scoped3A : memref<!tpu.dma_semaphore, #tpu.memory_space<semaphore_mem>>)
        %dma_wait3A_24 = tpu.memref_slice %arg4[%mul3A_11] : memref<800000xi32, #tpu.memory_space<hbm>> -> memref<128xi32, #tpu.memory_space<hbm>>
        %dma_wait3A_25 = tpu.memref_slice %arg4[%mul3A_11] : memref<800000xi32, #tpu.memory_space<hbm>> -> memref<128xi32, #tpu.memory_space<hbm>>
        tpu.wait_dma2 semaphore(%run_scoped3A : memref<!tpu.dma_semaphore, #tpu.memory_space<semaphore_mem>>) src(%dma_wait3A_25 : memref<128xi32, #tpu.memory_space<hbm>>) dst(%arg8 : memref<128xi32, #tpu.memory_space<vmem>>)
        tpu.yield
      }) : () -> ()
      "tpu.region"() ({
        %run_scoped3A = tpu.sem_alloc : memref<!tpu.dma_semaphore, #tpu.memory_space<semaphore_mem>>
        %dma_start3A_22 = tpu.memref_slice %arg5[%mul3A_11] : memref<800000xi32, #tpu.memory_space<hbm>> -> memref<128xi32, #tpu.memory_space<hbm>>
        %dma_start3A_23 = tpu.memref_slice %arg5[%mul3A_11] : memref<800000xi32, #tpu.memory_space<hbm>> -> memref<128xi32, #tpu.memory_space<hbm>>
        tpu.enqueue_dma source(%dma_start3A_23 : memref<128xi32, #tpu.memory_space<hbm>>) target(%arg9 : memref<128xi32, #tpu.memory_space<vmem>>) target_semaphore(%run_scoped3A : memref<!tpu.dma_semaphore, #tpu.memory_space<semaphore_mem>>)
        %dma_wait3A_24 = tpu.memref_slice %arg5[%mul3A_11] : memref<800000xi32, #tpu.memory_space<hbm>> -> memref<128xi32, #tpu.memory_space<hbm>>
        %dma_wait3A_25 = tpu.memref_slice %arg5[%mul3A_11] : memref<800000xi32, #tpu.memory_space<hbm>> -> memref<128xi32, #tpu.memory_space<hbm>>
        tpu.wait_dma2 semaphore(%run_scoped3A : memref<!tpu.dma_semaphore, #tpu.memory_space<semaphore_mem>>) src(%dma_wait3A_25 : memref<128xi32, #tpu.memory_space<hbm>>) dst(%arg9 : memref<128xi32, #tpu.memory_space<vmem>>)
        tpu.yield
      }) : () -> ()
      %dma_start3A = arith.constant 0 : i32
      %dma_start3A_12 = arith.constant 0 : i32
      %dma_start3A_13 = tpu.memref_slice %arg2[%dma_start3A, %dma_start3A_12] : memref<50000x64xf32, #tpu.memory_space<hbm>> -> memref<50000x64xf32, #tpu.memory_space<hbm>>
      tpu.enqueue_indirect_dma source(%dma_start3A_13 : memref<50000x64xf32, #tpu.memory_space<hbm>>) target(%arg10 : memref<128x64xf32, #tpu.memory_space<vmem>>) offsets(%arg8 : memref<128xi32, #tpu.memory_space<vmem>>) semaphore(%arg12 : memref<!tpu.dma_semaphore, #tpu.memory_space<semaphore_mem>>)
      %dma_start3A_14 = arith.constant 0 : i32
      %dma_start3A_15 = arith.constant 0 : i32
      %dma_start3A_16 = tpu.memref_slice %arg3[%dma_start3A_14, %dma_start3A_15] : memref<50000x64xf32, #tpu.memory_space<hbm>> -> memref<50000x64xf32, #tpu.memory_space<hbm>>
      tpu.enqueue_indirect_dma source(%dma_start3A_16 : memref<50000x64xf32, #tpu.memory_space<hbm>>) target(%arg11 : memref<128x64xf32, #tpu.memory_space<vmem>>) offsets(%arg9 : memref<128xi32, #tpu.memory_space<vmem>>) semaphore(%arg13 : memref<!tpu.dma_semaphore, #tpu.memory_space<semaphore_mem>>)
      %dma_wait3A = arith.constant 0 : i32
      %dma_wait3A_17 = arith.constant 0 : i32
      %dma_wait3A_18 = tpu.memref_slice %arg2[%dma_wait3A, %dma_wait3A_17] : memref<50000x64xf32, #tpu.memory_space<hbm>> -> memref<50000x64xf32, #tpu.memory_space<hbm>>
      tpu.wait_indirect_dma semaphore(%arg12 : memref<!tpu.dma_semaphore, #tpu.memory_space<semaphore_mem>>) src(%dma_wait3A_18 : memref<50000x64xf32, #tpu.memory_space<hbm>>) dst(%arg10 : memref<128x64xf32, #tpu.memory_space<vmem>>)
      %dma_wait3A_19 = arith.constant 0 : i32
      %dma_wait3A_20 = arith.constant 0 : i32
      %dma_wait3A_21 = tpu.memref_slice %arg3[%dma_wait3A_19, %dma_wait3A_20] : memref<50000x64xf32, #tpu.memory_space<hbm>> -> memref<50000x64xf32, #tpu.memory_space<hbm>>
      tpu.wait_indirect_dma semaphore(%arg13 : memref<!tpu.dma_semaphore, #tpu.memory_space<semaphore_mem>>) src(%dma_wait3A_21 : memref<50000x64xf32, #tpu.memory_space<hbm>>) dst(%arg11 : memref<128x64xf32, #tpu.memory_space<vmem>>)
      "tpu.region"() ({
        %run_scoped3A = tpu.sem_alloc : memref<!tpu.dma_semaphore, #tpu.memory_space<semaphore_mem>>
        %dma_start3A_22 = arith.constant 0 : i32
        %dma_start3A_23 = tpu.memref_slice %arg6[%mul3A_11, %dma_start3A_22] : memref<800000x64xf32, #tpu.memory_space<hbm>> -> memref<128x64xf32, #tpu.memory_space<hbm>>
        %dma_start3A_24 = arith.constant 0 : i32
        %dma_start3A_25 = tpu.memref_slice %arg6[%mul3A_11, %dma_start3A_24] : memref<800000x64xf32, #tpu.memory_space<hbm>> -> memref<128x64xf32, #tpu.memory_space<hbm>>
        tpu.enqueue_dma source(%arg10 : memref<128x64xf32, #tpu.memory_space<vmem>>) target(%dma_start3A_25 : memref<128x64xf32, #tpu.memory_space<hbm>>) target_semaphore(%run_scoped3A : memref<!tpu.dma_semaphore, #tpu.memory_space<semaphore_mem>>)
        %dma_wait3A_26 = arith.constant 0 : i32
        %dma_wait3A_27 = tpu.memref_slice %arg6[%mul3A_11, %dma_wait3A_26] : memref<800000x64xf32, #tpu.memory_space<hbm>> -> memref<128x64xf32, #tpu.memory_space<hbm>>
        %dma_wait3A_28 = arith.constant 0 : i32
        %dma_wait3A_29 = tpu.memref_slice %arg6[%mul3A_11, %dma_wait3A_28] : memref<800000x64xf32, #tpu.memory_space<hbm>> -> memref<128x64xf32, #tpu.memory_space<hbm>>
        tpu.wait_dma2 semaphore(%run_scoped3A : memref<!tpu.dma_semaphore, #tpu.memory_space<semaphore_mem>>) src(%arg10 : memref<128x64xf32, #tpu.memory_space<vmem>>) dst(%dma_wait3A_29 : memref<128x64xf32, #tpu.memory_space<hbm>>)
        tpu.yield
      }) : () -> ()
      "tpu.region"() ({
        %run_scoped3A = tpu.sem_alloc : memref<!tpu.dma_semaphore, #tpu.memory_space<semaphore_mem>>
        %dma_start3A_22 = arith.constant 0 : i32
        %dma_start3A_23 = tpu.memref_slice %arg7[%mul3A_11, %dma_start3A_22] : memref<800000x64xf32, #tpu.memory_space<hbm>> -> memref<128x64xf32, #tpu.memory_space<hbm>>
        %dma_start3A_24 = arith.constant 0 : i32
        %dma_start3A_25 = tpu.memref_slice %arg7[%mul3A_11, %dma_start3A_24] : memref<800000x64xf32, #tpu.memory_space<hbm>> -> memref<128x64xf32, #tpu.memory_space<hbm>>
        tpu.enqueue_dma source(%arg11 : memref<128x64xf32, #tpu.memory_space<vmem>>) target(%dma_start3A_25 : memref<128x64xf32, #tpu.memory_space<hbm>>) target_semaphore(%run_scoped3A : memref<!tpu.dma_semaphore, #tpu.memory_space<semaphore_mem>>)
        %dma_wait3A_26 = arith.constant 0 : i32
        %dma_wait3A_27 = tpu.memref_slice %arg7[%mul3A_11, %dma_wait3A_26] : memref<800000x64xf32, #tpu.memory_space<hbm>> -> memref<128x64xf32, #tpu.memory_space<hbm>>
        %dma_wait3A_28 = arith.constant 0 : i32
        %dma_wait3A_29 = tpu.memref_slice %arg7[%mul3A_11, %dma_wait3A_28] : memref<800000x64xf32, #tpu.memory_space<hbm>> -> memref<128x64xf32, #tpu.memory_space<hbm>>
        tpu.wait_dma2 semaphore(%run_scoped3A : memref<!tpu.dma_semaphore, #tpu.memory_space<semaphore_mem>>) src(%arg11 : memref<128x64xf32, #tpu.memory_space<vmem>>) dst(%dma_wait3A_29 : memref<128x64xf32, #tpu.memory_space<hbm>>)
        tpu.yield
      }) : () -> ()
    } else {
    }
    return
  }
}

module attributes {stable_mosaic.version = 14 : i64} {
  func.func @_mm2_body(%arg0: i32, %arg1: memref<1000x144xf32, #tpu.memory_space<vmem>>, %arg2: memref<144x64xf32, #tpu.memory_space<vmem>>, %arg3: memref<144x64xf32, #tpu.memory_space<vmem>>, %arg4: memref<1000x64xf32, #tpu.memory_space<vmem>>, %arg5: memref<1000x64xf32, #tpu.memory_space<vmem>>) attributes {dimension_semantics = [#tpu.dimension_semantics<arbitrary>], iteration_bounds = array<i64: 50>, scalar_prefetch = 0 : i64, scratch_operands = 0 : i64, tpu.core_type = #tpu.core_type<tc>, window_params = [{transform_indices = @transform_0, window_bounds = array<i64: 1000, 144>}, {pipeline_mode = #tpu.pipeline_mode<synchronous>, transform_indices = @transform_1, window_bounds = array<i64: 144, 64>}, {pipeline_mode = #tpu.pipeline_mode<synchronous>, transform_indices = @transform_2, window_bounds = array<i64: 144, 64>}, {transform_indices = @transform_3, window_bounds = array<i64: 1000, 64>}, {transform_indices = @transform_4, window_bounds = array<i64: 1000, 64>}]} {
    %get3A = arith.constant 0 : index
    %get3A_0 = arith.constant 0 : index
    %get3A_1 = vector.load %arg1[%get3A, %get3A_0] : memref<1000x144xf32, #tpu.memory_space<vmem>>, vector<1000x144xf32>
    %get3A_2 = arith.constant 0 : index
    %get3A_3 = arith.constant 0 : index
    %get3A_4 = vector.load %arg2[%get3A_2, %get3A_3] : memref<144x64xf32, #tpu.memory_space<vmem>>, vector<144x64xf32>
    %dot_general3A = arith.constant dense<0.000000e+00> : vector<1000x64xf32>
    %dot_general3A_5 = tpu.matmul %get3A_1, %get3A_4, %dot_general3A {dimension_numbers = #tpu.dot_dimension_numbers<[1], [0], [0], [1], [0, 0, 1, 1], [], []>, transpose_lhs_hint = false} : vector<1000x144xf32>, vector<144x64xf32>, vector<1000x64xf32> -> vector<1000x64xf32>
    %swap3A = arith.constant 0 : index
    %swap3A_6 = arith.constant 0 : index
    %swap3A_7 = vector.load %arg4[%swap3A, %swap3A_6] : memref<1000x64xf32, #tpu.memory_space<vmem>>, vector<1000x64xf32>
    tpu.vector_store %arg4[%swap3A, %swap3A_6], %dot_general3A_5 {strides = array<i32>} : memref<1000x64xf32, #tpu.memory_space<vmem>>, vector<1000x64xf32>,
    %get3A_8 = arith.constant 0 : index
    %get3A_9 = arith.constant 0 : index
    %get3A_10 = vector.load %arg3[%get3A_8, %get3A_9] : memref<144x64xf32, #tpu.memory_space<vmem>>, vector<144x64xf32>
    %dot_general3A_11 = arith.constant dense<0.000000e+00> : vector<1000x64xf32>
    %dot_general3A_12 = tpu.matmul %get3A_1, %get3A_10, %dot_general3A_11 {dimension_numbers = #tpu.dot_dimension_numbers<[1], [0], [0], [1], [0, 0, 1, 1], [], []>, transpose_lhs_hint = false} : vector<1000x144xf32>, vector<144x64xf32>, vector<1000x64xf32> -> vector<1000x64xf32>
    %swap3A_13 = arith.constant 0 : index
    %swap3A_14 = arith.constant 0 : index
    %swap3A_15 = vector.load %arg5[%swap3A_13, %swap3A_14] : memref<1000x64xf32, #tpu.memory_space<vmem>>, vector<1000x64xf32>
    tpu.vector_store %arg5[%swap3A_13, %swap3A_14], %dot_general3A_12 {strides = array<i32>} : memref<1000x64xf32, #tpu.memory_space<vmem>>, vector<1000x64xf32>,
    return
  }
  func.func @transform_0(%arg0: i32) -> (i32, i32) {
    %c0_i32 = arith.constant 0 : i32
    %c0_i32_0 = arith.constant 0 : i32
    return %arg0, %c0_i32 : i32, i32
  }
  func.func @transform_1(%arg0: i32) -> (i32, i32) {
    %c0_i32 = arith.constant 0 : i32
    %c0_i32_0 = arith.constant 0 : i32
    %c0_i32_1 = arith.constant 0 : i32
    return %c0_i32, %c0_i32_0 : i32, i32
  }
  func.func @transform_2(%arg0: i32) -> (i32, i32) {
    %c0_i32 = arith.constant 0 : i32
    %c0_i32_0 = arith.constant 0 : i32
    %c0_i32_1 = arith.constant 0 : i32
    return %c0_i32, %c0_i32_0 : i32, i32
  }
  func.func @transform_3(%arg0: i32) -> (i32, i32) {
    %c0_i32 = arith.constant 0 : i32
    %c0_i32_0 = arith.constant 0 : i32
    return %arg0, %c0_i32 : i32, i32
  }
  func.func @transform_4(%arg0: i32) -> (i32, i32) {
    %c0_i32 = arith.constant 0 : i32
    %c0_i32_0 = arith.constant 0 : i32
    return %arg0, %c0_i32 : i32, i32
  }
}

module attributes {stable_mosaic.version = 14 : i64} {
  func.func @_edge1_body(%arg0: i32, %arg1: memref<1000x64xf32, #tpu.memory_space<vmem>>, %arg2: memref<1000x64xf32, #tpu.memory_space<vmem>>, %arg3: memref<4x16xf32, #tpu.memory_space<vmem>>, %arg4: memref<1000x80xf32, #tpu.memory_space<vmem>>) attributes {dimension_semantics = [#tpu.dimension_semantics<arbitrary>], iteration_bounds = array<i64: 800>, scalar_prefetch = 0 : i64, scratch_operands = 0 : i64, tpu.core_type = #tpu.core_type<tc>, window_params = [{transform_indices = @transform_0, window_bounds = array<i64: 1000, 64>}, {transform_indices = @transform_1, window_bounds = array<i64: 1000, 64>}, {pipeline_mode = #tpu.pipeline_mode<synchronous>, transform_indices = @transform_2, window_bounds = array<i64: 4, 16>}, {transform_indices = @transform_3, window_bounds = array<i64: 1000, 80>}]} {
    %get3A = arith.constant 0 : index
    %get3A_0 = arith.constant 0 : index
    %get3A_1 = vector.load %arg1[%get3A, %get3A_0] : memref<1000x64xf32, #tpu.memory_space<vmem>>, vector<1000x64xf32>
    %get3A_2 = arith.constant 0 : index
    %get3A_3 = arith.constant 0 : index
    %get3A_4 = vector.load %arg2[%get3A_2, %get3A_3] : memref<1000x64xf32, #tpu.memory_space<vmem>>, vector<1000x64xf32>
    %add3A = arith.addf %get3A_1, %get3A_4 : vector<1000x64xf32>
    %ge3A = arith.constant 0.000000e+00 : f32
    %ge3A_5 = vector.broadcast %ge3A : f32 to vector<1000x64xf32>
    %ge3A_6 = arith.cmpf oge, %add3A, %ge3A_5 : vector<1000x64xf32>
    %mul3A = arith.constant 2.000000e-01 : f32
    %mul3A_7 = vector.broadcast %mul3A : f32 to vector<1000x64xf32>
    %mul3A_8 = arith.mulf %mul3A_7, %add3A : vector<1000x64xf32>
    %select_n3A = arith.select %ge3A_6, %add3A, %mul3A_8 : vector<1000x64xi1>, vector<1000x64xf32>
    %get3A_9 = arith.constant 0 : index
    %get3A_10 = arith.constant 0 : index
    %get3A_11 = vector.load %arg3[%get3A_9, %get3A_10] : memref<4x16xf32, #tpu.memory_space<vmem>>, vector<4x16xf32>
    %slice3A = vector.extract_strided_slice %select_n3A {offsets = [0, 0], sizes = [1000, 16], strides = [1, 1]} : vector<1000x64xf32> to vector<1000x16xf32>
    %slice3A_12 = vector.extract_strided_slice %get3A_11 {offsets = [0, 0], sizes = [1, 16], strides = [1, 1]} : vector<4x16xf32> to vector<1x16xf32>
    %squeeze3A = vector.shape_cast %slice3A_12 : vector<1x16xf32> to vector<16xf32>
    %broadcast_in_dim3A = vector.shape_cast %squeeze3A : vector<16xf32> to vector<1x16xf32>
    %mul3A_13 = vector.broadcast %broadcast_in_dim3A : vector<1x16xf32> to vector<1000x16xf32>
    %mul3A_14 = arith.mulf %slice3A, %mul3A_13 : vector<1000x16xf32>
    %reduce_sum3A = arith.constant dense<0.000000e+00> : vector<1000xf32>
    %reduce_sum3A_15 = vector.multi_reduction <add>, %mul3A_14, %reduce_sum3A [1] : vector<1000x16xf32> to vector<1000xf32>
    %broadcast_in_dim3A_16 = vector.shape_cast %reduce_sum3A_15 : vector<1000xf32> to vector<1000x1xf32>
    %exp3A = math.exp %broadcast_in_dim3A_16 : vector<1000x1xf32>
    %slice3A_17 = vector.extract_strided_slice %get3A_1 {offsets = [0, 0], sizes = [1000, 16], strides = [1, 1]} : vector<1000x64xf32> to vector<1000x16xf32>
    %mul3A_18 = vector.broadcast %exp3A : vector<1000x1xf32> to vector<1000x16xf32>
    %mul3A_19 = arith.mulf %mul3A_18, %slice3A_17 : vector<1000x16xf32>
    %slice3A_20 = vector.extract_strided_slice %select_n3A {offsets = [0, 16], sizes = [1000, 16], strides = [1, 1]} : vector<1000x64xf32> to vector<1000x16xf32>
    %slice3A_21 = vector.extract_strided_slice %get3A_11 {offsets = [1, 0], sizes = [1, 16], strides = [1, 1]} : vector<4x16xf32> to vector<1x16xf32>
    %squeeze3A_22 = vector.shape_cast %slice3A_21 : vector<1x16xf32> to vector<16xf32>
    %broadcast_in_dim3A_23 = vector.shape_cast %squeeze3A_22 : vector<16xf32> to vector<1x16xf32>
    %mul3A_24 = vector.broadcast %broadcast_in_dim3A_23 : vector<1x16xf32> to vector<1000x16xf32>
    %mul3A_25 = arith.mulf %slice3A_20, %mul3A_24 : vector<1000x16xf32>
    %reduce_sum3A_26 = arith.constant dense<0.000000e+00> : vector<1000xf32>
    %reduce_sum3A_27 = vector.multi_reduction <add>, %mul3A_25, %reduce_sum3A_26 [1] : vector<1000x16xf32> to vector<1000xf32>
    %broadcast_in_dim3A_28 = vector.shape_cast %reduce_sum3A_27 : vector<1000xf32> to vector<1000x1xf32>
    %exp3A_29 = math.exp %broadcast_in_dim3A_28 : vector<1000x1xf32>
    %slice3A_30 = vector.extract_strided_slice %get3A_1 {offsets = [0, 16], sizes = [1000, 16], strides = [1, 1]} : vector<1000x64xf32> to vector<1000x16xf32>
    %mul3A_31 = vector.broadcast %exp3A_29 : vector<1000x1xf32> to vector<1000x16xf32>
    %mul3A_32 = arith.mulf %mul3A_31, %slice3A_30 : vector<1000x16xf32>
    %slice3A_33 = vector.extract_strided_slice %select_n3A {offsets = [0, 32], sizes = [1000, 16], strides = [1, 1]} : vector<1000x64xf32> to vector<1000x16xf32>
    %slice3A_34 = vector.extract_strided_slice %get3A_11 {offsets = [2, 0], sizes = [1, 16], strides = [1, 1]} : vector<4x16xf32> to vector<1x16xf32>
    %squeeze3A_35 = vector.shape_cast %slice3A_34 : vector<1x16xf32> to vector<16xf32>
    %broadcast_in_dim3A_36 = vector.shape_cast %squeeze3A_35 : vector<16xf32> to vector<1x16xf32>
    %mul3A_37 = vector.broadcast %broadcast_in_dim3A_36 : vector<1x16xf32> to vector<1000x16xf32>
    %mul3A_38 = arith.mulf %slice3A_33, %mul3A_37 : vector<1000x16xf32>
    %reduce_sum3A_39 = arith.constant dense<0.000000e+00> : vector<1000xf32>
    %reduce_sum3A_40 = vector.multi_reduction <add>, %mul3A_38, %reduce_sum3A_39 [1] : vector<1000x16xf32> to vector<1000xf32>
    %broadcast_in_dim3A_41 = vector.shape_cast %reduce_sum3A_40 : vector<1000xf32> to vector<1000x1xf32>
    %exp3A_42 = math.exp %broadcast_in_dim3A_41 : vector<1000x1xf32>
    %slice3A_43 = vector.extract_strided_slice %get3A_1 {offsets = [0, 32], sizes = [1000, 16], strides = [1, 1]} : vector<1000x64xf32> to vector<1000x16xf32>
    %mul3A_44 = vector.broadcast %exp3A_42 : vector<1000x1xf32> to vector<1000x16xf32>
    %mul3A_45 = arith.mulf %mul3A_44, %slice3A_43 : vector<1000x16xf32>
    %slice3A_46 = vector.extract_strided_slice %select_n3A {offsets = [0, 48], sizes = [1000, 16], strides = [1, 1]} : vector<1000x64xf32> to vector<1000x16xf32>
    %slice3A_47 = vector.extract_strided_slice %get3A_11 {offsets = [3, 0], sizes = [1, 16], strides = [1, 1]} : vector<4x16xf32> to vector<1x16xf32>
    %squeeze3A_48 = vector.shape_cast %slice3A_47 : vector<1x16xf32> to vector<16xf32>
    %broadcast_in_dim3A_49 = vector.shape_cast %squeeze3A_48 : vector<16xf32> to vector<1x16xf32>
    %mul3A_50 = vector.broadcast %broadcast_in_dim3A_49 : vector<1x16xf32> to vector<1000x16xf32>
    %mul3A_51 = arith.mulf %slice3A_46, %mul3A_50 : vector<1000x16xf32>
    %reduce_sum3A_52 = arith.constant dense<0.000000e+00> : vector<1000xf32>
    %reduce_sum3A_53 = vector.multi_reduction <add>, %mul3A_51, %reduce_sum3A_52 [1] : vector<1000x16xf32> to vector<1000xf32>
    %broadcast_in_dim3A_54 = vector.shape_cast %reduce_sum3A_53 : vector<1000xf32> to vector<1000x1xf32>
    %exp3A_55 = math.exp %broadcast_in_dim3A_54 : vector<1000x1xf32>
    %slice3A_56 = vector.extract_strided_slice %get3A_1 {offsets = [0, 48], sizes = [1000, 16], strides = [1, 1]} : vector<1000x64xf32> to vector<1000x16xf32>
    %mul3A_57 = vector.broadcast %exp3A_55 : vector<1000x1xf32> to vector<1000x16xf32>
    %mul3A_58 = arith.mulf %mul3A_57, %slice3A_56 : vector<1000x16xf32>
    %concatenate3A = tpu.concatenate %exp3A, %exp3A_29, %exp3A_42, %exp3A_55 in 1 : vector<1000x1xf32>, vector<1000x1xf32>, vector<1000x1xf32>, vector<1000x1xf32> -> vector<1000x4xf32>
    %broadcast_in_dim3A_59 = arith.constant 0.000000e+00 : f32
    %broadcast_in_dim3A_60 = vector.broadcast %broadcast_in_dim3A_59 : f32 to vector<1000x12xf32>
    %concatenate3A_61 = tpu.concatenate %mul3A_19, %mul3A_32, %mul3A_45, %mul3A_58, %concatenate3A, %broadcast_in_dim3A_60 in 1 : vector<1000x16xf32>, vector<1000x16xf32>, vector<1000x16xf32>, vector<1000x16xf32>, vector<1000x4xf32>, vector<1000x12xf32> -> vector<1000x80xf32>
    %swap3A = arith.constant 0 : index
    %swap3A_62 = arith.constant 0 : index
    %swap3A_63 = vector.load %arg4[%swap3A, %swap3A_62] : memref<1000x80xf32, #tpu.memory_space<vmem>>, vector<1000x80xf32>
    tpu.vector_store %arg4[%swap3A, %swap3A_62], %concatenate3A_61 {strides = array<i32>} : memref<1000x80xf32, #tpu.memory_space<vmem>>, vector<1000x80xf32>,
    return
  }
  func.func @transform_0(%arg0: i32) -> (i32, i32) {
    %c0_i32 = arith.constant 0 : i32
    %c0_i32_0 = arith.constant 0 : i32
    return %arg0, %c0_i32 : i32, i32
  }
  func.func @transform_1(%arg0: i32) -> (i32, i32) {
    %c0_i32 = arith.constant 0 : i32
    %c0_i32_0 = arith.constant 0 : i32
    return %arg0, %c0_i32 : i32, i32
  }
  func.func @transform_2(%arg0: i32) -> (i32, i32) {
    %c0_i32 = arith.constant 0 : i32
    %c0_i32_0 = arith.constant 0 : i32
    %c0_i32_1 = arith.constant 0 : i32
    return %c0_i32, %c0_i32_0 : i32, i32
  }
  func.func @transform_3(%arg0: i32) -> (i32, i32) {
    %c0_i32 = arith.constant 0 : i32
    %c0_i32_0 = arith.constant 0 : i32
    return %arg0, %c0_i32 : i32, i32
  }
}

module attributes {stable_mosaic.version = 14 : i64} {
  func.func @_norm1_body(%arg0: i32, %arg1: memref<1000x80xf32, #tpu.memory_space<vmem>>, %arg2: memref<1x64xf32, #tpu.memory_space<vmem>>, %arg3: memref<1x64xf32, #tpu.memory_space<vmem>>, %arg4: memref<1000x64xf32, #tpu.memory_space<vmem>>) attributes {dimension_semantics = [#tpu.dimension_semantics<arbitrary>], iteration_bounds = array<i64: 50>, scalar_prefetch = 0 : i64, scratch_operands = 0 : i64, tpu.core_type = #tpu.core_type<tc>, window_params = [{transform_indices = @transform_0, window_bounds = array<i64: 1000, 80>}, {pipeline_mode = #tpu.pipeline_mode<synchronous>, transform_indices = @transform_1, window_bounds = array<i64: 1, 64>}, {pipeline_mode = #tpu.pipeline_mode<synchronous>, transform_indices = @transform_2, window_bounds = array<i64: 1, 64>}, {transform_indices = @transform_3, window_bounds = array<i64: 1000, 64>}]} {
    %get3A = arith.constant 0 : index
    %get3A_0 = arith.constant 0 : index
    %get3A_1 = vector.load %arg1[%get3A, %get3A_0] : memref<1000x80xf32, #tpu.memory_space<vmem>>, vector<1000x80xf32>
    %slice3A = vector.extract_strided_slice %get3A_1 {offsets = [0, 64], sizes = [1000, 1], strides = [1, 1]} : vector<1000x80xf32> to vector<1000x1xf32>
    %add3A = arith.constant 1.000000e-16 : f32
    %add3A_2 = vector.broadcast %add3A : f32 to vector<1000x1xf32>
    %add3A_3 = arith.addf %slice3A, %add3A_2 : vector<1000x1xf32>
    %slice3A_4 = vector.extract_strided_slice %get3A_1 {offsets = [0, 0], sizes = [1000, 16], strides = [1, 1]} : vector<1000x80xf32> to vector<1000x16xf32>
    %div3A = vector.broadcast %add3A_3 : vector<1000x1xf32> to vector<1000x16xf32>
    %div3A_5 = arith.divf %slice3A_4, %div3A : vector<1000x16xf32>
    %slice3A_6 = vector.extract_strided_slice %get3A_1 {offsets = [0, 65], sizes = [1000, 1], strides = [1, 1]} : vector<1000x80xf32> to vector<1000x1xf32>
    %add3A_7 = arith.constant 1.000000e-16 : f32
    %add3A_8 = vector.broadcast %add3A_7 : f32 to vector<1000x1xf32>
    %add3A_9 = arith.addf %slice3A_6, %add3A_8 : vector<1000x1xf32>
    %slice3A_10 = vector.extract_strided_slice %get3A_1 {offsets = [0, 16], sizes = [1000, 16], strides = [1, 1]} : vector<1000x80xf32> to vector<1000x16xf32>
    %div3A_11 = vector.broadcast %add3A_9 : vector<1000x1xf32> to vector<1000x16xf32>
    %div3A_12 = arith.divf %slice3A_10, %div3A_11 : vector<1000x16xf32>
    %slice3A_13 = vector.extract_strided_slice %get3A_1 {offsets = [0, 66], sizes = [1000, 1], strides = [1, 1]} : vector<1000x80xf32> to vector<1000x1xf32>
    %add3A_14 = arith.constant 1.000000e-16 : f32
    %add3A_15 = vector.broadcast %add3A_14 : f32 to vector<1000x1xf32>
    %add3A_16 = arith.addf %slice3A_13, %add3A_15 : vector<1000x1xf32>
    %slice3A_17 = vector.extract_strided_slice %get3A_1 {offsets = [0, 32], sizes = [1000, 16], strides = [1, 1]} : vector<1000x80xf32> to vector<1000x16xf32>
    %div3A_18 = vector.broadcast %add3A_16 : vector<1000x1xf32> to vector<1000x16xf32>
    %div3A_19 = arith.divf %slice3A_17, %div3A_18 : vector<1000x16xf32>
    %slice3A_20 = vector.extract_strided_slice %get3A_1 {offsets = [0, 67], sizes = [1000, 1], strides = [1, 1]} : vector<1000x80xf32> to vector<1000x1xf32>
    %add3A_21 = arith.constant 1.000000e-16 : f32
    %add3A_22 = vector.broadcast %add3A_21 : f32 to vector<1000x1xf32>
    %add3A_23 = arith.addf %slice3A_20, %add3A_22 : vector<1000x1xf32>
    %slice3A_24 = vector.extract_strided_slice %get3A_1 {offsets = [0, 48], sizes = [1000, 16], strides = [1, 1]} : vector<1000x80xf32> to vector<1000x16xf32>
    %div3A_25 = vector.broadcast %add3A_23 : vector<1000x1xf32> to vector<1000x16xf32>
    %div3A_26 = arith.divf %slice3A_24, %div3A_25 : vector<1000x16xf32>
    %concatenate3A = tpu.concatenate %div3A_5, %div3A_12, %div3A_19, %div3A_26 in 1 : vector<1000x16xf32>, vector<1000x16xf32>, vector<1000x16xf32>, vector<1000x16xf32> -> vector<1000x64xf32>
    %get3A_27 = arith.constant 0 : index
    %get3A_28 = arith.constant 0 : index
    %get3A_29 = vector.load %arg2[%get3A_27, %get3A_28] : memref<1x64xf32, #tpu.memory_space<vmem>>, vector<1x64xf32>
    %get3A_30 = arith.constant 0 : index
    %get3A_31 = arith.constant 0 : index
    %get3A_32 = vector.load %arg3[%get3A_30, %get3A_31] : memref<1x64xf32, #tpu.memory_space<vmem>>, vector<1x64xf32>
    %reduce_sum3A = arith.constant dense<0.000000e+00> : vector<1000xf32>
    %reduce_sum3A_33 = vector.multi_reduction <add>, %concatenate3A, %reduce_sum3A [1] : vector<1000x64xf32> to vector<1000xf32>
    %broadcast_in_dim3A = vector.shape_cast %reduce_sum3A_33 : vector<1000xf32> to vector<1000x1xf32>
    %div3A_34 = arith.constant 6.400000e+01 : f32
    %div3A_35 = vector.broadcast %div3A_34 : f32 to vector<1000x1xf32>
    %div3A_36 = arith.divf %broadcast_in_dim3A, %div3A_35 : vector<1000x1xf32>
    %jit3A = arith.constant 0 : i32
    %reduce_sum3A_37 = arith.constant dense<0.000000e+00> : vector<1000xf32>
    %reduce_sum3A_38 = vector.multi_reduction <add>, %concatenate3A, %reduce_sum3A_37 [1] : vector<1000x64xf32> to vector<1000xf32>
    %broadcast_in_dim3A_39 = vector.shape_cast %reduce_sum3A_38 : vector<1000xf32> to vector<1000x1xf32>
    %div3A_40 = arith.constant 6.400000e+01 : f32
    %div3A_41 = vector.broadcast %div3A_40 : f32 to vector<1000x1xf32>
    %div3A_42 = arith.divf %broadcast_in_dim3A_39, %div3A_41 : vector<1000x1xf32>
    %sub3A = vector.broadcast %div3A_42 : vector<1000x1xf32> to vector<1000x64xf32>
    %sub3A_43 = arith.subf %concatenate3A, %sub3A : vector<1000x64xf32>
    %square3A = arith.mulf %sub3A_43, %sub3A_43 : vector<1000x64xf32>
    %convert_element_type3A = arith.sitofp %jit3A : i32 to f32
    %sub3A_44 = arith.constant 6.400000e+01 : f32
    %sub3A_45 = arith.subf %sub3A_44, %convert_element_type3A : f32
    %reduce_sum3A_46 = arith.constant dense<0.000000e+00> : vector<1000xf32>
    %reduce_sum3A_47 = vector.multi_reduction <add>, %square3A, %reduce_sum3A_46 [1] : vector<1000x64xf32> to vector<1000xf32>
    %broadcast_in_dim3A_48 = vector.shape_cast %reduce_sum3A_47 : vector<1000xf32> to vector<1000x1xf32>
    %div3A_49 = vector.broadcast %sub3A_45 : f32 to vector<1000x1xf32>
    %div3A_50 = arith.divf %broadcast_in_dim3A_48, %div3A_49 : vector<1000x1xf32>
    %gt3A = arith.constant 0.000000e+00 : f32
    %gt3A_51 = arith.cmpf ogt, %sub3A_45, %gt3A : f32
    %jit3A_52 = arith.constant 0x7FC00000 : f32
    %broadcast_in_dim3A_53 = vector.broadcast %jit3A_52 : f32 to vector<1000x1xf32>
    %select_n3A = arith.select %gt3A_51, %div3A_50, %broadcast_in_dim3A_53 : vector<1000x1xf32>
    %sub3A_54 = vector.broadcast %div3A_36 : vector<1000x1xf32> to vector<1000x64xf32>
    %sub3A_55 = arith.subf %concatenate3A, %sub3A_54 : vector<1000x64xf32>
    %add3A_56 = arith.constant 9.99999974E-6 : f32
    %add3A_57 = vector.broadcast %add3A_56 : f32 to vector<1000x1xf32>
    %add3A_58 = arith.addf %select_n3A, %add3A_57 : vector<1000x1xf32>
    %sqrt3A = math.sqrt %add3A_58 : vector<1000x1xf32>
    %div3A_59 = vector.broadcast %sqrt3A : vector<1000x1xf32> to vector<1000x64xf32>
    %div3A_60 = arith.divf %sub3A_55, %div3A_59 : vector<1000x64xf32>
    %mul3A = vector.broadcast %get3A_29 : vector<1x64xf32> to vector<1000x64xf32>
    %mul3A_61 = arith.mulf %div3A_60, %mul3A : vector<1000x64xf32>
    %add3A_62 = vector.broadcast %get3A_32 : vector<1x64xf32> to vector<1000x64xf32>
    %add3A_63 = arith.addf %mul3A_61, %add3A_62 : vector<1000x64xf32>
    %ge3A = arith.constant 0.000000e+00 : f32
    %ge3A_64 = vector.broadcast %ge3A : f32 to vector<1000x64xf32>
    %ge3A_65 = arith.cmpf oge, %add3A_63, %ge3A_64 : vector<1000x64xf32>
    %mul3A_66 = arith.constant 2.000000e-01 : f32
    %mul3A_67 = vector.broadcast %mul3A_66 : f32 to vector<1000x64xf32>
    %mul3A_68 = arith.mulf %mul3A_67, %add3A_63 : vector<1000x64xf32>
    %select_n3A_69 = arith.select %ge3A_65, %add3A_63, %mul3A_68 : vector<1000x64xi1>, vector<1000x64xf32>
    %swap3A = arith.constant 0 : index
    %swap3A_70 = arith.constant 0 : index
    %swap3A_71 = vector.load %arg4[%swap3A, %swap3A_70] : memref<1000x64xf32, #tpu.memory_space<vmem>>, vector<1000x64xf32>
    tpu.vector_store %arg4[%swap3A, %swap3A_70], %select_n3A_69 {strides = array<i32>} : memref<1000x64xf32, #tpu.memory_space<vmem>>, vector<1000x64xf32>,
    return
  }
  func.func @transform_0(%arg0: i32) -> (i32, i32) {
    %c0_i32 = arith.constant 0 : i32
    %c0_i32_0 = arith.constant 0 : i32
    return %arg0, %c0_i32 : i32, i32
  }
  func.func @transform_1(%arg0: i32) -> (i32, i32) {
    %c0_i32 = arith.constant 0 : i32
    %c0_i32_0 = arith.constant 0 : i32
    %c0_i32_1 = arith.constant 0 : i32
    return %c0_i32, %c0_i32_0 : i32, i32
  }
  func.func @transform_2(%arg0: i32) -> (i32, i32) {
    %c0_i32 = arith.constant 0 : i32
    %c0_i32_0 = arith.constant 0 : i32
    %c0_i32_1 = arith.constant 0 : i32
    return %c0_i32, %c0_i32_0 : i32, i32
  }
  func.func @transform_3(%arg0: i32) -> (i32, i32) {
    %c0_i32 = arith.constant 0 : i32
    %c0_i32_0 = arith.constant 0 : i32
    return %arg0, %c0_i32 : i32, i32
  }
}

module attributes {stable_mosaic.version = 14 : i64} {
  func.func @_mm2_body(%arg0: i32, %arg1: memref<1000x64xf32, #tpu.memory_space<vmem>>, %arg2: memref<64x64xf32, #tpu.memory_space<vmem>>, %arg3: memref<64x64xf32, #tpu.memory_space<vmem>>, %arg4: memref<1000x64xf32, #tpu.memory_space<vmem>>, %arg5: memref<1000x64xf32, #tpu.memory_space<vmem>>) attributes {dimension_semantics = [#tpu.dimension_semantics<arbitrary>], iteration_bounds = array<i64: 50>, scalar_prefetch = 0 : i64, scratch_operands = 0 : i64, tpu.core_type = #tpu.core_type<tc>, window_params = [{transform_indices = @transform_0, window_bounds = array<i64: 1000, 64>}, {pipeline_mode = #tpu.pipeline_mode<synchronous>, transform_indices = @transform_1, window_bounds = array<i64: 64, 64>}, {pipeline_mode = #tpu.pipeline_mode<synchronous>, transform_indices = @transform_2, window_bounds = array<i64: 64, 64>}, {transform_indices = @transform_3, window_bounds = array<i64: 1000, 64>}, {transform_indices = @transform_4, window_bounds = array<i64: 1000, 64>}]} {
    %get3A = arith.constant 0 : index
    %get3A_0 = arith.constant 0 : index
    %get3A_1 = vector.load %arg1[%get3A, %get3A_0] : memref<1000x64xf32, #tpu.memory_space<vmem>>, vector<1000x64xf32>
    %get3A_2 = arith.constant 0 : index
    %get3A_3 = arith.constant 0 : index
    %get3A_4 = vector.load %arg2[%get3A_2, %get3A_3] : memref<64x64xf32, #tpu.memory_space<vmem>>, vector<64x64xf32>
    %dot_general3A = arith.constant dense<0.000000e+00> : vector<1000x64xf32>
    %dot_general3A_5 = tpu.matmul %get3A_1, %get3A_4, %dot_general3A {dimension_numbers = #tpu.dot_dimension_numbers<[1], [0], [0], [1], [0, 0, 1, 1], [], []>, transpose_lhs_hint = false} : vector<1000x64xf32>, vector<64x64xf32>, vector<1000x64xf32> -> vector<1000x64xf32>
    %swap3A = arith.constant 0 : index
    %swap3A_6 = arith.constant 0 : index
    %swap3A_7 = vector.load %arg4[%swap3A, %swap3A_6] : memref<1000x64xf32, #tpu.memory_space<vmem>>, vector<1000x64xf32>
    tpu.vector_store %arg4[%swap3A, %swap3A_6], %dot_general3A_5 {strides = array<i32>} : memref<1000x64xf32, #tpu.memory_space<vmem>>, vector<1000x64xf32>,
    %get3A_8 = arith.constant 0 : index
    %get3A_9 = arith.constant 0 : index
    %get3A_10 = vector.load %arg3[%get3A_8, %get3A_9] : memref<64x64xf32, #tpu.memory_space<vmem>>, vector<64x64xf32>
    %dot_general3A_11 = arith.constant dense<0.000000e+00> : vector<1000x64xf32>
    %dot_general3A_12 = tpu.matmul %get3A_1, %get3A_10, %dot_general3A_11 {dimension_numbers = #tpu.dot_dimension_numbers<[1], [0], [0], [1], [0, 0, 1, 1], [], []>, transpose_lhs_hint = false} : vector<1000x64xf32>, vector<64x64xf32>, vector<1000x64xf32> -> vector<1000x64xf32>
    %swap3A_13 = arith.constant 0 : index
    %swap3A_14 = arith.constant 0 : index
    %swap3A_15 = vector.load %arg5[%swap3A_13, %swap3A_14] : memref<1000x64xf32, #tpu.memory_space<vmem>>, vector<1000x64xf32>
    tpu.vector_store %arg5[%swap3A_13, %swap3A_14], %dot_general3A_12 {strides = array<i32>} : memref<1000x64xf32, #tpu.memory_space<vmem>>, vector<1000x64xf32>,
    return
  }
  func.func @transform_0(%arg0: i32) -> (i32, i32) {
    %c0_i32 = arith.constant 0 : i32
    %c0_i32_0 = arith.constant 0 : i32
    return %arg0, %c0_i32 : i32, i32
  }
  func.func @transform_1(%arg0: i32) -> (i32, i32) {
    %c0_i32 = arith.constant 0 : i32
    %c0_i32_0 = arith.constant 0 : i32
    %c0_i32_1 = arith.constant 0 : i32
    return %c0_i32, %c0_i32_0 : i32, i32
  }
  func.func @transform_2(%arg0: i32) -> (i32, i32) {
    %c0_i32 = arith.constant 0 : i32
    %c0_i32_0 = arith.constant 0 : i32
    %c0_i32_1 = arith.constant 0 : i32
    return %c0_i32, %c0_i32_0 : i32, i32
  }
  func.func @transform_3(%arg0: i32) -> (i32, i32) {
    %c0_i32 = arith.constant 0 : i32
    %c0_i32_0 = arith.constant 0 : i32
    return %arg0, %c0_i32 : i32, i32
  }
  func.func @transform_4(%arg0: i32) -> (i32, i32) {
    %c0_i32 = arith.constant 0 : i32
    %c0_i32_0 = arith.constant 0 : i32
    return %arg0, %c0_i32 : i32, i32
  }
}

module attributes {stable_mosaic.version = 14 : i64} {
  func.func @_edge2_body(%arg0: i32, %arg1: memref<1000x64xf32, #tpu.memory_space<vmem>>, %arg2: memref<1000x64xf32, #tpu.memory_space<vmem>>, %arg3: memref<1x64xf32, #tpu.memory_space<vmem>>, %arg4: memref<1000x80xf32, #tpu.memory_space<vmem>>) attributes {dimension_semantics = [#tpu.dimension_semantics<arbitrary>], iteration_bounds = array<i64: 800>, scalar_prefetch = 0 : i64, scratch_operands = 0 : i64, tpu.core_type = #tpu.core_type<tc>, window_params = [{transform_indices = @transform_0, window_bounds = array<i64: 1000, 64>}, {transform_indices = @transform_1, window_bounds = array<i64: 1000, 64>}, {pipeline_mode = #tpu.pipeline_mode<synchronous>, transform_indices = @transform_2, window_bounds = array<i64: 1, 64>}, {transform_indices = @transform_3, window_bounds = array<i64: 1000, 80>}]} {
    %get3A = arith.constant 0 : index
    %get3A_0 = arith.constant 0 : index
    %get3A_1 = vector.load %arg1[%get3A, %get3A_0] : memref<1000x64xf32, #tpu.memory_space<vmem>>, vector<1000x64xf32>
    %get3A_2 = arith.constant 0 : index
    %get3A_3 = arith.constant 0 : index
    %get3A_4 = vector.load %arg2[%get3A_2, %get3A_3] : memref<1000x64xf32, #tpu.memory_space<vmem>>, vector<1000x64xf32>
    %add3A = arith.addf %get3A_1, %get3A_4 : vector<1000x64xf32>
    %ge3A = arith.constant 0.000000e+00 : f32
    %ge3A_5 = vector.broadcast %ge3A : f32 to vector<1000x64xf32>
    %ge3A_6 = arith.cmpf oge, %add3A, %ge3A_5 : vector<1000x64xf32>
    %mul3A = arith.constant 2.000000e-01 : f32
    %mul3A_7 = vector.broadcast %mul3A : f32 to vector<1000x64xf32>
    %mul3A_8 = arith.mulf %mul3A_7, %add3A : vector<1000x64xf32>
    %select_n3A = arith.select %ge3A_6, %add3A, %mul3A_8 : vector<1000x64xi1>, vector<1000x64xf32>
    %get3A_9 = arith.constant 0 : index
    %get3A_10 = arith.constant 0 : index
    %get3A_11 = vector.load %arg3[%get3A_9, %get3A_10] : memref<1x64xf32, #tpu.memory_space<vmem>>, vector<1x64xf32>
    %mul3A_12 = vector.broadcast %get3A_11 : vector<1x64xf32> to vector<1000x64xf32>
    %mul3A_13 = arith.mulf %select_n3A, %mul3A_12 : vector<1000x64xf32>
    %reduce_sum3A = arith.constant dense<0.000000e+00> : vector<1000xf32>
    %reduce_sum3A_14 = vector.multi_reduction <add>, %mul3A_13, %reduce_sum3A [1] : vector<1000x64xf32> to vector<1000xf32>
    %broadcast_in_dim3A = vector.shape_cast %reduce_sum3A_14 : vector<1000xf32> to vector<1000x1xf32>
    %exp3A = math.exp %broadcast_in_dim3A : vector<1000x1xf32>
    %broadcast_in_dim3A_15 = vector.shape_cast %exp3A : vector<1000x1xf32> to vector<1000x1xf32>
    %broadcast_in_dim3A_16 = vector.broadcast %broadcast_in_dim3A_15 : vector<1000x1xf32> to vector<1000x16xf32>
    %mul3A_17 = vector.broadcast %exp3A : vector<1000x1xf32> to vector<1000x64xf32>
    %mul3A_18 = arith.mulf %mul3A_17, %get3A_1 : vector<1000x64xf32>
    %concatenate3A = tpu.concatenate %mul3A_18, %broadcast_in_dim3A_16 in 1 : vector<1000x64xf32>, vector<1000x16xf32> -> vector<1000x80xf32>
    %swap3A = arith.constant 0 : index
    %swap3A_19 = arith.constant 0 : index
    %swap3A_20 = vector.load %arg4[%swap3A, %swap3A_19] : memref<1000x80xf32, #tpu.memory_space<vmem>>, vector<1000x80xf32>
    tpu.vector_store %arg4[%swap3A, %swap3A_19], %concatenate3A {strides = array<i32>} : memref<1000x80xf32, #tpu.memory_space<vmem>>, vector<1000x80xf32>,
    return
  }
  func.func @transform_0(%arg0: i32) -> (i32, i32) {
    %c0_i32 = arith.constant 0 : i32
    %c0_i32_0 = arith.constant 0 : i32
    return %arg0, %c0_i32 : i32, i32
  }
  func.func @transform_1(%arg0: i32) -> (i32, i32) {
    %c0_i32 = arith.constant 0 : i32
    %c0_i32_0 = arith.constant 0 : i32
    return %arg0, %c0_i32 : i32, i32
  }
  func.func @transform_2(%arg0: i32) -> (i32, i32) {
    %c0_i32 = arith.constant 0 : i32
    %c0_i32_0 = arith.constant 0 : i32
    %c0_i32_1 = arith.constant 0 : i32
    return %c0_i32, %c0_i32_0 : i32, i32
  }
  func.func @transform_3(%arg0: i32) -> (i32, i32) {
    %c0_i32 = arith.constant 0 : i32
    %c0_i32_0 = arith.constant 0 : i32
    return %arg0, %c0_i32 : i32, i32
  }
}

module attributes {stable_mosaic.version = 14 : i64} {
  func.func @_norm2_body(%arg0: i32, %arg1: memref<1000x80xf32, #tpu.memory_space<vmem>>, %arg2: memref<1x64xf32, #tpu.memory_space<vmem>>, %arg3: memref<1x64xf32, #tpu.memory_space<vmem>>, %arg4: memref<1000x64xf32, #tpu.memory_space<vmem>>) attributes {dimension_semantics = [#tpu.dimension_semantics<arbitrary>], iteration_bounds = array<i64: 50>, scalar_prefetch = 0 : i64, scratch_operands = 0 : i64, tpu.core_type = #tpu.core_type<tc>, window_params = [{transform_indices = @transform_0, window_bounds = array<i64: 1000, 80>}, {pipeline_mode = #tpu.pipeline_mode<synchronous>, transform_indices = @transform_1, window_bounds = array<i64: 1, 64>}, {pipeline_mode = #tpu.pipeline_mode<synchronous>, transform_indices = @transform_2, window_bounds = array<i64: 1, 64>}, {transform_indices = @transform_3, window_bounds = array<i64: 1000, 64>}]} {
    %get3A = arith.constant 0 : index
    %get3A_0 = arith.constant 0 : index
    %get3A_1 = vector.load %arg1[%get3A, %get3A_0] : memref<1000x80xf32, #tpu.memory_space<vmem>>, vector<1000x80xf32>
    %slice3A = vector.extract_strided_slice %get3A_1 {offsets = [0, 64], sizes = [1000, 1], strides = [1, 1]} : vector<1000x80xf32> to vector<1000x1xf32>
    %add3A = arith.constant 1.000000e-16 : f32
    %add3A_2 = vector.broadcast %add3A : f32 to vector<1000x1xf32>
    %add3A_3 = arith.addf %slice3A, %add3A_2 : vector<1000x1xf32>
    %slice3A_4 = vector.extract_strided_slice %get3A_1 {offsets = [0, 0], sizes = [1000, 64], strides = [1, 1]} : vector<1000x80xf32> to vector<1000x64xf32>
    %div3A = vector.broadcast %add3A_3 : vector<1000x1xf32> to vector<1000x64xf32>
    %div3A_5 = arith.divf %slice3A_4, %div3A : vector<1000x64xf32>
    %get3A_6 = arith.constant 0 : index
    %get3A_7 = arith.constant 0 : index
    %get3A_8 = vector.load %arg2[%get3A_6, %get3A_7] : memref<1x64xf32, #tpu.memory_space<vmem>>, vector<1x64xf32>
    %get3A_9 = arith.constant 0 : index
    %get3A_10 = arith.constant 0 : index
    %get3A_11 = vector.load %arg3[%get3A_9, %get3A_10] : memref<1x64xf32, #tpu.memory_space<vmem>>, vector<1x64xf32>
    %reduce_sum3A = arith.constant dense<0.000000e+00> : vector<1000xf32>
    %reduce_sum3A_12 = vector.multi_reduction <add>, %div3A_5, %reduce_sum3A [1] : vector<1000x64xf32> to vector<1000xf32>
    %broadcast_in_dim3A = vector.shape_cast %reduce_sum3A_12 : vector<1000xf32> to vector<1000x1xf32>
    %div3A_13 = arith.constant 6.400000e+01 : f32
    %div3A_14 = vector.broadcast %div3A_13 : f32 to vector<1000x1xf32>
    %div3A_15 = arith.divf %broadcast_in_dim3A, %div3A_14 : vector<1000x1xf32>
    %jit3A = arith.constant 0 : i32
    %reduce_sum3A_16 = arith.constant dense<0.000000e+00> : vector<1000xf32>
    %reduce_sum3A_17 = vector.multi_reduction <add>, %div3A_5, %reduce_sum3A_16 [1] : vector<1000x64xf32> to vector<1000xf32>
    %broadcast_in_dim3A_18 = vector.shape_cast %reduce_sum3A_17 : vector<1000xf32> to vector<1000x1xf32>
    %div3A_19 = arith.constant 6.400000e+01 : f32
    %div3A_20 = vector.broadcast %div3A_19 : f32 to vector<1000x1xf32>
    %div3A_21 = arith.divf %broadcast_in_dim3A_18, %div3A_20 : vector<1000x1xf32>
    %sub3A = vector.broadcast %div3A_21 : vector<1000x1xf32> to vector<1000x64xf32>
    %sub3A_22 = arith.subf %div3A_5, %sub3A : vector<1000x64xf32>
    %square3A = arith.mulf %sub3A_22, %sub3A_22 : vector<1000x64xf32>
    %convert_element_type3A = arith.sitofp %jit3A : i32 to f32
    %sub3A_23 = arith.constant 6.400000e+01 : f32
    %sub3A_24 = arith.subf %sub3A_23, %convert_element_type3A : f32
    %reduce_sum3A_25 = arith.constant dense<0.000000e+00> : vector<1000xf32>
    %reduce_sum3A_26 = vector.multi_reduction <add>, %square3A, %reduce_sum3A_25 [1] : vector<1000x64xf32> to vector<1000xf32>
    %broadcast_in_dim3A_27 = vector.shape_cast %reduce_sum3A_26 : vector<1000xf32> to vector<1000x1xf32>
    %div3A_28 = vector.broadcast %sub3A_24 : f32 to vector<1000x1xf32>
    %div3A_29 = arith.divf %broadcast_in_dim3A_27, %div3A_28 : vector<1000x1xf32>
    %gt3A = arith.constant 0.000000e+00 : f32
    %gt3A_30 = arith.cmpf ogt, %sub3A_24, %gt3A : f32
    %jit3A_31 = arith.constant 0x7FC00000 : f32
    %broadcast_in_dim3A_32 = vector.broadcast %jit3A_31 : f32 to vector<1000x1xf32>
    %select_n3A = arith.select %gt3A_30, %div3A_29, %broadcast_in_dim3A_32 : vector<1000x1xf32>
    %sub3A_33 = vector.broadcast %div3A_15 : vector<1000x1xf32> to vector<1000x64xf32>
    %sub3A_34 = arith.subf %div3A_5, %sub3A_33 : vector<1000x64xf32>
    %add3A_35 = arith.constant 9.99999974E-6 : f32
    %add3A_36 = vector.broadcast %add3A_35 : f32 to vector<1000x1xf32>
    %add3A_37 = arith.addf %select_n3A, %add3A_36 : vector<1000x1xf32>
    %sqrt3A = math.sqrt %add3A_37 : vector<1000x1xf32>
    %div3A_38 = vector.broadcast %sqrt3A : vector<1000x1xf32> to vector<1000x64xf32>
    %div3A_39 = arith.divf %sub3A_34, %div3A_38 : vector<1000x64xf32>
    %mul3A = vector.broadcast %get3A_8 : vector<1x64xf32> to vector<1000x64xf32>
    %mul3A_40 = arith.mulf %div3A_39, %mul3A : vector<1000x64xf32>
    %add3A_41 = vector.broadcast %get3A_11 : vector<1x64xf32> to vector<1000x64xf32>
    %add3A_42 = arith.addf %mul3A_40, %add3A_41 : vector<1000x64xf32>
    %ge3A = arith.constant 0.000000e+00 : f32
    %ge3A_43 = vector.broadcast %ge3A : f32 to vector<1000x64xf32>
    %ge3A_44 = arith.cmpf oge, %add3A_42, %ge3A_43 : vector<1000x64xf32>
    %mul3A_45 = arith.constant 2.000000e-01 : f32
    %mul3A_46 = vector.broadcast %mul3A_45 : f32 to vector<1000x64xf32>
    %mul3A_47 = arith.mulf %mul3A_46, %add3A_42 : vector<1000x64xf32>
    %select_n3A_48 = arith.select %ge3A_44, %add3A_42, %mul3A_47 : vector<1000x64xi1>, vector<1000x64xf32>
    %swap3A = arith.constant 0 : index
    %swap3A_49 = arith.constant 0 : index
    %swap3A_50 = vector.load %arg4[%swap3A, %swap3A_49] : memref<1000x64xf32, #tpu.memory_space<vmem>>, vector<1000x64xf32>
    tpu.vector_store %arg4[%swap3A, %swap3A_49], %select_n3A_48 {strides = array<i32>} : memref<1000x64xf32, #tpu.memory_space<vmem>>, vector<1000x64xf32>,
    return
  }
  func.func @transform_0(%arg0: i32) -> (i32, i32) {
    %c0_i32 = arith.constant 0 : i32
    %c0_i32_0 = arith.constant 0 : i32
    return %arg0, %c0_i32 : i32, i32
  }
  func.func @transform_1(%arg0: i32) -> (i32, i32) {
    %c0_i32 = arith.constant 0 : i32
    %c0_i32_0 = arith.constant 0 : i32
    %c0_i32_1 = arith.constant 0 : i32
    return %c0_i32, %c0_i32_0 : i32, i32
  }
  func.func @transform_2(%arg0: i32) -> (i32, i32) {
    %c0_i32 = arith.constant 0 : i32
    %c0_i32_0 = arith.constant 0 : i32
    %c0_i32_1 = arith.constant 0 : i32
    return %c0_i32, %c0_i32_0 : i32, i32
  }
  func.func @transform_3(%arg0: i32) -> (i32, i32) {
    %c0_i32 = arith.constant 0 : i32
    %c0_i32_0 = arith.constant 0 : i32
    return %arg0, %c0_i32 : i32, i32
  }
}

module attributes {stable_mosaic.version = 14 : i64} {
  func.func @_final_body(%arg0: i32, %arg1: memref<16xi32, #tpu.memory_space<smem>>, %arg2: memref<1x1x64xf32, #tpu.memory_space<vmem>>, %arg3: memref<64x400xf32, #tpu.memory_space<vmem>>, %arg4: memref<1x400xf32, #tpu.memory_space<vmem>>, %arg5: memref<1x1x400xf32, #tpu.memory_space<vmem>>) attributes {dimension_semantics = [#tpu.dimension_semantics<arbitrary>], iteration_bounds = array<i64: 16>, scalar_prefetch = 1 : i64, scratch_operands = 0 : i64, tpu.core_type = #tpu.core_type<tc>, window_params = [{transform_indices = @transform_0, window_bounds = array<i64: 1, 1, 64>}, {pipeline_mode = #tpu.pipeline_mode<synchronous>, transform_indices = @transform_1, window_bounds = array<i64: 64, 400>}, {pipeline_mode = #tpu.pipeline_mode<synchronous>, transform_indices = @transform_2, window_bounds = array<i64: 1, 400>}, {transform_indices = @transform_3, window_bounds = array<i64: 1, 1, 400>}]} {
    %get3A = arith.constant 0 : index
    %get3A_0 = arith.constant 0 : index
    %get3A_1 = arith.constant 0 : index
    %get3A_2 = vector.load %arg2[%get3A, %get3A_0, %get3A_1] : memref<1x1x64xf32, #tpu.memory_space<vmem>>, vector<1x1x64xf32>
    %get3A_3 = vector.shape_cast %get3A_2 : vector<1x1x64xf32> to vector<1x64xf32>
    %get3A_4 = arith.constant 0 : index
    %get3A_5 = arith.constant 0 : index
    %get3A_6 = vector.load %arg3[%get3A_4, %get3A_5] : memref<64x400xf32, #tpu.memory_space<vmem>>, vector<64x400xf32>
    %dot_general3A = arith.constant dense<0.000000e+00> : vector<1x400xf32>
    %dot_general3A_7 = tpu.matmul %get3A_3, %get3A_6, %dot_general3A {dimension_numbers = #tpu.dot_dimension_numbers<[1], [0], [0], [1], [0, 0, 1, 1], [], []>, transpose_lhs_hint = false} : vector<1x64xf32>, vector<64x400xf32>, vector<1x400xf32> -> vector<1x400xf32>
    %get3A_8 = arith.constant 0 : index
    %get3A_9 = arith.constant 0 : index
    %get3A_10 = vector.load %arg4[%get3A_8, %get3A_9] : memref<1x400xf32, #tpu.memory_space<vmem>>, vector<1x400xf32>
    %add3A = arith.addf %dot_general3A_7, %get3A_10 : vector<1x400xf32>
    %swap3A = arith.constant 0 : index
    %swap3A_11 = arith.constant 0 : index
    %swap3A_12 = arith.constant 0 : index
    %swap3A_13 = vector.load %arg5[%swap3A, %swap3A_11, %swap3A_12] : memref<1x1x400xf32, #tpu.memory_space<vmem>>, vector<1x1x400xf32>
    %swap3A_14 = vector.shape_cast %swap3A_13 : vector<1x1x400xf32> to vector<1x400xf32>
    %swap3A_15 = vector.shape_cast %add3A : vector<1x400xf32> to vector<1x1x400xf32>
    tpu.vector_store %arg5[%swap3A, %swap3A_11, %swap3A_12], %swap3A_15 {strides = array<i32>} : memref<1x1x400xf32, #tpu.memory_space<vmem>>, vector<1x1x400xf32>,
    return
  }
  func.func @transform_0(%arg0: i32, %arg1: memref<16xi32, #tpu.memory_space<smem>>) -> (i32, i32, i32) {
    %get3A = arith.index_cast %arg0 : i32 to index
    %get3A_0 = memref.load %arg1[%get3A] : memref<16xi32, #tpu.memory_space<smem>>
    %c0_i32 = arith.constant 0 : i32
    %c0_i32_1 = arith.constant 0 : i32
    %c0_i32_2 = arith.constant 0 : i32
    return %get3A_0, %c0_i32, %c0_i32_1 : i32, i32, i32
  }
  func.func @transform_1(%arg0: i32, %arg1: memref<16xi32, #tpu.memory_space<smem>>) -> (i32, i32) {
    %c0_i32 = arith.constant 0 : i32
    %c0_i32_0 = arith.constant 0 : i32
    %c0_i32_1 = arith.constant 0 : i32
    return %c0_i32, %c0_i32_0 : i32, i32
  }
  func.func @transform_2(%arg0: i32, %arg1: memref<16xi32, #tpu.memory_space<smem>>) -> (i32, i32) {
    %c0_i32 = arith.constant 0 : i32
    %c0_i32_0 = arith.constant 0 : i32
    %c0_i32_1 = arith.constant 0 : i32
    return %c0_i32, %c0_i32_0 : i32, i32
  }
  func.func @transform_3(%arg0: i32, %arg1: memref<16xi32, #tpu.memory_space<smem>>) -> (i32, i32, i32) {
    %c0_i32 = arith.constant 0 : i32
    %c0_i32_0 = arith.constant 0 : i32
    %c0_i32_1 = arith.constant 0 : i32
    return %arg0, %c0_i32, %c0_i32_0 : i32, i32, i32
  }
}

</mosaic_0001>

<sc_bundles>
// kernel: kernel.13.cloned.1.call-start
scs
__scs_entry_jumppad:
0x0: {  	(pc) =	sbr.rel $0x88, $3  }
0x1: {  	(tag) =	ssettag $0x0;
	lr =	simm.s32 $0x1  }
0x2: {  	[smem:$0x3F92] =	sst lr;
	_ =	strace $0xD0000000  }
0x3: {  	_ = 	snop  }
0x4: {  	_ = 	snop  }
0x5: {  	_ = 	snop  }
0x6: {  	_ = 	snop  }
0x7: {  	_ = 	snop  }
__scs_overlays_trampoline_lowered:
0x8: {  	[smem:$0x3FA1] =	sst s0  }
0x9: {  	[smem:$0x3FA2] =	sst s1  }
0xa: {  	[smem:$0x3FA3] =	sst s2  }
0xb: {  	[smem:$0x3FA4] =	sst s3  }
0xc: {  	[smem:$0x3FA5] =	sst s4  }
0xd: {  	[smem:$0x3FA6] =	sst s5  }
0xe: {  	[smem:$0x3FA7] =	sst s6  }
0xf: {  	[smem:$0x3FA8] =	sst s7  }
0x10: {  	[smem:$0x3FA9] =	sst s8  }
0x11: {  	[smem:$0x3FAA] =	sst s9;
	s0 =	simm.s32 @!p0 $0x0  }
0x12: {  	s1 =	sld [smem:$0x3F90];
	s0 =	simm.s32 @p0 $0x1  }
0x13: {  	[smem:$0x3FAB] =	sst s0;
	s0 =	simm.s32 @!p1 $0x0  }
0x14: {  	s2 =	sld [smem:$0x3F8F];
	s0 =	simm.s32 @p1 $0x1  }
0x15: {  	[smem:$0x3FAC] =	sst s0;
	s0 =	simm.s32 @!p2 $0x0  }
0x16: {  	s3 =	sld [smem:$0x3FDB];
	s0 =	simm.s32 @p2 $0x1  }
0x17: {  	s4 =	simm.s32 $0x1BF5;
	[smem:$0x3FAE] =	sst s0  }
0x18: {  	s0 =	sld [smem:$0x3F91];
	_ =	swait.ge [sflag:s4], $0x0  }
0x19: {  	s7 =	sld [smem:$0x3F92]  }
0x1a: {  	s8 =	sadd.s32 $0xFFFFE003, lr  }
0x1b: {  	s9 =	sadd.s32 $0xFFFFFEF7, lr;
	s5 =	simm.s32 $0xFFFFFFFF;
	p2 =	slt.u32 s8, $0xFFFFF086  }
0x1c: {  	p1 =	slt.u32 s9, $0xF7A;
	s5 =	simm.s32 @!p2 $0x0  }
0x1d: {  	s5 =	simm.s32 @p1 $0x1;
	p0 =	seq.s32 s7, s2  }
0x1e: {  	s7 =	smul.u32 @!p0 $0xF7A, s2;
	p2 =	seq.s32 @!p0 s5, $0x0  }
0x1f: {  	s9 =	smul.u32 $0xF7A, s1;
	s8 =	simm.s32 @!p0 $0x1BF5;
	p2 =	por !p2, p0  }
0x20: {  	[sflag:s8] =	ssyncset.s32 @!p0 $0xFFFFF086;
	s6 =	sadd.s32 @!p0 s3, s7;
	s7 =	simm.s32 @!p0 $0x108  }
0x21: {  	s3 =	sadd.s32 s3, s9;
	s6 =	sadd.s32 @!p0 $0x88, s6;
	s7 =	simm.s32 @p2 $0x1082  }
0x22: {  	[simem:s7], [sflag:s8] =	dma.local @!p0 [hbm:s6], $0xF7A  }
0x23: {  	s9 =	sor.u32 $0xD0000000, s2;
	s6 =	simm.s32 $0x108;
	_ =	swait.ge @!p0 [sflag:s8], $0x0  }
0x24: {  	s3 =	sadd.s32 $0x88, s3;
	s6 =	simm.s32 @!p1 $0x1082;
	[sflag:s4] =	ssyncset.s32 $0xFFFFF086  }
0x25: {  	[simem:s6], [sflag:s4] =	dma.local [hbm:s3], $0xF7A  }
0x26: {  	[smem:$0x3F92] =	sst s1;
	(tag) =	ssettag s2;
	_ =	strace s9  }
0x27: {  	s1 =	sld [smem:$0x3FA2]  }
0x28: {  	s2 =	sld [smem:$0x3FA3]  }
0x29: {  	s4 =	sld [smem:$0x3FA5]  }
0x2a: {  	p0 =	seq.s32 s5, $0x0;
	s5 =	sld [smem:$0x3FA6]  }
0x2b: {  	s6 =	sld [smem:$0x3FA7]  }
0x2c: {  	s7 =	sld [smem:$0x3FA8]  }
0x2d: {  	s3 =	simm.s32 $0x108;
	s8 =	sld [smem:$0x3FA9]  }
0x2e: {  	s3 =	simm.s32 @!p0 $0x1082;
	s9 =	sld [smem:$0x3FAA]  }
0x2f: {  	lr =	sadd.s32 s0, s3;
	s0 =	sld [smem:$0x3FA1]  }
0x30: {  	s3 =	sld [smem:$0x3FA4]  }
0x31: {  	[smem:$0x3FAD] =	sst s10  }
0x32: {  	s10 =	sld [smem:$0x3FAB];
	_ =	sdelay $0x3  }
0x33: {  	p0 =	seq.s32 s10, $0x1;
	s10 =	sld [smem:$0x3FAD];
	_ =	sdelay $0x3  }
0x34: {  	[smem:$0x3FAD] =	sst s10  }
0x35: {  	s10 =	sld [smem:$0x3FAC];
	_ =	sdelay $0x3  }
0x36: {  	p1 =	seq.s32 s10, $0x1;
	s10 =	sld [smem:$0x3FAD];
	_ =	sdelay $0x3  }
0x37: {  	[smem:$0x3FAD] =	sst s10  }
0x38: {  	s10 =	sld [smem:$0x3FAE]  }
0x39: {  	_ = 	snop;
	(pc) =	sbr.ind lr, $3  }
0x3a: {  	_ = 	snop  }
0x3b: {  	_ = 	snop  }
0x3c: {  	p2 =	seq.s32 s10, $0x1;
	s10 =	sld [smem:$0x3FAD]  }
0x3d: {  	_ =	shalt  }
0x3e: {  	_ =	shalt  }
0x3f: {  	_ =	shalt  }
0x40: {  	_ =	shalt  }
0x41: {  	_ =	shalt  }
0x42: {  	_ =	shalt  }
0x43: {  	_ =	shalt  }
0x44: {  	_ =	shalt  }
0x45: {  	_ =	shalt  }
0x46: {  	_ =	shalt  }
0x47: {  	_ =	shalt  }
0x48: {  	_ =	shalt  }
0x49: {  	_ =	shalt  }
0x4a: {  	_ =	shalt  }
0x4b: {  	_ =	shalt  }
0x4c: {  	_ =	shalt  }
0x4d: {  	_ =	shalt  }
0x4e: {  	_ =	shalt  }
0x4f: {  	_ =	shalt  }
0x50: {  	_ =	shalt  }
0x51: {  	_ =	shalt  }
0x52: {  	_ =	shalt  }
0x53: {  	_ =	shalt  }
0x54: {  	_ =	shalt  }
0x55: {  	_ =	shalt  }
0x56: {  	_ =	shalt  }
0x57: {  	_ =	shalt  }
0x58: {  	_ =	shalt  }
0x59: {  	_ =	shalt  }
0x5a: {  	_ =	shalt  }
0x5b: {  	_ =	shalt  }
0x5c: {  	_ =	shalt  }
0x5d: {  	_ =	shalt  }
0x5e: {  	_ =	shalt  }
0x5f: {  	_ =	shalt  }
0x60: {  	_ =	shalt  }
0x61: {  	_ =	shalt  }
0x62: {  	_ =	shalt  }
0x63: {  	_ =	shalt  }
0x64: {  	_ =	shalt  }
0x65: {  	_ =	shalt  }
0x66: {  	_ =	shalt  }
0x67: {  	_ =	shalt  }
0x68: {  	_ =	shalt  }
0x69: {  	_ =	shalt  }
0x6a: {  	_ =	shalt  }
0x6b: {  	_ =	shalt  }
0x6c: {  	_ =	shalt  }
0x6d: {  	_ =	shalt  }
0x6e: {  	_ =	shalt  }
0x6f: {  	_ =	shalt  }
0x70: {  	_ =	shalt  }
0x71: {  	_ =	shalt  }
0x72: {  	_ =	shalt  }
0x73: {  	_ =	shalt  }
0x74: {  	_ =	shalt  }
0x75: {  	_ =	shalt  }
0x76: {  	_ =	shalt  }
0x77: {  	_ =	shalt  }
0x78: {  	_ =	shalt  }
0x79: {  	_ =	shalt  }
0x7a: {  	_ =	shalt  }
0x7b: {  	_ =	shalt  }
0x7c: {  	_ =	shalt  }
0x7d: {  	_ =	shalt  }
0x7e: {  	_ =	shalt  }
0x7f: {  	_ =	shalt  }
0x80: {  	_ =	shalt  }
0x81: {  	_ =	shalt  }
0x82: {  	_ =	shalt  }
0x83: {  	_ =	shalt  }
0x84: {  	_ =	shalt  }
0x85: {  	_ =	shalt  }
0x86: {  	_ =	shalt  }
0x87: {  	_ =	shalt  }
.Lfunc_end0:
.L_simem_size_0:
called_computation_lowered:
.L_overlay_start_0:
0x88: {  	s2 =	sld [smem:$0x3FD9]  }
0x89: {  	s3 =	sld [smem:$0x3FFE];
	_ =	sdelay $0x1  }
0x8a: {  	s1 =	srdreg.scid  }
0x8b: {  	s0 =	sand.u32 $0x1, s1  }
0x8c: {  	s16 =	sshll.u32 s0, $0xA;
	s2 =	sadd.s32 s3, s2  }
0x8d: {  	s2 =	sadd.s32 s2, s16  }
0x8e: {  	[smem:$0x3FB9] =	sst s2  }
0x8f: {  	_ = 	snop  }
0x90: {  	(tm) =	ssettm $0x1  }
0x91: {  	s17 =	sld [smem:$0x3FFB];
	_ =	sdelay $0x3  }
0x92: {  	_ =	strace s17  }
0x93: {  	s2 =	sld [smem:$0x3FFC];
	_ =	sdelay $0x3  }
0x94: {  	_ =	strace s2  }
0x95: {  	s2 =	sld [smem:$0x3FFD];
	_ =	sdelay $0x3  }
0x96: {  	_ =	strace s2  }
0x97: {  	_ =	strace $0x8FFFFFFF  }
0x98: {  	s18 =	sld [smem:$0x3FDB];
	_ =	sdelay $0x1  }
0x99: {  	s19 =	simm.s32 $_scs_section_size  }
0x9a: {  	s4 =	simm.s32 $_size__tile_overlayer_lowered;
	s5 =	simm.s32 $_tile_overlayer_lowered  }
0x9b: {  	s22 =	simm.s32 $0x1BFF;
	s21 =	sshll.u32 s5, $0x1;
	s2 =	sadd.s32 s19, s18  }
0x9c: {  	s6 =	simm.s32 $0x0;
	s20 =	sshll.u32 s4, $0x1;
	s4 =	sadd.s32 s21, s2  }
0x9d: {  	[timem:s6], [sflag:s22] =	dma.local [hbm:s4], s20  }
0x9e: {  	_ =	swait.ge [sflag:s22], s20  }
0x9f: {  	s3 =	ssub.s32 $0x0, s20;
	[sflag:s22] =	ssyncset.done $0x0  }
0xa0: {  	[sflag:s22] =	ssyncadd.s32 s3;
	_ =	sdelay $0x1  }
0xa1: {  	s23 =	simm.s32 $0x1B8B  }
0xa2: {  	_ =	swait.ge [sflag:s23], $0x1  }
0xa3: {  	[sflag:s23] =	ssyncset.done $0x0  }
0xa4: {  	s25 =	simm.s32 $0x1B8E;
	s24 =	sld [smem:$0x3FFE];
	[sflag:s23] =	ssyncadd.s32 $0xFFFFFFFF  }
0xa5: {  	s26 =	simm.s32 $execute0_lowered;
	[smem:$0x3FD2] =	sst s25  }
0xa6: {  	s4 =	sshll.u32 s26, $0x1;
	_ =	strace $0x80000046;
	[dreg:$0x1] =	wrdreg $0xFFFFFFFF  }
0xa7: {  	s28 =	simm.s32 $_size_execute0_lowered;
	s2 =	sadd.s32 s2, s4;
	[dreg:$0x0] =	wrdreg $0x0  }
0xa8: {  	s4 =	sshll.u32 s28, $0x1;
	[dreg:$0x2] =	wrdreg s2  }
0xa9: {  	[dreg:$0x3] =	wrdreg s4  }
0xaa: {  	[dreg:$0x4] =	wrdreg $0xC0  }
0xab: {  	_ =	task [dreg:s6], $0x5FFFF  }
0xac: {  	[dreg:$0x1] =	wrdreg $0xFFFFFFFF  }
0xad: {  	[dreg:$0x0] =	wrdreg $0x60  }
0xae: {  	[dreg:$0x2] =	wrdreg s24  }
0xaf: {  	[dreg:$0x3] =	wrdreg $0x9  }
0xb0: {  	_ =	task.clear_ibuf [dreg:s6], $0x4FFFF;
	_ =	strace $0x90000046  }
0xb1: {  	s29 =	simm.s32 $0x9;
	_ =	strace $0x80000048  }
0xb2: {  	_ =	swait.ge [sflag:s29], $0x1  }
0xb3: {  	[sflag:s29] =	ssyncadd.s32 $0xFFFFFFFF  }
0xb4: {  	_ =	strace $0x90000048  }
0xb5: {  	_ =	sfence  }
0xb6: {  	s30 =	sld [smem:$0x0];
	_ =	sdelay $0x2  }
0xb7: {  	s31 =	sshll.u32 s1, $0xD;
	s1 =	sshrl.u32 s1, $0x2  }
0xb8: {  	s3 =	sand.u32 $0x4000, s31;
	s1 =	sadd.s32 s1, s30  }
0xb9: {  	s0 =	sor.u32 s3, s0;
	s1 =	sshll.u32 s1, $0x11  }
0xba: {  	s0 =	sor.u32 s1, s0  }
0xbb: {  	s0 =	sadd.s32 $0x8F2B, s0  }
0xbc: {  	[sflag:s0] =	ssyncadd.remote.s32 $0x1  }
0xbd: {  	_ =	sfence.sel $0xFFFF  }
0xbe: {  	[dreg:$0x0] =	wrdreg $0xFFFFFFFF;
	(pc) =	sbr.abs _section_cstart, $3  }
0xbf: {  	[dreg:$0x1] =	wrdreg $0xFFFFFFFF  }
0xc0: {  	_ =	task.clear_ibuf [dreg:s6], $0x2FFFF;
	_ =	strace $0x9FFFFFFF  }
0xc1: {  	(tm) =	ssettm $0x7FFFFFFF  }
tec
execute0_lowered:
.L_overlay_start_1:
0x0: {  	(tag) =	ssettag $0x1  }
0x1: {  	s5 =	rddreg [dreg:$0x0]  }
0x2: {  	s0 =	rddreg [dreg:$0x1];
	s1 =	simm.s32 $0x0  }
0x3: {  	s4 =	srdreg.scid;
	s2 =	stileid.u32;
	s18 =	simm.s32 $0x1  }
0x4: {  	s19 =	simm.s32 $0x2;
	s20 =	simm.s32 $0x0;
	[smem:$0x7FF] =	sst s1  }
0x5: {  	s3 =	sadd.s32 $0x96200, s5;
	s11 =	sand.u32 $0x1, s4;
	s4 =	sadd.s32 $0x34600, s5  }
0x6: {  	s6 =	sshll.u32 s2, $0x8;
	s12 =	sadd.s32 $0x3600, s5;
	s10 =	sadd.s32 $0x1BE00, s5  }
0x7: {  	s14 =	sadd.s32 $0x712600, s5;
	s15 =	sadd.s32 $0xF7E00, s5;
	s30 =	sshll.u32 s2, $0xB  }
0x8: {  	p0 =	sgt.u32 s2, $0x4;
	_ =	strace $0x80000047;
	s7 =	sshll.u32 s11, $0x7  }
0x9: {  	s28 =	ssub.s32 $0x2, s11;
	s17 =	sshll.u32 s11, $0xA;
	s13 =	sor.u32 s7, s6  }
0xa: {  	s31 =	sadd.s32 s30, s14;
	s29 =	sshrl.u32 s28, $0x1;
	s7 =	sor.u32 $0xC3000, s13  }
0xb: {  	s9 =	ssub.s32 s28, s29;
	s13 =	sshrl.u32 s13, $0x3;
	s8 =	sshrl.u32 s7, $0x3  }
0xc: {  	s16 =	sshll.u32 s7, $0x3;
	s9 =	smax.u32 s9, $0x1;
	s11 =	sadd.s32 s13, s12  }
0xd: {  	s5 =	sadd.s32 s12, s8;
	s6 =	sadd.s32 s10, s8;
	s7 =	sadd.s32 s14, s16  }
0xe: {  	s8 =	sadd.s32 s15, s16;
	s10 =	sadd.s32 s13, s10;
	s15 =	sadd.s32 s30, s15  }
0xf: {  	s13 =	sadd.s32 s17, s31;
	s14 =	simm.s32 $0x3;
	s16 =	simm.s32 $0x100  }
0x10: {  	s12 =	sadd.s32 s17, s15;
	s15 =	simm.s32 $0x80;
	s17 =	simm.s32 $0x2100  }
.LBB2_1:
0x11: {  	s21 =	sadd.s32 $0x0, s11  }
0x12: {  	[tilespmem:s1], [sflag:$0x3] =	stream.linear.gather [hbm4b:s21+s1], $0x80, $0x38;
	[tilespmem:$0x4100] =	vst v63  }
0x13: {  	_ =	swait.ge [sflag:s14], $0x80  }
0x14: {  	[sflag:s14] =	ssyncset.done $0x0  }
0x15: {  	s31 =	sadd.s32 $0x0, s10;
	[sflag:s14] =	ssyncadd.s32 $0xFFFFFF80  }
0x16: {  	[tilespmem:s15], [sflag:$0x3] =	stream.linear.gather [hbm4b:s31+s1], $0x80, $0x38;
	[tilespmem:$0x4100] =	vst v63  }
0x17: {  	_ =	swait.ge [sflag:s14], $0x80  }
0x18: {  	[sflag:s14] =	ssyncset.done $0x0  }
0x19: {  	[sflag:s14] =	ssyncadd.s32 $0xFFFFFF80  }
0x1a: {  	[tilespmem:s16], [sflag:$0x1] =	stream.indirect.gather [hbm4b:s3+s15], $0x40, s1, s15, $0xb8;
	[tilespmem:$0x4100] =	vst v63  }
0x1b: {  	_ = 	snop  }
0x1c: {  	[tilespmem:s17], [sflag:$0x2] =	stream.indirect.gather [hbm4b:s4+s15], $0x40, s15, s15, $0xb8;
	[tilespmem:$0x4100] =	vst v63  }
0x1d: {  	_ =	swait.ge [sflag:s18], $0x2000  }
0x1e: {  	[sflag:s18] =	ssyncset.done $0x0  }
0x1f: {  	[sflag:s18] =	ssyncadd.s32 $0xFFFFE000  }
0x20: {  	_ =	swait.ge [sflag:s19], $0x2000  }
0x21: {  	[sflag:s19] =	ssyncset.done $0x0  }
0x22: {  	[sflag:s19] =	ssyncadd.s32 $0xFFFFE000  }
0x23: {  	[hbm4b:s13+s1] =	stream.linear.scatter [tilespmem:s16], [sflag:$0x3], $0x2000, $0x38;
	[tilespmem:$0x4100] =	vst v63  }
0x24: {  	_ =	swait.ge [sflag:s14], $0x2000  }
0x25: {  	[sflag:s14] =	ssyncset.done $0x0  }
0x26: {  	[sflag:s14] =	ssyncadd.s32 $0xFFFFE000  }
0x27: {  	[hbm4b:s12+s1] =	stream.linear.scatter [tilespmem:s17], [sflag:$0x3], $0x2000, $0x38;
	[tilespmem:$0x4100] =	vst v63  }
0x28: {  	s23 =	simm.s32 $0x200;
	s24 =	simm.s32 $0x400;
	_ =	swait.ge [sflag:s14], $0x2000  }
0x29: {  	s22 =	sadd.s32 $0x8000, s13;
	s21 =	sadd.s32 $0x8000, s12;
	[sflag:s14] =	ssyncset.done $0x0  }
.LBB2_2:
0x2a: {  	s25 =	sadd.s32 s23, s11  }
0x2b: {  	[sflag:s14] =	ssyncadd.s32 $0xFFFFE000;
	s26 =	smov.u32 s24;
	s28 =	sadd.s32 $0x200, s24  }
0x2c: {  	[tilespmem:s1], [sflag:$0x3] =	stream.linear.gather [hbm4b:s25+s1], $0x80, $0x38;
	[tilespmem:$0x4100] =	vst v63  }
0x2d: {  	p1 =	sne.s32 s24, $0x18400;
	_ =	swait.ge [sflag:s14], $0x80  }
0x2e: {  	[sflag:s14] =	ssyncset.done $0x0  }
0x2f: {  	s24 =	sadd.s32 s23, s10;
	s23 =	smov.u32 s26;
	[sflag:s14] =	ssyncadd.s32 $0xFFFFFF80  }
0x30: {  	[tilespmem:s15], [sflag:$0x3] =	stream.linear.gather [hbm4b:s24+s1], $0x80, $0x38;
	[tilespmem:$0x4100] =	vst v63  }
0x31: {  	_ =	swait.ge [sflag:s14], $0x80  }
0x32: {  	[sflag:s14] =	ssyncset.done $0x0  }
0x33: {  	[sflag:s14] =	ssyncadd.s32 $0xFFFFFF80  }
0x34: {  	[tilespmem:s16], [sflag:$0x1] =	stream.indirect.gather [hbm4b:s3+s15], $0x40, s1, s15, $0xb8;
	[tilespmem:$0x4100] =	vst v63  }
0x35: {  	_ = 	snop  }
0x36: {  	[tilespmem:s17], [sflag:$0x2] =	stream.indirect.gather [hbm4b:s4+s15], $0x40, s15, s15, $0xb8;
	[tilespmem:$0x4100] =	vst v63  }
0x37: {  	_ =	swait.ge [sflag:s18], $0x2000  }
0x38: {  	[sflag:s18] =	ssyncset.done $0x0  }
0x39: {  	[sflag:s18] =	ssyncadd.s32 $0xFFFFE000  }
0x3a: {  	_ =	swait.ge [sflag:s19], $0x2000  }
0x3b: {  	[sflag:s19] =	ssyncset.done $0x0  }
0x3c: {  	[sflag:s19] =	ssyncadd.s32 $0xFFFFE000  }
0x3d: {  	[hbm4b:s22+s1] =	stream.linear.scatter [tilespmem:s16], [sflag:$0x3], $0x2000, $0x38;
	[tilespmem:$0x4100] =	vst v63  }
0x3e: {  	_ =	swait.ge [sflag:s14], $0x2000  }
.Ltmp0:
0x3f: {  	[sflag:s14] =	ssyncset.done $0x0;
	(pc) =	sbr.rel @p1 .LBB2_2-.Ltmp0, $4  }
0x40: {  	[sflag:s14] =	ssyncadd.s32 $0xFFFFE000  }
0x41: {  	[hbm4b:s21+s1] =	stream.linear.scatter [tilespmem:s17], [sflag:$0x3], $0x2000, $0x38;
	[tilespmem:$0x4100] =	vst v63  }
0x42: {  	s24 =	smov.u32 s28;
	_ =	swait.ge [sflag:s14], $0x2000  }
0x43: {  	s22 =	sadd.s32 $0x8000, s22;
	s21 =	sadd.s32 $0x8000, s21;
	[sflag:s14] =	ssyncset.done $0x0  }
0x44: {  	s24 =	sadd.s32 s23, s11;
	[sflag:s14] =	ssyncadd.s32 $0xFFFFE000  }
0x45: {  	[tilespmem:s1], [sflag:$0x3] =	stream.linear.gather [hbm4b:s24+s1], $0x80, $0x38;
	[tilespmem:$0x4100] =	vst v63  }
0x46: {  	_ =	swait.ge [sflag:s14], $0x80  }
0x47: {  	[sflag:s14] =	ssyncset.done $0x0  }
0x48: {  	s31 =	sadd.s32 s23, s10;
	[sflag:s14] =	ssyncadd.s32 $0xFFFFFF80  }
0x49: {  	[tilespmem:s15], [sflag:$0x3] =	stream.linear.gather [hbm4b:s31+s1], $0x80, $0x38;
	[tilespmem:$0x4100] =	vst v63  }
0x4a: {  	_ =	swait.ge [sflag:s14], $0x80  }
0x4b: {  	[sflag:s14] =	ssyncset.done $0x0  }
0x4c: {  	[sflag:s14] =	ssyncadd.s32 $0xFFFFFF80  }
0x4d: {  	[tilespmem:s16], [sflag:$0x1] =	stream.indirect.gather [hbm4b:s3+s15], $0x40, s1, s15, $0xb8;
	[tilespmem:$0x4100] =	vst v63  }
0x4e: {  	_ = 	snop  }
0x4f: {  	[tilespmem:s17], [sflag:$0x2] =	stream.indirect.gather [hbm4b:s4+s15], $0x40, s15, s15, $0xb8;
	[tilespmem:$0x4100] =	vst v63  }
0x50: {  	_ =	swait.ge [sflag:s18], $0x2000  }
0x51: {  	[sflag:s18] =	ssyncset.done $0x0  }
0x52: {  	[sflag:s18] =	ssyncadd.s32 $0xFFFFE000  }
0x53: {  	_ =	swait.ge [sflag:s19], $0x2000  }
0x54: {  	[sflag:s19] =	ssyncset.done $0x0  }
0x55: {  	[sflag:s19] =	ssyncadd.s32 $0xFFFFE000  }
0x56: {  	[hbm4b:s22+s1] =	stream.linear.scatter [tilespmem:s16], [sflag:$0x3], $0x2000, $0x38;
	[tilespmem:$0x4100] =	vst v63  }
0x57: {  	_ =	swait.ge [sflag:s14], $0x2000  }
0x58: {  	[sflag:s14] =	ssyncset.done $0x0  }
0x59: {  	[sflag:s14] =	ssyncadd.s32 $0xFFFFE000  }
0x5a: {  	[hbm4b:s21+s1] =	stream.linear.scatter [tilespmem:s17], [sflag:$0x3], $0x2000, $0x38;
	[tilespmem:$0x4100] =	vst v63  }
0x5b: {  	_ =	swait.ge [sflag:s14], $0x2000  }
0x5c: {  	[sflag:s14] =	ssyncset.done $0x0  }
0x5d: {  	s22 =	simm.s32 @!p0 $0x3;
	s21 =	simm.s32 @!p0 $0x0;
	[sflag:s14] =	ssyncadd.s32 $0xFFFFE000  }
0x5e: {  	[tilespmem:s21], [sflag:$0x3] =	stream.linear.gather @!p0 [hbm4b:s5+s21], $0x80, $0x38;
	[tilespmem:$0x4100] =	vst v63  }
0x5f: {  	_ =	swait.ge @!p0 [sflag:s22], $0x80  }
0x60: {  	[sflag:s22] =	ssyncset.done @!p0 $0x0  }
0x61: {  	s23 =	simm.s32 @!p0 $0x80;
	[sflag:s22] =	ssyncadd.s32 @!p0 $0xFFFFFF80  }
0x62: {  	[tilespmem:s23], [sflag:$0x3] =	stream.linear.gather @!p0 [hbm4b:s6+s21], $0x80, $0x38;
	[tilespmem:$0x4100] =	vst v63  }
0x63: {  	_ =	swait.ge @!p0 [sflag:s22], $0x80  }
0x64: {  	[sflag:s22] =	ssyncset.done @!p0 $0x0  }
0x65: {  	s24 =	simm.s32 @!p0 $0x100;
	[sflag:s22] =	ssyncadd.s32 @!p0 $0xFFFFFF80  }
0x66: {  	[tilespmem:s24], [sflag:$0x1] =	stream.indirect.gather @!p0 [hbm4b:s3+s23], $0x40, s21, s23, $0xb8;
	[tilespmem:$0x4100] =	vst v63  }
0x67: {  	s25 =	simm.s32 @!p0 $0x2100  }
0x68: {  	[tilespmem:s25], [sflag:$0x2] =	stream.indirect.gather @!p0 [hbm4b:s4+s23], $0x40, s23, s23, $0xb8;
	[tilespmem:$0x4100] =	vst v63  }
0x69: {  	s23 =	simm.s32 @!p0 $0x1  }
0x6a: {  	_ =	swait.ge @!p0 [sflag:s23], $0x2000  }
0x6b: {  	[sflag:s23] =	ssyncset.done @!p0 $0x0  }
0x6c: {  	[sflag:s23] =	ssyncadd.s32 @!p0 $0xFFFFE000;
	s23 =	simm.s32 @!p0 $0x2  }
0x6d: {  	_ =	swait.ge @!p0 [sflag:s23], $0x2000  }
0x6e: {  	[sflag:s23] =	ssyncset.done @!p0 $0x0  }
0x6f: {  	[sflag:s23] =	ssyncadd.s32 @!p0 $0xFFFFE000  }
0x70: {  	[hbm4b:s7+s21] =	stream.linear.scatter @!p0 [tilespmem:s24], [sflag:$0x3], $0x2000, $0x38;
	[tilespmem:$0x4100] =	vst v63  }
0x71: {  	s20 =	sadd.s32 $0x1, s20;
	_ =	swait.ge @!p0 [sflag:s22], $0x2000  }
0x72: {  	p1 =	sne.s32 s20, s9;
	[sflag:s22] =	ssyncset.done @!p0 $0x0  }
.Ltmp1:
0x73: {  	[sflag:s22] =	ssyncadd.s32 @!p0 $0xFFFFE000;
	(pc) =	sbr.rel @p1 .LBB2_1-.Ltmp1, $4  }
0x74: {  	[hbm4b:s8+s21] =	stream.linear.scatter @!p0 [tilespmem:s25], [sflag:$0x3], $0x2000, $0x38;
	[tilespmem:$0x4100] =	vst v63  }
0x75: {  	_ =	swait.ge @!p0 [sflag:s22], $0x2000  }
0x76: {  	[sflag:s22] =	ssyncset.done @!p0 $0x0  }
0x77: {  	[sflag:s22] =	ssyncadd.s32 @!p0 $0xFFFFE000  }
0x78: {  	_ =	sfence.sel $0x180000  }
0x79: {  	[bflag:$0x0] =	sbarrier.arrive $0xFFFF  }
0x7a: {  	p0 =	sne.s32 s2, $0x0;
	_ =	strace $0x90000047  }
0x7b: {  	s0 =	sadd.s32 @!p0 $0x100000, s0;
	[bflag:$0x2] =	sbarrier.arrive $0xFFFF  }
0x7c: {  	[sflag:s0] =	ssyncadd.tile.s32 @!p0 $0x1;
	_ =	shalt  }
.Lfunc_end2:
_tile_overlayer_lowered:
.L_overlay_start_2:
0x7d: {  	(tag) =	ssettag $0x2  }
0x7e: {  	s0 =	rddreg [dreg:$0x0];
	s2 =	stileid.u32  }
0x7f: {  	s1 =	rddreg [dreg:$0x1];
	p0 =	sne.s32 s2, $0x0  }
0x80: {  	s3 =	rddreg [dreg:$0x2];
	[bflag:$0x3] =	sbarrier.arrive $0xFFFF;
	s2 =	simm.s32 @!p0 $0x1C03  }
0x81: {  	[timem:s3], [sflag:s2] =	dma.local @!p0 [hbm:s0], s1  }
0x82: {  	s0 =	simm.s32 @!p0 $0x3  }
0x83: {  	_ =	swait.ge @!p0 [sflag:s0], s1  }
0x84: {  	s1 =	ssub.s32 @!p0 $0x0, s1;
	[sflag:s0] =	ssyncset.done @!p0 $0x0  }
0x85: {  	[sflag:s0] =	ssyncadd.s32 @!p0 s1  }
0x86: {  	[bflag:$0x3] =	sbarrier.arrive $0xFFFF  }
0x87: {  	_ =	shalt  }

// kernel: kernel.16.cloned.1.call-start
scs
__scs_entry_jumppad:
0x0: {  	(pc) =	sbr.rel $0x88, $3  }
0x1: {  	(tag) =	ssettag $0x0;
	lr =	simm.s32 $0x1  }
0x2: {  	[smem:$0x3F92] =	sst lr;
	_ =	strace $0xD0000000  }
0x3: {  	_ = 	snop  }
0x4: {  	_ = 	snop  }
0x5: {  	_ = 	snop  }
0x6: {  	_ = 	snop  }
0x7: {  	_ = 	snop  }
__scs_overlays_trampoline_lowered:
0x8: {  	[smem:$0x3FA1] =	sst s0  }
0x9: {  	[smem:$0x3FA2] =	sst s1  }
0xa: {  	[smem:$0x3FA3] =	sst s2  }
0xb: {  	[smem:$0x3FA4] =	sst s3  }
0xc: {  	[smem:$0x3FA5] =	sst s4  }
0xd: {  	[smem:$0x3FA6] =	sst s5  }
0xe: {  	[smem:$0x3FA7] =	sst s6  }
0xf: {  	[smem:$0x3FA8] =	sst s7  }
0x10: {  	[smem:$0x3FA9] =	sst s8  }
0x11: {  	[smem:$0x3FAA] =	sst s9;
	s0 =	simm.s32 @!p0 $0x0  }
0x12: {  	s1 =	sld [smem:$0x3F90];
	s0 =	simm.s32 @p0 $0x1  }
0x13: {  	[smem:$0x3FAB] =	sst s0;
	s0 =	simm.s32 @!p1 $0x0  }
0x14: {  	s2 =	sld [smem:$0x3F8F];
	s0 =	simm.s32 @p1 $0x1  }
0x15: {  	[smem:$0x3FAC] =	sst s0;
	s0 =	simm.s32 @!p2 $0x0  }
0x16: {  	s3 =	sld [smem:$0x3FDB];
	s0 =	simm.s32 @p2 $0x1  }
0x17: {  	s4 =	simm.s32 $0x1BF5;
	[smem:$0x3FAE] =	sst s0  }
0x18: {  	s0 =	sld [smem:$0x3F91];
	_ =	swait.ge [sflag:s4], $0x0  }
0x19: {  	s7 =	sld [smem:$0x3F92]  }
0x1a: {  	s8 =	sadd.s32 $0xFFFFE003, lr  }
0x1b: {  	s9 =	sadd.s32 $0xFFFFFEF7, lr;
	s5 =	simm.s32 $0xFFFFFFFF;
	p2 =	slt.u32 s8, $0xFFFFF086  }
0x1c: {  	p1 =	slt.u32 s9, $0xF7A;
	s5 =	simm.s32 @!p2 $0x0  }
0x1d: {  	s5 =	simm.s32 @p1 $0x1;
	p0 =	seq.s32 s7, s2  }
0x1e: {  	s7 =	smul.u32 @!p0 $0xF7A, s2;
	p2 =	seq.s32 @!p0 s5, $0x0  }
0x1f: {  	s9 =	smul.u32 $0xF7A, s1;
	s8 =	simm.s32 @!p0 $0x1BF5;
	p2 =	por !p2, p0  }
0x20: {  	[sflag:s8] =	ssyncset.s32 @!p0 $0xFFFFF086;
	s6 =	sadd.s32 @!p0 s3, s7;
	s7 =	simm.s32 @!p0 $0x108  }
0x21: {  	s3 =	sadd.s32 s3, s9;
	s6 =	sadd.s32 @!p0 $0x88, s6;
	s7 =	simm.s32 @p2 $0x1082  }
0x22: {  	[simem:s7], [sflag:s8] =	dma.local @!p0 [hbm:s6], $0xF7A  }
0x23: {  	s9 =	sor.u32 $0xD0000000, s2;
	s6 =	simm.s32 $0x108;
	_ =	swait.ge @!p0 [sflag:s8], $0x0  }
0x24: {  	s3 =	sadd.s32 $0x88, s3;
	s6 =	simm.s32 @!p1 $0x1082;
	[sflag:s4] =	ssyncset.s32 $0xFFFFF086  }
0x25: {  	[simem:s6], [sflag:s4] =	dma.local [hbm:s3], $0xF7A  }
0x26: {  	[smem:$0x3F92] =	sst s1;
	(tag) =	ssettag s2;
	_ =	strace s9  }
0x27: {  	s1 =	sld [smem:$0x3FA2]  }
0x28: {  	s2 =	sld [smem:$0x3FA3]  }
0x29: {  	s4 =	sld [smem:$0x3FA5]  }
0x2a: {  	p0 =	seq.s32 s5, $0x0;
	s5 =	sld [smem:$0x3FA6]  }
0x2b: {  	s6 =	sld [smem:$0x3FA7]  }
0x2c: {  	s7 =	sld [smem:$0x3FA8]  }
0x2d: {  	s3 =	simm.s32 $0x108;
	s8 =	sld [smem:$0x3FA9]  }
0x2e: {  	s3 =	simm.s32 @!p0 $0x1082;
	s9 =	sld [smem:$0x3FAA]  }
0x2f: {  	lr =	sadd.s32 s0, s3;
	s0 =	sld [smem:$0x3FA1]  }
0x30: {  	s3 =	sld [smem:$0x3FA4]  }
0x31: {  	[smem:$0x3FAD] =	sst s10  }
0x32: {  	s10 =	sld [smem:$0x3FAB];
	_ =	sdelay $0x3  }
0x33: {  	p0 =	seq.s32 s10, $0x1;
	s10 =	sld [smem:$0x3FAD];
	_ =	sdelay $0x3  }
0x34: {  	[smem:$0x3FAD] =	sst s10  }
0x35: {  	s10 =	sld [smem:$0x3FAC];
	_ =	sdelay $0x3  }
0x36: {  	p1 =	seq.s32 s10, $0x1;
	s10 =	sld [smem:$0x3FAD];
	_ =	sdelay $0x3  }
0x37: {  	[smem:$0x3FAD] =	sst s10  }
0x38: {  	s10 =	sld [smem:$0x3FAE]  }
0x39: {  	_ = 	snop;
	(pc) =	sbr.ind lr, $3  }
0x3a: {  	_ = 	snop  }
0x3b: {  	_ = 	snop  }
0x3c: {  	p2 =	seq.s32 s10, $0x1;
	s10 =	sld [smem:$0x3FAD]  }
0x3d: {  	_ =	shalt  }
0x3e: {  	_ =	shalt  }
0x3f: {  	_ =	shalt  }
0x40: {  	_ =	shalt  }
0x41: {  	_ =	shalt  }
0x42: {  	_ =	shalt  }
0x43: {  	_ =	shalt  }
0x44: {  	_ =	shalt  }
0x45: {  	_ =	shalt  }
0x46: {  	_ =	shalt  }
0x47: {  	_ =	shalt  }
0x48: {  	_ =	shalt  }
0x49: {  	_ =	shalt  }
0x4a: {  	_ =	shalt  }
0x4b: {  	_ =	shalt  }
0x4c: {  	_ =	shalt  }
0x4d: {  	_ =	shalt  }
0x4e: {  	_ =	shalt  }
0x4f: {  	_ =	shalt  }
0x50: {  	_ =	shalt  }
0x51: {  	_ =	shalt  }
0x52: {  	_ =	shalt  }
0x53: {  	_ =	shalt  }
0x54: {  	_ =	shalt  }
0x55: {  	_ =	shalt  }
0x56: {  	_ =	shalt  }
0x57: {  	_ =	shalt  }
0x58: {  	_ =	shalt  }
0x59: {  	_ =	shalt  }
0x5a: {  	_ =	shalt  }
0x5b: {  	_ =	shalt  }
0x5c: {  	_ =	shalt  }
0x5d: {  	_ =	shalt  }
0x5e: {  	_ =	shalt  }
0x5f: {  	_ =	shalt  }
0x60: {  	_ =	shalt  }
0x61: {  	_ =	shalt  }
0x62: {  	_ =	shalt  }
0x63: {  	_ =	shalt  }
0x64: {  	_ =	shalt  }
0x65: {  	_ =	shalt  }
0x66: {  	_ =	shalt  }
0x67: {  	_ =	shalt  }
0x68: {  	_ =	shalt  }
0x69: {  	_ =	shalt  }
0x6a: {  	_ =	shalt  }
0x6b: {  	_ =	shalt  }
0x6c: {  	_ =	shalt  }
0x6d: {  	_ =	shalt  }
0x6e: {  	_ =	shalt  }
0x6f: {  	_ =	shalt  }
0x70: {  	_ =	shalt  }
0x71: {  	_ =	shalt  }
0x72: {  	_ =	shalt  }
0x73: {  	_ =	shalt  }
0x74: {  	_ =	shalt  }
0x75: {  	_ =	shalt  }
0x76: {  	_ =	shalt  }
0x77: {  	_ =	shalt  }
0x78: {  	_ =	shalt  }
0x79: {  	_ =	shalt  }
0x7a: {  	_ =	shalt  }
0x7b: {  	_ =	shalt  }
0x7c: {  	_ =	shalt  }
0x7d: {  	_ =	shalt  }
0x7e: {  	_ =	shalt  }
0x7f: {  	_ =	shalt  }
0x80: {  	_ =	shalt  }
0x81: {  	_ =	shalt  }
0x82: {  	_ =	shalt  }
0x83: {  	_ =	shalt  }
0x84: {  	_ =	shalt  }
0x85: {  	_ =	shalt  }
0x86: {  	_ =	shalt  }
0x87: {  	_ =	shalt  }
.Lfunc_end0:
.L_simem_size_0:
called_computation.1_lowered:
.L_overlay_start_0:
0x88: {  	s2 =	sld [smem:$0x3FD9]  }
0x89: {  	s3 =	sld [smem:$0x3FFE];
	_ =	sdelay $0x1  }
0x8a: {  	s1 =	srdreg.scid  }
0x8b: {  	s0 =	sand.u32 $0x1, s1  }
0x8c: {  	s16 =	sshll.u32 s0, $0xA;
	s2 =	sadd.s32 s3, s2  }
0x8d: {  	s2 =	sadd.s32 s2, s16  }
0x8e: {  	[smem:$0x3FB9] =	sst s2  }
0x8f: {  	_ = 	snop  }
0x90: {  	(tm) =	ssettm $0x1  }
0x91: {  	s17 =	sld [smem:$0x3FFB];
	_ =	sdelay $0x3  }
0x92: {  	_ =	strace s17  }
0x93: {  	s2 =	sld [smem:$0x3FFC];
	_ =	sdelay $0x3  }
0x94: {  	_ =	strace s2  }
0x95: {  	s2 =	sld [smem:$0x3FFD];
	_ =	sdelay $0x3  }
0x96: {  	_ =	strace s2  }
0x97: {  	_ =	strace $0x8FFFFFFF  }
0x98: {  	s18 =	sld [smem:$0x3FDB];
	_ =	sdelay $0x1  }
0x99: {  	s19 =	simm.s32 $_scs_section_size  }
0x9a: {  	s4 =	simm.s32 $_size__tile_overlayer_lowered;
	s5 =	simm.s32 $_tile_overlayer_lowered  }
0x9b: {  	s22 =	simm.s32 $0x1BFF;
	s21 =	sshll.u32 s5, $0x1;
	s2 =	sadd.s32 s19, s18  }
0x9c: {  	s6 =	simm.s32 $0x0;
	s20 =	sshll.u32 s4, $0x1;
	s4 =	sadd.s32 s21, s2  }
0x9d: {  	[timem:s6], [sflag:s22] =	dma.local [hbm:s4], s20  }
0x9e: {  	_ =	swait.ge [sflag:s22], s20  }
0x9f: {  	s3 =	ssub.s32 $0x0, s20;
	[sflag:s22] =	ssyncset.done $0x0  }
0xa0: {  	[sflag:s22] =	ssyncadd.s32 s3;
	_ =	sdelay $0x1  }
0xa1: {  	s23 =	simm.s32 $0x1B8B  }
0xa2: {  	_ =	swait.ge [sflag:s23], $0x1  }
0xa3: {  	[sflag:s23] =	ssyncset.done $0x0  }
0xa4: {  	s25 =	simm.s32 $0x1B8E;
	s24 =	sld [smem:$0x3FFE];
	[sflag:s23] =	ssyncadd.s32 $0xFFFFFFFF  }
0xa5: {  	s26 =	simm.s32 $execute0_lowered;
	[smem:$0x3FD2] =	sst s25  }
0xa6: {  	s4 =	sshll.u32 s26, $0x1;
	_ =	strace $0x80000049;
	[dreg:$0x1] =	wrdreg $0xFFFFFFFF  }
0xa7: {  	s28 =	simm.s32 $_size_execute0_lowered;
	s2 =	sadd.s32 s2, s4;
	[dreg:$0x0] =	wrdreg $0x0  }
0xa8: {  	s4 =	sshll.u32 s28, $0x1;
	[dreg:$0x2] =	wrdreg s2  }
0xa9: {  	[dreg:$0x3] =	wrdreg s4  }
0xaa: {  	[dreg:$0x4] =	wrdreg $0xC0  }
0xab: {  	_ =	task [dreg:s6], $0x5FFFF  }
0xac: {  	[dreg:$0x1] =	wrdreg $0xFFFFFFFF  }
0xad: {  	[dreg:$0x0] =	wrdreg $0x60  }
0xae: {  	[dreg:$0x2] =	wrdreg s24  }
0xaf: {  	[dreg:$0x3] =	wrdreg $0x0  }
0xb0: {  	[dreg:$0x4] =	wrdreg $0x9  }
0xb1: {  	_ =	task.clear_ibuf [dreg:s6], $0x5FFFF;
	_ =	strace $0x90000049  }
0xb2: {  	s29 =	simm.s32 $0x9;
	_ =	strace $0x8000004B  }
0xb3: {  	_ =	swait.ge [sflag:s29], $0x1  }
0xb4: {  	[sflag:s29] =	ssyncadd.s32 $0xFFFFFFFF  }
0xb5: {  	_ =	strace $0x9000004B  }
0xb6: {  	_ =	sfence  }
0xb7: {  	s30 =	sld [smem:$0x0];
	_ =	sdelay $0x2  }
0xb8: {  	s31 =	sshll.u32 s1, $0xD;
	s1 =	sshrl.u32 s1, $0x2  }
0xb9: {  	s3 =	sand.u32 $0x4000, s31;
	s1 =	sadd.s32 s1, s30  }
0xba: {  	s0 =	sor.u32 s3, s0;
	s1 =	sshll.u32 s1, $0x11  }
0xbb: {  	s0 =	sor.u32 s1, s0  }
0xbc: {  	s0 =	sadd.s32 $0x8F2B, s0  }
0xbd: {  	[sflag:s0] =	ssyncadd.remote.s32 $0x1  }
0xbe: {  	_ =	sfence.sel $0xFFFF  }
0xbf: {  	[dreg:$0x0] =	wrdreg $0xFFFFFFFF;
	(pc) =	sbr.abs _section_cstart, $3  }
0xc0: {  	[dreg:$0x1] =	wrdreg $0xFFFFFFFF  }
0xc1: {  	_ =	task.clear_ibuf [dreg:s6], $0x2FFFF;
	_ =	strace $0x9FFFFFFF  }
0xc2: {  	(tm) =	ssettm $0x7FFFFFFF  }
0xc3: {  	_ =	shalt  }
tec
execute0_lowered:
.L_overlay_start_1:
0x0: {  	(tag) =	ssettag $0x1  }
0x1: {  	s5 =	rddreg [dreg:$0x0]  }
0x2: {  	s2 =	rddreg [dreg:$0x1]  }
0x3: {  	s0 =	rddreg [dreg:$0x2];
	s1 =	stileid.u32  }
0x4: {  	s3 =	simm.s32 $0x0;
	s4 =	srdreg.scid;
	s7 =	smul.u32 $0x3D0E, s1  }
0x5: {  	s16 =	simm.s32 $0x1EDB0;
	s17 =	simm.s32 $0x1F2B0;
	s24 =	smul.u32 $0xC350, s1  }
0x6: {  	s19 =	simm.s32 $0x1;
	s20 =	simm.s32 $0x0;
	s26 =	smul.u32 $0x7A1C0, s1  }
0x7: {  	[smem:$0x7FF] =	sst s3;
	s6 =	sand.u32 $0x1, s4;
	s14 =	smul.u32 $0x7A120, s1  }
0x8: {  	s10 =	sadd.s32 $0xC69600, s5;
	s11 =	sadd.s32 $0x1BE00, s5;
	s15 =	smul.u32 $0x186A, s1  }
0x9: {  	s4 =	sadd.s32 $0x34600, s5;
	s31 =	sshll.u32 s1, $0x6;
	s8 =	smul.u32 $0x3D0E0, s6  }
0xa: {  	_ =	strace $0x8000004A;
	s25 =	ssub.s32 $0x2, s6;
	s18 =	smul.u32 $0x61A8, s6  }
0xb: {  	s12 =	sshrl.u32 s25, $0x1;
	s28 =	sadd.s32 $0xC340, s24;
	s29 =	sshrl.u32 s26, $0x2  }
0xc: {  	s7 =	sadd.s32 s7, s8;
	s12 =	ssub.s32 s25, s12;
	s30 =	smul.u32 $0xA, s28  }
0xd: {  	s13 =	sadd.s32 s29, s2;
	s6 =	sshrl.u32 s28, $0x3;
	v0 =	vmov s18;
	s18 =	simm.s32 $0x1F7B0  }
0xe: {  	s9 =	sadd.s32 s7, s5;
	s5 =	sor.u32 $0x1C02, s31;
	s6 =	sadd.s32 s11, s6  }
0xf: {  	s11 =	sadd.s32 s15, s11;
	s15 =	simm.s32 $0x1E8B0;
	s7 =	sadd.s32 s10, s30  }
0x10: {  	s8 =	sadd.s32 $0x38400, s9;
	s9 =	smax.u32 s12, $0x1;
	s10 =	sadd.s32 s14, s10  }
0x11: {  	vm0 =	vmmov $0xffff;
	s12 =	sshrl.u32 s13, $0x3;
	s13 =	simm.s32 $0x2;
	s14 =	simm.s32 $0x1E870  }
.LBB2_1:
0x12: {  	[spmem:s12], [sflag:s5] =	dma.local [hbm:s4], $0x3D0E  }
0x13: {  	_ =	swait.ge [sflag:s13], $0x3D0E  }
0x14: {  	[sflag:s13] =	ssyncset.done $0x0  }
0x15: {  	[sflag:s13] =	ssyncadd.s32 $0xFFFFC2F2  }
0x16: {  	s21 =	smov.u32 s10;
	s22 =	simm.s32 $0x0;
	[bflag:$0x0] =	sbarrier.arrive $0xFFFF  }
.LBB2_2:
0x17: {  	s23 =	sadd.s32 s22, s11  }
0x18: {  	[tilespmem:s14], [sflag:$0x2] =	stream.linear.gather [hbm4b:s23+s3], $0x40, $0x38;
	[tilespmem:$0x1FCB0] =	vst v63  }
0x19: {  	_ =	swait.ge [sflag:s13], $0x40  }
0x1a: {  	[sflag:s13] =	ssyncset.done $0x0  }
0x1b: {  	[sflag:s13] =	ssyncadd.s32 $0xFFFFFFC0  }
0x1c: {  	[tilespmem:s15], [sflag:$0x2] =	stream.linear.gather [hbm4b:s21+s3], $0x1400, $0x38;
	[tilespmem:$0x1FCB0] =	vst v63  }
0x1d: {  	_ =	swait.ge [sflag:s13], $0x1400  }
0x1e: {  	[sflag:s13] =	ssyncset.done $0x0  }
0x1f: {  	[sflag:s13] =	ssyncadd.s32 $0xFFFFEC00  }
0x20: {  	v1 =	vld [tilespmem:$0x1E870];
	_ =	sdelay $0x4  }
0x21: {  	v1 =	vsub.s32 v1, v0  }
0x22: {  	v1 =	vmin.u32 v1, $0x61A8;
	_ =	sdelay $0x4  }
0x23: {  	[spmem:s2] =	stream.indirect_vreg.scatter.add.f32 [tilespmem:s15], [sflag:$0x1], $0x50, v1, vm0, $0xb8;
	[tilespmem:$0x1FCB0] =	vst v63  }
0x24: {  	v1 =	vld [tilespmem:$0x1E880];
	_ =	sdelay $0x4  }
0x25: {  	v1 =	vsub.s32 v1, v0  }
0x26: {  	v1 =	vmin.u32 v1, $0x61A8;
	_ =	sdelay $0x4  }
0x27: {  	[spmem:s2] =	stream.indirect_vreg.scatter.add.f32 [tilespmem:s16], [sflag:$0x1], $0x50, v1, vm0, $0xb8;
	[tilespmem:$0x1FCB0] =	vst v63  }
0x28: {  	v1 =	vld [tilespmem:$0x1E890];
	_ =	sdelay $0x4  }
0x29: {  	v1 =	vsub.s32 v1, v0  }
0x2a: {  	v1 =	vmin.u32 v1, $0x61A8;
	_ =	sdelay $0x4  }
0x2b: {  	[spmem:s2] =	stream.indirect_vreg.scatter.add.f32 [tilespmem:s17], [sflag:$0x1], $0x50, v1, vm0, $0xb8;
	[tilespmem:$0x1FCB0] =	vst v63  }
0x2c: {  	v1 =	vld [tilespmem:$0x1E8A0];
	_ =	sdelay $0x4  }
0x2d: {  	v1 =	vsub.s32 v1, v0  }
0x2e: {  	v1 =	vmin.u32 v1, $0x61A8;
	_ =	sdelay $0x4  }
0x2f: {  	[spmem:s2] =	stream.indirect_vreg.scatter.add.f32 [tilespmem:s18], [sflag:$0x1], $0x50, v1, vm0, $0xb8;
	[tilespmem:$0x1FCB0] =	vst v63  }
0x30: {  	_ =	swait.ge [sflag:s19], $0x500  }
0x31: {  	[sflag:s19] =	ssyncset.done $0x0  }
0x32: {  	[sflag:s19] =	ssyncadd.s32 $0xFFFFFB00  }
0x33: {  	_ =	swait.ge [sflag:s19], $0x500  }
0x34: {  	[sflag:s19] =	ssyncset.done $0x0  }
0x35: {  	[sflag:s19] =	ssyncadd.s32 $0xFFFFFB00  }
0x36: {  	p0 =	sne.s32 s22, $0x1860;
	_ =	swait.ge [sflag:s19], $0x500  }
.Ltmp0:
0x37: {  	[sflag:s19] =	ssyncset.done $0x0;
	(pc) =	sbr.rel @p0 .LBB2_2-.Ltmp0, $4  }
0x38: {  	[sflag:s19] =	ssyncadd.s32 $0xFFFFFB00  }
0x39: {  	_ =	swait.ge [sflag:s19], $0x500  }
0x3a: {  	[sflag:s19] =	ssyncset.done $0x0  }
0x3b: {  	s22 =	sadd.s32 $0x8, s22;
	s21 =	sadd.s32 $0x280, s21;
	[sflag:s19] =	ssyncadd.s32 $0xFFFFFB00  }
0x3c: {  	[tilespmem:s14], [sflag:$0x2] =	stream.linear.gather [hbm4b:s6+s3], $0x10, $0x38;
	[tilespmem:$0x1FCB0] =	vst v63  }
0x3d: {  	_ =	swait.ge [sflag:s13], $0x10  }
0x3e: {  	[sflag:s13] =	ssyncset.done $0x0  }
0x3f: {  	[sflag:s13] =	ssyncadd.s32 $0xFFFFFFF0  }
0x40: {  	[tilespmem:s15], [sflag:$0x2] =	stream.linear.gather [hbm4b:s7+s3], $0x500, $0x38;
	[tilespmem:$0x1FCB0] =	vst v63  }
0x41: {  	_ =	swait.ge [sflag:s13], $0x500  }
0x42: {  	[sflag:s13] =	ssyncset.done $0x0  }
0x43: {  	[sflag:s13] =	ssyncadd.s32 $0xFFFFFB00  }
0x44: {  	v1 =	vld [tilespmem:$0x1E870];
	_ =	sdelay $0x4  }
0x45: {  	v1 =	vsub.s32 v1, v0  }
0x46: {  	v1 =	vmin.u32 v1, $0x61A8;
	_ =	sdelay $0x4  }
0x47: {  	[spmem:s2] =	stream.indirect_vreg.scatter.add.f32 [tilespmem:s15], [sflag:$0x2], $0x50, v1, vm0, $0xb8;
	[tilespmem:$0x1FCB0] =	vst v63  }
0x48: {  	_ =	swait.ge [sflag:s13], $0x500  }
0x49: {  	s20 =	sadd.s32 $0x1, s20;
	[sflag:s13] =	ssyncset.done $0x0  }
0x4a: {  	p0 =	sne.s32 s20, s9;
	[sflag:s13] =	ssyncadd.s32 $0xFFFFFB00  }
.Ltmp1:
0x4b: {  	[bflag:$0x0] =	sbarrier.arrive $0xFFFF;
	(pc) =	sbr.rel @p0 .LBB2_1-.Ltmp1, $4  }
0x4c: {  	[hbm:s8], [sflag:s5] =	dma.local [spmem:s12], $0x3D0E  }
0x4d: {  	_ =	swait.ge [sflag:s13], $0x3D0E  }
0x4e: {  	[sflag:s13] =	ssyncset.done $0x0  }
0x4f: {  	[sflag:s13] =	ssyncadd.s32 $0xFFFFC2F2  }
0x50: {  	_ =	sfence.sel $0x180000  }
0x51: {  	[bflag:$0x0] =	sbarrier.arrive $0xFFFF  }
0x52: {  	p0 =	sne.s32 s1, $0x0;
	_ =	strace $0x9000004A  }
0x53: {  	s0 =	sadd.s32 @!p0 $0x100000, s0;
	[bflag:$0x2] =	sbarrier.arrive $0xFFFF  }
0x54: {  	[sflag:s0] =	ssyncadd.tile.s32 @!p0 $0x1;
	_ =	shalt  }
.Lfunc_end2:
_tile_overlayer_lowered:
.L_overlay_start_2:
0x55: {  	(tag) =	ssettag $0x2  }
0x56: {  	s0 =	rddreg [dreg:$0x0];
	s2 =	stileid.u32  }
0x57: {  	s1 =	rddreg [dreg:$0x1];
	p0 =	sne.s32 s2, $0x0  }
0x58: {  	s3 =	rddreg [dreg:$0x2];
	[bflag:$0x3] =	sbarrier.arrive $0xFFFF;
	s2 =	simm.s32 @!p0 $0x1C02  }
0x59: {  	[timem:s3], [sflag:s2] =	dma.local @!p0 [hbm:s0], s1  }
0x5a: {  	s0 =	simm.s32 @!p0 $0x2  }
0x5b: {  	_ =	swait.ge @!p0 [sflag:s0], s1  }
0x5c: {  	s1 =	ssub.s32 @!p0 $0x0, s1;
	[sflag:s0] =	ssyncset.done @!p0 $0x0  }
0x5d: {  	[sflag:s0] =	ssyncadd.s32 @!p0 s1  }
0x5e: {  	[bflag:$0x3] =	sbarrier.arrive $0xFFFF  }
0x5f: {  	_ =	shalt  }

// kernel: kernel.19.cloned.1.call-start
scs
__scs_entry_jumppad:
0x0: {  	(pc) =	sbr.rel $0x88, $3  }
0x1: {  	(tag) =	ssettag $0x0;
	lr =	simm.s32 $0x1  }
0x2: {  	[smem:$0x3F92] =	sst lr;
	_ =	strace $0xD0000000  }
0x3: {  	_ = 	snop  }
0x4: {  	_ = 	snop  }
0x5: {  	_ = 	snop  }
0x6: {  	_ = 	snop  }
0x7: {  	_ = 	snop  }
__scs_overlays_trampoline_lowered:
0x8: {  	[smem:$0x3FA1] =	sst s0  }
0x9: {  	[smem:$0x3FA2] =	sst s1  }
0xa: {  	[smem:$0x3FA3] =	sst s2  }
0xb: {  	[smem:$0x3FA4] =	sst s3  }
0xc: {  	[smem:$0x3FA5] =	sst s4  }
0xd: {  	[smem:$0x3FA6] =	sst s5  }
0xe: {  	[smem:$0x3FA7] =	sst s6  }
0xf: {  	[smem:$0x3FA8] =	sst s7  }
0x10: {  	[smem:$0x3FA9] =	sst s8  }
0x11: {  	[smem:$0x3FAA] =	sst s9;
	s0 =	simm.s32 @!p0 $0x0  }
0x12: {  	s1 =	sld [smem:$0x3F90];
	s0 =	simm.s32 @p0 $0x1  }
0x13: {  	[smem:$0x3FAB] =	sst s0;
	s0 =	simm.s32 @!p1 $0x0  }
0x14: {  	s2 =	sld [smem:$0x3F8F];
	s0 =	simm.s32 @p1 $0x1  }
0x15: {  	[smem:$0x3FAC] =	sst s0;
	s0 =	simm.s32 @!p2 $0x0  }
0x16: {  	s3 =	sld [smem:$0x3FDB];
	s0 =	simm.s32 @p2 $0x1  }
0x17: {  	s4 =	simm.s32 $0x1BF5;
	[smem:$0x3FAE] =	sst s0  }
0x18: {  	s0 =	sld [smem:$0x3F91];
	_ =	swait.ge [sflag:s4], $0x0  }
0x19: {  	s7 =	sld [smem:$0x3F92]  }
0x1a: {  	s8 =	sadd.s32 $0xFFFFE003, lr  }
0x1b: {  	s9 =	sadd.s32 $0xFFFFFEF7, lr;
	s5 =	simm.s32 $0xFFFFFFFF;
	p2 =	slt.u32 s8, $0xFFFFF086  }
0x1c: {  	p1 =	slt.u32 s9, $0xF7A;
	s5 =	simm.s32 @!p2 $0x0  }
0x1d: {  	s5 =	simm.s32 @p1 $0x1;
	p0 =	seq.s32 s7, s2  }
0x1e: {  	s7 =	smul.u32 @!p0 $0xF7A, s2;
	p2 =	seq.s32 @!p0 s5, $0x0  }
0x1f: {  	s9 =	smul.u32 $0xF7A, s1;
	s8 =	simm.s32 @!p0 $0x1BF5;
	p2 =	por !p2, p0  }
0x20: {  	[sflag:s8] =	ssyncset.s32 @!p0 $0xFFFFF086;
	s6 =	sadd.s32 @!p0 s3, s7;
	s7 =	simm.s32 @!p0 $0x108  }
0x21: {  	s3 =	sadd.s32 s3, s9;
	s6 =	sadd.s32 @!p0 $0x88, s6;
	s7 =	simm.s32 @p2 $0x1082  }
0x22: {  	[simem:s7], [sflag:s8] =	dma.local @!p0 [hbm:s6], $0xF7A  }
0x23: {  	s9 =	sor.u32 $0xD0000000, s2;
	s6 =	simm.s32 $0x108;
	_ =	swait.ge @!p0 [sflag:s8], $0x0  }
0x24: {  	s3 =	sadd.s32 $0x88, s3;
	s6 =	simm.s32 @!p1 $0x1082;
	[sflag:s4] =	ssyncset.s32 $0xFFFFF086  }
0x25: {  	[simem:s6], [sflag:s4] =	dma.local [hbm:s3], $0xF7A  }
0x26: {  	[smem:$0x3F92] =	sst s1;
	(tag) =	ssettag s2;
	_ =	strace s9  }
0x27: {  	s1 =	sld [smem:$0x3FA2]  }
0x28: {  	s2 =	sld [smem:$0x3FA3]  }
0x29: {  	s4 =	sld [smem:$0x3FA5]  }
0x2a: {  	p0 =	seq.s32 s5, $0x0;
	s5 =	sld [smem:$0x3FA6]  }
0x2b: {  	s6 =	sld [smem:$0x3FA7]  }
0x2c: {  	s7 =	sld [smem:$0x3FA8]  }
0x2d: {  	s3 =	simm.s32 $0x108;
	s8 =	sld [smem:$0x3FA9]  }
0x2e: {  	s3 =	simm.s32 @!p0 $0x1082;
	s9 =	sld [smem:$0x3FAA]  }
0x2f: {  	lr =	sadd.s32 s0, s3;
	s0 =	sld [smem:$0x3FA1]  }
0x30: {  	s3 =	sld [smem:$0x3FA4]  }
0x31: {  	[smem:$0x3FAD] =	sst s10  }
0x32: {  	s10 =	sld [smem:$0x3FAB];
	_ =	sdelay $0x3  }
0x33: {  	p0 =	seq.s32 s10, $0x1;
	s10 =	sld [smem:$0x3FAD];
	_ =	sdelay $0x3  }
0x34: {  	[smem:$0x3FAD] =	sst s10  }
0x35: {  	s10 =	sld [smem:$0x3FAC];
	_ =	sdelay $0x3  }
0x36: {  	p1 =	seq.s32 s10, $0x1;
	s10 =	sld [smem:$0x3FAD];
	_ =	sdelay $0x3  }
0x37: {  	[smem:$0x3FAD] =	sst s10  }
0x38: {  	s10 =	sld [smem:$0x3FAE]  }
0x39: {  	_ = 	snop;
	(pc) =	sbr.ind lr, $3  }
0x3a: {  	_ = 	snop  }
0x3b: {  	_ = 	snop  }
0x3c: {  	p2 =	seq.s32 s10, $0x1;
	s10 =	sld [smem:$0x3FAD]  }
0x3d: {  	_ =	shalt  }
0x3e: {  	_ =	shalt  }
0x3f: {  	_ =	shalt  }
0x40: {  	_ =	shalt  }
0x41: {  	_ =	shalt  }
0x42: {  	_ =	shalt  }
0x43: {  	_ =	shalt  }
0x44: {  	_ =	shalt  }
0x45: {  	_ =	shalt  }
0x46: {  	_ =	shalt  }
0x47: {  	_ =	shalt  }
0x48: {  	_ =	shalt  }
0x49: {  	_ =	shalt  }
0x4a: {  	_ =	shalt  }
0x4b: {  	_ =	shalt  }
0x4c: {  	_ =	shalt  }
0x4d: {  	_ =	shalt  }
0x4e: {  	_ =	shalt  }
0x4f: {  	_ =	shalt  }
0x50: {  	_ =	shalt  }
0x51: {  	_ =	shalt  }
0x52: {  	_ =	shalt  }
0x53: {  	_ =	shalt  }
0x54: {  	_ =	shalt  }
0x55: {  	_ =	shalt  }
0x56: {  	_ =	shalt  }
0x57: {  	_ =	shalt  }
0x58: {  	_ =	shalt  }
0x59: {  	_ =	shalt  }
0x5a: {  	_ =	shalt  }
0x5b: {  	_ =	shalt  }
0x5c: {  	_ =	shalt  }
0x5d: {  	_ =	shalt  }
0x5e: {  	_ =	shalt  }
0x5f: {  	_ =	shalt  }
0x60: {  	_ =	shalt  }
0x61: {  	_ =	shalt  }
0x62: {  	_ =	shalt  }
0x63: {  	_ =	shalt  }
0x64: {  	_ =	shalt  }
0x65: {  	_ =	shalt  }
0x66: {  	_ =	shalt  }
0x67: {  	_ =	shalt  }
0x68: {  	_ =	shalt  }
0x69: {  	_ =	shalt  }
0x6a: {  	_ =	shalt  }
0x6b: {  	_ =	shalt  }
0x6c: {  	_ =	shalt  }
0x6d: {  	_ =	shalt  }
0x6e: {  	_ =	shalt  }
0x6f: {  	_ =	shalt  }
0x70: {  	_ =	shalt  }
0x71: {  	_ =	shalt  }
0x72: {  	_ =	shalt  }
0x73: {  	_ =	shalt  }
0x74: {  	_ =	shalt  }
0x75: {  	_ =	shalt  }
0x76: {  	_ =	shalt  }
0x77: {  	_ =	shalt  }
0x78: {  	_ =	shalt  }
0x79: {  	_ =	shalt  }
0x7a: {  	_ =	shalt  }
0x7b: {  	_ =	shalt  }
0x7c: {  	_ =	shalt  }
0x7d: {  	_ =	shalt  }
0x7e: {  	_ =	shalt  }
0x7f: {  	_ =	shalt  }
0x80: {  	_ =	shalt  }
0x81: {  	_ =	shalt  }
0x82: {  	_ =	shalt  }
0x83: {  	_ =	shalt  }
0x84: {  	_ =	shalt  }
0x85: {  	_ =	shalt  }
0x86: {  	_ =	shalt  }
0x87: {  	_ =	shalt  }
.Lfunc_end0:
.L_simem_size_0:
called_computation.2_lowered:
.L_overlay_start_0:
0x88: {  	s2 =	sld [smem:$0x3FD9]  }
0x89: {  	s3 =	sld [smem:$0x3FFE];
	_ =	sdelay $0x1  }
0x8a: {  	s1 =	srdreg.scid  }
0x8b: {  	s0 =	sand.u32 $0x1, s1  }
0x8c: {  	s16 =	sshll.u32 s0, $0xA;
	s2 =	sadd.s32 s3, s2  }
0x8d: {  	s2 =	sadd.s32 s2, s16  }
0x8e: {  	[smem:$0x3FB9] =	sst s2  }
0x8f: {  	_ = 	snop  }
0x90: {  	(tm) =	ssettm $0x1  }
0x91: {  	s17 =	sld [smem:$0x3FFB];
	_ =	sdelay $0x3  }
0x92: {  	_ =	strace s17  }
0x93: {  	s2 =	sld [smem:$0x3FFC];
	_ =	sdelay $0x3  }
0x94: {  	_ =	strace s2  }
0x95: {  	s2 =	sld [smem:$0x3FFD];
	_ =	sdelay $0x3  }
0x96: {  	_ =	strace s2  }
0x97: {  	_ =	strace $0x8FFFFFFF  }
0x98: {  	s18 =	sld [smem:$0x3FDB];
	_ =	sdelay $0x1  }
0x99: {  	s19 =	simm.s32 $_scs_section_size  }
0x9a: {  	s4 =	simm.s32 $_size__tile_overlayer_lowered;
	s5 =	simm.s32 $_tile_overlayer_lowered  }
0x9b: {  	s22 =	simm.s32 $0x1BFF;
	s21 =	sshll.u32 s5, $0x1;
	s2 =	sadd.s32 s19, s18  }
0x9c: {  	s6 =	simm.s32 $0x0;
	s20 =	sshll.u32 s4, $0x1;
	s4 =	sadd.s32 s21, s2  }
0x9d: {  	[timem:s6], [sflag:s22] =	dma.local [hbm:s4], s20  }
0x9e: {  	_ =	swait.ge [sflag:s22], s20  }
0x9f: {  	s3 =	ssub.s32 $0x0, s20;
	[sflag:s22] =	ssyncset.done $0x0  }
0xa0: {  	[sflag:s22] =	ssyncadd.s32 s3;
	_ =	sdelay $0x1  }
0xa1: {  	s23 =	simm.s32 $0x1B8B  }
0xa2: {  	_ =	swait.ge [sflag:s23], $0x1  }
0xa3: {  	[sflag:s23] =	ssyncset.done $0x0  }
0xa4: {  	s25 =	simm.s32 $0x1B8E;
	s24 =	sld [smem:$0x3FFE];
	[sflag:s23] =	ssyncadd.s32 $0xFFFFFFFF  }
0xa5: {  	s26 =	simm.s32 $execute0_lowered;
	[smem:$0x3FD2] =	sst s25  }
0xa6: {  	s4 =	sshll.u32 s26, $0x1;
	_ =	strace $0x8000004C;
	[dreg:$0x1] =	wrdreg $0xFFFFFFFF  }
0xa7: {  	s28 =	simm.s32 $_size_execute0_lowered;
	s2 =	sadd.s32 s2, s4;
	[dreg:$0x0] =	wrdreg $0x0  }
0xa8: {  	s4 =	sshll.u32 s28, $0x1;
	[dreg:$0x2] =	wrdreg s2  }
0xa9: {  	[dreg:$0x3] =	wrdreg s4  }
0xaa: {  	[dreg:$0x4] =	wrdreg $0xC0  }
0xab: {  	_ =	task [dreg:s6], $0x5FFFF  }
0xac: {  	[dreg:$0x1] =	wrdreg $0xFFFFFFFF  }
0xad: {  	[dreg:$0x0] =	wrdreg $0x60  }
0xae: {  	[dreg:$0x2] =	wrdreg s24  }
0xaf: {  	[dreg:$0x3] =	wrdreg $0x9  }
0xb0: {  	_ =	task.clear_ibuf [dreg:s6], $0x4FFFF;
	_ =	strace $0x9000004C  }
0xb1: {  	s29 =	simm.s32 $0x9;
	_ =	strace $0x8000004E  }
0xb2: {  	_ =	swait.ge [sflag:s29], $0x1  }
0xb3: {  	[sflag:s29] =	ssyncadd.s32 $0xFFFFFFFF  }
0xb4: {  	_ =	strace $0x9000004E  }
0xb5: {  	_ =	sfence  }
0xb6: {  	s30 =	sld [smem:$0x0];
	_ =	sdelay $0x2  }
0xb7: {  	s31 =	sshll.u32 s1, $0xD;
	s1 =	sshrl.u32 s1, $0x2  }
0xb8: {  	s3 =	sand.u32 $0x4000, s31;
	s1 =	sadd.s32 s1, s30  }
0xb9: {  	s0 =	sor.u32 s3, s0;
	s1 =	sshll.u32 s1, $0x11  }
0xba: {  	s0 =	sor.u32 s1, s0  }
0xbb: {  	s0 =	sadd.s32 $0x8F2B, s0  }
0xbc: {  	[sflag:s0] =	ssyncadd.remote.s32 $0x1  }
0xbd: {  	_ =	sfence.sel $0xFFFF  }
0xbe: {  	[dreg:$0x0] =	wrdreg $0xFFFFFFFF;
	(pc) =	sbr.abs _section_cstart, $3  }
0xbf: {  	[dreg:$0x1] =	wrdreg $0xFFFFFFFF  }
0xc0: {  	_ =	task.clear_ibuf [dreg:s6], $0x2FFFF;
	_ =	strace $0x9FFFFFFF  }
0xc1: {  	(tm) =	ssettm $0x7FFFFFFF  }
tec
execute0_lowered:
.L_overlay_start_1:
0x0: {  	(tag) =	ssettag $0x1  }
0x1: {  	s5 =	rddreg [dreg:$0x0]  }
0x2: {  	s0 =	rddreg [dreg:$0x1];
	s1 =	simm.s32 $0x0  }
0x3: {  	s4 =	srdreg.scid;
	s2 =	stileid.u32;
	s18 =	simm.s32 $0x1  }
0x4: {  	s19 =	simm.s32 $0x2;
	s20 =	simm.s32 $0x0;
	[smem:$0x7FF] =	sst s1  }
0x5: {  	s3 =	sadd.s32 $0x38400, s5;
	s11 =	sand.u32 $0x1, s4;
	s4 =	sadd.s32 $0x9A000, s5  }
0x6: {  	s6 =	sshll.u32 s2, $0x8;
	s12 =	sadd.s32 $0x3600, s5;
	s10 =	sadd.s32 $0x1BE00, s5  }
0x7: {  	s14 =	sadd.s32 $0x716400, s5;
	s15 =	sadd.s32 $0xFBC00, s5;
	s30 =	sshll.u32 s2, $0xB  }
0x8: {  	p0 =	sgt.u32 s2, $0x4;
	_ =	strace $0x8000004D;
	s7 =	sshll.u32 s11, $0x7  }
0x9: {  	s28 =	ssub.s32 $0x2, s11;
	s17 =	sshll.u32 s11, $0xA;
	s13 =	sor.u32 s7, s6  }
0xa: {  	s31 =	sadd.s32 s30, s14;
	s29 =	sshrl.u32 s28, $0x1;
	s7 =	sor.u32 $0xC3000, s13  }
0xb: {  	s9 =	ssub.s32 s28, s29;
	s13 =	sshrl.u32 s13, $0x3;
	s8 =	sshrl.u32 s7, $0x3  }
0xc: {  	s16 =	sshll.u32 s7, $0x3;
	s9 =	smax.u32 s9, $0x1;
	s11 =	sadd.s32 s13, s12  }
0xd: {  	s5 =	sadd.s32 s12, s8;
	s6 =	sadd.s32 s10, s8;
	s7 =	sadd.s32 s14, s16  }
0xe: {  	s8 =	sadd.s32 s15, s16;
	s10 =	sadd.s32 s13, s10;
	s15 =	sadd.s32 s30, s15  }
0xf: {  	s13 =	sadd.s32 s17, s31;
	s14 =	simm.s32 $0x3;
	s16 =	simm.s32 $0x100  }
0x10: {  	s12 =	sadd.s32 s17, s15;
	s15 =	simm.s32 $0x80;
	s17 =	simm.s32 $0x2100  }
.LBB2_1:
0x11: {  	s21 =	sadd.s32 $0x0, s11  }
0x12: {  	[tilespmem:s1], [sflag:$0x3] =	stream.linear.gather [hbm4b:s21+s1], $0x80, $0x38;
	[tilespmem:$0x4100] =	vst v63  }
0x13: {  	_ =	swait.ge [sflag:s14], $0x80  }
0x14: {  	[sflag:s14] =	ssyncset.done $0x0  }
0x15: {  	s31 =	sadd.s32 $0x0, s10;
	[sflag:s14] =	ssyncadd.s32 $0xFFFFFF80  }
0x16: {  	[tilespmem:s15], [sflag:$0x3] =	stream.linear.gather [hbm4b:s31+s1], $0x80, $0x38;
	[tilespmem:$0x4100] =	vst v63  }
0x17: {  	_ =	swait.ge [sflag:s14], $0x80  }
0x18: {  	[sflag:s14] =	ssyncset.done $0x0  }
0x19: {  	[sflag:s14] =	ssyncadd.s32 $0xFFFFFF80  }
0x1a: {  	[tilespmem:s16], [sflag:$0x1] =	stream.indirect.gather [hbm4b:s3+s15], $0x40, s1, s15, $0xb8;
	[tilespmem:$0x4100] =	vst v63  }
0x1b: {  	_ = 	snop  }
0x1c: {  	[tilespmem:s17], [sflag:$0x2] =	stream.indirect.gather [hbm4b:s4+s15], $0x40, s15, s15, $0xb8;
	[tilespmem:$0x4100] =	vst v63  }
0x1d: {  	_ =	swait.ge [sflag:s18], $0x2000  }
0x1e: {  	[sflag:s18] =	ssyncset.done $0x0  }
0x1f: {  	[sflag:s18] =	ssyncadd.s32 $0xFFFFE000  }
0x20: {  	_ =	swait.ge [sflag:s19], $0x2000  }
0x21: {  	[sflag:s19] =	ssyncset.done $0x0  }
0x22: {  	[sflag:s19] =	ssyncadd.s32 $0xFFFFE000  }
0x23: {  	[hbm4b:s13+s1] =	stream.linear.scatter [tilespmem:s16], [sflag:$0x3], $0x2000, $0x38;
	[tilespmem:$0x4100] =	vst v63  }
0x24: {  	_ =	swait.ge [sflag:s14], $0x2000  }
0x25: {  	[sflag:s14] =	ssyncset.done $0x0  }
0x26: {  	[sflag:s14] =	ssyncadd.s32 $0xFFFFE000  }
0x27: {  	[hbm4b:s12+s1] =	stream.linear.scatter [tilespmem:s17], [sflag:$0x3], $0x2000, $0x38;
	[tilespmem:$0x4100] =	vst v63  }
0x28: {  	s23 =	simm.s32 $0x200;
	s24 =	simm.s32 $0x400;
	_ =	swait.ge [sflag:s14], $0x2000  }
0x29: {  	s22 =	sadd.s32 $0x8000, s13;
	s21 =	sadd.s32 $0x8000, s12;
	[sflag:s14] =	ssyncset.done $0x0  }
.LBB2_2:
0x2a: {  	s25 =	sadd.s32 s23, s11  }
0x2b: {  	[sflag:s14] =	ssyncadd.s32 $0xFFFFE000;
	s26 =	smov.u32 s24;
	s28 =	sadd.s32 $0x200, s24  }
0x2c: {  	[tilespmem:s1], [sflag:$0x3] =	stream.linear.gather [hbm4b:s25+s1], $0x80, $0x38;
	[tilespmem:$0x4100] =	vst v63  }
0x2d: {  	p1 =	sne.s32 s24, $0x18400;
	_ =	swait.ge [sflag:s14], $0x80  }
0x2e: {  	[sflag:s14] =	ssyncset.done $0x0  }
0x2f: {  	s24 =	sadd.s32 s23, s10;
	s23 =	smov.u32 s26;
	[sflag:s14] =	ssyncadd.s32 $0xFFFFFF80  }
0x30: {  	[tilespmem:s15], [sflag:$0x3] =	stream.linear.gather [hbm4b:s24+s1], $0x80, $0x38;
	[tilespmem:$0x4100] =	vst v63  }
0x31: {  	_ =	swait.ge [sflag:s14], $0x80  }
0x32: {  	[sflag:s14] =	ssyncset.done $0x0  }
0x33: {  	[sflag:s14] =	ssyncadd.s32 $0xFFFFFF80  }
0x34: {  	[tilespmem:s16], [sflag:$0x1] =	stream.indirect.gather [hbm4b:s3+s15], $0x40, s1, s15, $0xb8;
	[tilespmem:$0x4100] =	vst v63  }
0x35: {  	_ = 	snop  }
0x36: {  	[tilespmem:s17], [sflag:$0x2] =	stream.indirect.gather [hbm4b:s4+s15], $0x40, s15, s15, $0xb8;
	[tilespmem:$0x4100] =	vst v63  }
0x37: {  	_ =	swait.ge [sflag:s18], $0x2000  }
0x38: {  	[sflag:s18] =	ssyncset.done $0x0  }
0x39: {  	[sflag:s18] =	ssyncadd.s32 $0xFFFFE000  }
0x3a: {  	_ =	swait.ge [sflag:s19], $0x2000  }
0x3b: {  	[sflag:s19] =	ssyncset.done $0x0  }
0x3c: {  	[sflag:s19] =	ssyncadd.s32 $0xFFFFE000  }
0x3d: {  	[hbm4b:s22+s1] =	stream.linear.scatter [tilespmem:s16], [sflag:$0x3], $0x2000, $0x38;
	[tilespmem:$0x4100] =	vst v63  }
0x3e: {  	_ =	swait.ge [sflag:s14], $0x2000  }
.Ltmp0:
0x3f: {  	[sflag:s14] =	ssyncset.done $0x0;
	(pc) =	sbr.rel @p1 .LBB2_2-.Ltmp0, $4  }
0x40: {  	[sflag:s14] =	ssyncadd.s32 $0xFFFFE000  }
0x41: {  	[hbm4b:s21+s1] =	stream.linear.scatter [tilespmem:s17], [sflag:$0x3], $0x2000, $0x38;
	[tilespmem:$0x4100] =	vst v63  }
0x42: {  	s24 =	smov.u32 s28;
	_ =	swait.ge [sflag:s14], $0x2000  }
0x43: {  	s22 =	sadd.s32 $0x8000, s22;
	s21 =	sadd.s32 $0x8000, s21;
	[sflag:s14] =	ssyncset.done $0x0  }
0x44: {  	s24 =	sadd.s32 s23, s11;
	[sflag:s14] =	ssyncadd.s32 $0xFFFFE000  }
0x45: {  	[tilespmem:s1], [sflag:$0x3] =	stream.linear.gather [hbm4b:s24+s1], $0x80, $0x38;
	[tilespmem:$0x4100] =	vst v63  }
0x46: {  	_ =	swait.ge [sflag:s14], $0x80  }
0x47: {  	[sflag:s14] =	ssyncset.done $0x0  }
0x48: {  	s31 =	sadd.s32 s23, s10;
	[sflag:s14] =	ssyncadd.s32 $0xFFFFFF80  }
0x49: {  	[tilespmem:s15], [sflag:$0x3] =	stream.linear.gather [hbm4b:s31+s1], $0x80, $0x38;
	[tilespmem:$0x4100] =	vst v63  }
0x4a: {  	_ =	swait.ge [sflag:s14], $0x80  }
0x4b: {  	[sflag:s14] =	ssyncset.done $0x0  }
0x4c: {  	[sflag:s14] =	ssyncadd.s32 $0xFFFFFF80  }
0x4d: {  	[tilespmem:s16], [sflag:$0x1] =	stream.indirect.gather [hbm4b:s3+s15], $0x40, s1, s15, $0xb8;
	[tilespmem:$0x4100] =	vst v63  }
0x4e: {  	_ = 	snop  }
0x4f: {  	[tilespmem:s17], [sflag:$0x2] =	stream.indirect.gather [hbm4b:s4+s15], $0x40, s15, s15, $0xb8;
	[tilespmem:$0x4100] =	vst v63  }
0x50: {  	_ =	swait.ge [sflag:s18], $0x2000  }
0x51: {  	[sflag:s18] =	ssyncset.done $0x0  }
0x52: {  	[sflag:s18] =	ssyncadd.s32 $0xFFFFE000  }
0x53: {  	_ =	swait.ge [sflag:s19], $0x2000  }
0x54: {  	[sflag:s19] =	ssyncset.done $0x0  }
0x55: {  	[sflag:s19] =	ssyncadd.s32 $0xFFFFE000  }
0x56: {  	[hbm4b:s22+s1] =	stream.linear.scatter [tilespmem:s16], [sflag:$0x3], $0x2000, $0x38;
	[tilespmem:$0x4100] =	vst v63  }
0x57: {  	_ =	swait.ge [sflag:s14], $0x2000  }
0x58: {  	[sflag:s14] =	ssyncset.done $0x0  }
0x59: {  	[sflag:s14] =	ssyncadd.s32 $0xFFFFE000  }
0x5a: {  	[hbm4b:s21+s1] =	stream.linear.scatter [tilespmem:s17], [sflag:$0x3], $0x2000, $0x38;
	[tilespmem:$0x4100] =	vst v63  }
0x5b: {  	_ =	swait.ge [sflag:s14], $0x2000  }
0x5c: {  	[sflag:s14] =	ssyncset.done $0x0  }
0x5d: {  	s22 =	simm.s32 @!p0 $0x3;
	s21 =	simm.s32 @!p0 $0x0;
	[sflag:s14] =	ssyncadd.s32 $0xFFFFE000  }
0x5e: {  	[tilespmem:s21], [sflag:$0x3] =	stream.linear.gather @!p0 [hbm4b:s5+s21], $0x80, $0x38;
	[tilespmem:$0x4100] =	vst v63  }
0x5f: {  	_ =	swait.ge @!p0 [sflag:s22], $0x80  }
0x60: {  	[sflag:s22] =	ssyncset.done @!p0 $0x0  }
0x61: {  	s23 =	simm.s32 @!p0 $0x80;
	[sflag:s22] =	ssyncadd.s32 @!p0 $0xFFFFFF80  }
0x62: {  	[tilespmem:s23], [sflag:$0x3] =	stream.linear.gather @!p0 [hbm4b:s6+s21], $0x80, $0x38;
	[tilespmem:$0x4100] =	vst v63  }
0x63: {  	_ =	swait.ge @!p0 [sflag:s22], $0x80  }
0x64: {  	[sflag:s22] =	ssyncset.done @!p0 $0x0  }
0x65: {  	s24 =	simm.s32 @!p0 $0x100;
	[sflag:s22] =	ssyncadd.s32 @!p0 $0xFFFFFF80  }
0x66: {  	[tilespmem:s24], [sflag:$0x1] =	stream.indirect.gather @!p0 [hbm4b:s3+s23], $0x40, s21, s23, $0xb8;
	[tilespmem:$0x4100] =	vst v63  }
0x67: {  	s25 =	simm.s32 @!p0 $0x2100  }
0x68: {  	[tilespmem:s25], [sflag:$0x2] =	stream.indirect.gather @!p0 [hbm4b:s4+s23], $0x40, s23, s23, $0xb8;
	[tilespmem:$0x4100] =	vst v63  }
0x69: {  	s23 =	simm.s32 @!p0 $0x1  }
0x6a: {  	_ =	swait.ge @!p0 [sflag:s23], $0x2000  }
0x6b: {  	[sflag:s23] =	ssyncset.done @!p0 $0x0  }
0x6c: {  	[sflag:s23] =	ssyncadd.s32 @!p0 $0xFFFFE000;
	s23 =	simm.s32 @!p0 $0x2  }
0x6d: {  	_ =	swait.ge @!p0 [sflag:s23], $0x2000  }
0x6e: {  	[sflag:s23] =	ssyncset.done @!p0 $0x0  }
0x6f: {  	[sflag:s23] =	ssyncadd.s32 @!p0 $0xFFFFE000  }
0x70: {  	[hbm4b:s7+s21] =	stream.linear.scatter @!p0 [tilespmem:s24], [sflag:$0x3], $0x2000, $0x38;
	[tilespmem:$0x4100] =	vst v63  }
0x71: {  	s20 =	sadd.s32 $0x1, s20;
	_ =	swait.ge @!p0 [sflag:s22], $0x2000  }
0x72: {  	p1 =	sne.s32 s20, s9;
	[sflag:s22] =	ssyncset.done @!p0 $0x0  }
.Ltmp1:
0x73: {  	[sflag:s22] =	ssyncadd.s32 @!p0 $0xFFFFE000;
	(pc) =	sbr.rel @p1 .LBB2_1-.Ltmp1, $4  }
0x74: {  	[hbm4b:s8+s21] =	stream.linear.scatter @!p0 [tilespmem:s25], [sflag:$0x3], $0x2000, $0x38;
	[tilespmem:$0x4100] =	vst v63  }
0x75: {  	_ =	swait.ge @!p0 [sflag:s22], $0x2000  }
0x76: {  	[sflag:s22] =	ssyncset.done @!p0 $0x0  }
0x77: {  	[sflag:s22] =	ssyncadd.s32 @!p0 $0xFFFFE000  }
0x78: {  	_ =	sfence.sel $0x180000  }
0x79: {  	[bflag:$0x0] =	sbarrier.arrive $0xFFFF  }
0x7a: {  	p0 =	sne.s32 s2, $0x0;
	_ =	strace $0x9000004D  }
0x7b: {  	s0 =	sadd.s32 @!p0 $0x100000, s0;
	[bflag:$0x2] =	sbarrier.arrive $0xFFFF  }
0x7c: {  	[sflag:s0] =	ssyncadd.tile.s32 @!p0 $0x1;
	_ =	shalt  }
.Lfunc_end2:
_tile_overlayer_lowered:
.L_overlay_start_2:
0x7d: {  	(tag) =	ssettag $0x2  }
0x7e: {  	s0 =	rddreg [dreg:$0x0];
	s2 =	stileid.u32  }
0x7f: {  	s1 =	rddreg [dreg:$0x1];
	p0 =	sne.s32 s2, $0x0  }
0x80: {  	s3 =	rddreg [dreg:$0x2];
	[bflag:$0x3] =	sbarrier.arrive $0xFFFF;
	s2 =	simm.s32 @!p0 $0x1C03  }
0x81: {  	[timem:s3], [sflag:s2] =	dma.local @!p0 [hbm:s0], s1  }
0x82: {  	s0 =	simm.s32 @!p0 $0x3  }
0x83: {  	_ =	swait.ge @!p0 [sflag:s0], s1  }
0x84: {  	s1 =	ssub.s32 @!p0 $0x0, s1;
	[sflag:s0] =	ssyncset.done @!p0 $0x0  }
0x85: {  	[sflag:s0] =	ssyncadd.s32 @!p0 s1  }
0x86: {  	[bflag:$0x3] =	sbarrier.arrive $0xFFFF  }
0x87: {  	_ =	shalt  }

// kernel: kernel.22.cloned.1.call-start
scs
__scs_entry_jumppad:
0x0: {  	(pc) =	sbr.rel $0x88, $3  }
0x1: {  	(tag) =	ssettag $0x0;
	lr =	simm.s32 $0x1  }
0x2: {  	[smem:$0x3F92] =	sst lr;
	_ =	strace $0xD0000000  }
0x3: {  	_ = 	snop  }
0x4: {  	_ = 	snop  }
0x5: {  	_ = 	snop  }
0x6: {  	_ = 	snop  }
0x7: {  	_ = 	snop  }
__scs_overlays_trampoline_lowered:
0x8: {  	[smem:$0x3FA1] =	sst s0  }
0x9: {  	[smem:$0x3FA2] =	sst s1  }
0xa: {  	[smem:$0x3FA3] =	sst s2  }
0xb: {  	[smem:$0x3FA4] =	sst s3  }
0xc: {  	[smem:$0x3FA5] =	sst s4  }
0xd: {  	[smem:$0x3FA6] =	sst s5  }
0xe: {  	[smem:$0x3FA7] =	sst s6  }
0xf: {  	[smem:$0x3FA8] =	sst s7  }
0x10: {  	[smem:$0x3FA9] =	sst s8  }
0x11: {  	[smem:$0x3FAA] =	sst s9;
	s0 =	simm.s32 @!p0 $0x0  }
0x12: {  	s1 =	sld [smem:$0x3F90];
	s0 =	simm.s32 @p0 $0x1  }
0x13: {  	[smem:$0x3FAB] =	sst s0;
	s0 =	simm.s32 @!p1 $0x0  }
0x14: {  	s2 =	sld [smem:$0x3F8F];
	s0 =	simm.s32 @p1 $0x1  }
0x15: {  	[smem:$0x3FAC] =	sst s0;
	s0 =	simm.s32 @!p2 $0x0  }
0x16: {  	s3 =	sld [smem:$0x3FDB];
	s0 =	simm.s32 @p2 $0x1  }
0x17: {  	s4 =	simm.s32 $0x1BF5;
	[smem:$0x3FAE] =	sst s0  }
0x18: {  	s0 =	sld [smem:$0x3F91];
	_ =	swait.ge [sflag:s4], $0x0  }
0x19: {  	s7 =	sld [smem:$0x3F92]  }
0x1a: {  	s8 =	sadd.s32 $0xFFFFE003, lr  }
0x1b: {  	s9 =	sadd.s32 $0xFFFFFEF7, lr;
	s5 =	simm.s32 $0xFFFFFFFF;
	p2 =	slt.u32 s8, $0xFFFFF086  }
0x1c: {  	p1 =	slt.u32 s9, $0xF7A;
	s5 =	simm.s32 @!p2 $0x0  }
0x1d: {  	s5 =	simm.s32 @p1 $0x1;
	p0 =	seq.s32 s7, s2  }
0x1e: {  	s7 =	smul.u32 @!p0 $0xF7A, s2;
	p2 =	seq.s32 @!p0 s5, $0x0  }
0x1f: {  	s9 =	smul.u32 $0xF7A, s1;
	s8 =	simm.s32 @!p0 $0x1BF5;
	p2 =	por !p2, p0  }
0x20: {  	[sflag:s8] =	ssyncset.s32 @!p0 $0xFFFFF086;
	s6 =	sadd.s32 @!p0 s3, s7;
	s7 =	simm.s32 @!p0 $0x108  }
0x21: {  	s3 =	sadd.s32 s3, s9;
	s6 =	sadd.s32 @!p0 $0x88, s6;
	s7 =	simm.s32 @p2 $0x1082  }
0x22: {  	[simem:s7], [sflag:s8] =	dma.local @!p0 [hbm:s6], $0xF7A  }
0x23: {  	s9 =	sor.u32 $0xD0000000, s2;
	s6 =	simm.s32 $0x108;
	_ =	swait.ge @!p0 [sflag:s8], $0x0  }
0x24: {  	s3 =	sadd.s32 $0x88, s3;
	s6 =	simm.s32 @!p1 $0x1082;
	[sflag:s4] =	ssyncset.s32 $0xFFFFF086  }
0x25: {  	[simem:s6], [sflag:s4] =	dma.local [hbm:s3], $0xF7A  }
0x26: {  	[smem:$0x3F92] =	sst s1;
	(tag) =	ssettag s2;
	_ =	strace s9  }
0x27: {  	s1 =	sld [smem:$0x3FA2]  }
0x28: {  	s2 =	sld [smem:$0x3FA3]  }
0x29: {  	s4 =	sld [smem:$0x3FA5]  }
0x2a: {  	p0 =	seq.s32 s5, $0x0;
	s5 =	sld [smem:$0x3FA6]  }
0x2b: {  	s6 =	sld [smem:$0x3FA7]  }
0x2c: {  	s7 =	sld [smem:$0x3FA8]  }
0x2d: {  	s3 =	simm.s32 $0x108;
	s8 =	sld [smem:$0x3FA9]  }
0x2e: {  	s3 =	simm.s32 @!p0 $0x1082;
	s9 =	sld [smem:$0x3FAA]  }
0x2f: {  	lr =	sadd.s32 s0, s3;
	s0 =	sld [smem:$0x3FA1]  }
0x30: {  	s3 =	sld [smem:$0x3FA4]  }
0x31: {  	[smem:$0x3FAD] =	sst s10  }
0x32: {  	s10 =	sld [smem:$0x3FAB];
	_ =	sdelay $0x3  }
0x33: {  	p0 =	seq.s32 s10, $0x1;
	s10 =	sld [smem:$0x3FAD];
	_ =	sdelay $0x3  }
0x34: {  	[smem:$0x3FAD] =	sst s10  }
0x35: {  	s10 =	sld [smem:$0x3FAC];
	_ =	sdelay $0x3  }
0x36: {  	p1 =	seq.s32 s10, $0x1;
	s10 =	sld [smem:$0x3FAD];
	_ =	sdelay $0x3  }
0x37: {  	[smem:$0x3FAD] =	sst s10  }
0x38: {  	s10 =	sld [smem:$0x3FAE]  }
0x39: {  	_ = 	snop;
	(pc) =	sbr.ind lr, $3  }
0x3a: {  	_ = 	snop  }
0x3b: {  	_ = 	snop  }
0x3c: {  	p2 =	seq.s32 s10, $0x1;
	s10 =	sld [smem:$0x3FAD]  }
0x3d: {  	_ =	shalt  }
0x3e: {  	_ =	shalt  }
0x3f: {  	_ =	shalt  }
0x40: {  	_ =	shalt  }
0x41: {  	_ =	shalt  }
0x42: {  	_ =	shalt  }
0x43: {  	_ =	shalt  }
0x44: {  	_ =	shalt  }
0x45: {  	_ =	shalt  }
0x46: {  	_ =	shalt  }
0x47: {  	_ =	shalt  }
0x48: {  	_ =	shalt  }
0x49: {  	_ =	shalt  }
0x4a: {  	_ =	shalt  }
0x4b: {  	_ =	shalt  }
0x4c: {  	_ =	shalt  }
0x4d: {  	_ =	shalt  }
0x4e: {  	_ =	shalt  }
0x4f: {  	_ =	shalt  }
0x50: {  	_ =	shalt  }
0x51: {  	_ =	shalt  }
0x52: {  	_ =	shalt  }
0x53: {  	_ =	shalt  }
0x54: {  	_ =	shalt  }
0x55: {  	_ =	shalt  }
0x56: {  	_ =	shalt  }
0x57: {  	_ =	shalt  }
0x58: {  	_ =	shalt  }
0x59: {  	_ =	shalt  }
0x5a: {  	_ =	shalt  }
0x5b: {  	_ =	shalt  }
0x5c: {  	_ =	shalt  }
0x5d: {  	_ =	shalt  }
0x5e: {  	_ =	shalt  }
0x5f: {  	_ =	shalt  }
0x60: {  	_ =	shalt  }
0x61: {  	_ =	shalt  }
0x62: {  	_ =	shalt  }
0x63: {  	_ =	shalt  }
0x64: {  	_ =	shalt  }
0x65: {  	_ =	shalt  }
0x66: {  	_ =	shalt  }
0x67: {  	_ =	shalt  }
0x68: {  	_ =	shalt  }
0x69: {  	_ =	shalt  }
0x6a: {  	_ =	shalt  }
0x6b: {  	_ =	shalt  }
0x6c: {  	_ =	shalt  }
0x6d: {  	_ =	shalt  }
0x6e: {  	_ =	shalt  }
0x6f: {  	_ =	shalt  }
0x70: {  	_ =	shalt  }
0x71: {  	_ =	shalt  }
0x72: {  	_ =	shalt  }
0x73: {  	_ =	shalt  }
0x74: {  	_ =	shalt  }
0x75: {  	_ =	shalt  }
0x76: {  	_ =	shalt  }
0x77: {  	_ =	shalt  }
0x78: {  	_ =	shalt  }
0x79: {  	_ =	shalt  }
0x7a: {  	_ =	shalt  }
0x7b: {  	_ =	shalt  }
0x7c: {  	_ =	shalt  }
0x7d: {  	_ =	shalt  }
0x7e: {  	_ =	shalt  }
0x7f: {  	_ =	shalt  }
0x80: {  	_ =	shalt  }
0x81: {  	_ =	shalt  }
0x82: {  	_ =	shalt  }
0x83: {  	_ =	shalt  }
0x84: {  	_ =	shalt  }
0x85: {  	_ =	shalt  }
0x86: {  	_ =	shalt  }
0x87: {  	_ =	shalt  }
.Lfunc_end0:
.L_simem_size_0:
called_computation.3_lowered:
.L_overlay_start_0:
0x88: {  	s2 =	sld [smem:$0x3FD9]  }
0x89: {  	s3 =	sld [smem:$0x3FFE];
	_ =	sdelay $0x1  }
0x8a: {  	s1 =	srdreg.scid  }
0x8b: {  	s0 =	sand.u32 $0x1, s1  }
0x8c: {  	s16 =	sshll.u32 s0, $0xA;
	s2 =	sadd.s32 s3, s2  }
0x8d: {  	s2 =	sadd.s32 s2, s16  }
0x8e: {  	[smem:$0x3FB9] =	sst s2  }
0x8f: {  	_ = 	snop  }
0x90: {  	(tm) =	ssettm $0x1  }
0x91: {  	s17 =	sld [smem:$0x3FFB];
	_ =	sdelay $0x3  }
0x92: {  	_ =	strace s17  }
0x93: {  	s2 =	sld [smem:$0x3FFC];
	_ =	sdelay $0x3  }
0x94: {  	_ =	strace s2  }
0x95: {  	s2 =	sld [smem:$0x3FFD];
	_ =	sdelay $0x3  }
0x96: {  	_ =	strace s2  }
0x97: {  	_ =	strace $0x8FFFFFFF  }
0x98: {  	s18 =	sld [smem:$0x3FDB];
	_ =	sdelay $0x1  }
0x99: {  	s19 =	simm.s32 $_scs_section_size  }
0x9a: {  	s4 =	simm.s32 $_size__tile_overlayer_lowered;
	s5 =	simm.s32 $_tile_overlayer_lowered  }
0x9b: {  	s22 =	simm.s32 $0x1BFF;
	s21 =	sshll.u32 s5, $0x1;
	s2 =	sadd.s32 s19, s18  }
0x9c: {  	s6 =	simm.s32 $0x0;
	s20 =	sshll.u32 s4, $0x1;
	s4 =	sadd.s32 s21, s2  }
0x9d: {  	[timem:s6], [sflag:s22] =	dma.local [hbm:s4], s20  }
0x9e: {  	_ =	swait.ge [sflag:s22], s20  }
0x9f: {  	s3 =	ssub.s32 $0x0, s20;
	[sflag:s22] =	ssyncset.done $0x0  }
0xa0: {  	[sflag:s22] =	ssyncadd.s32 s3;
	_ =	sdelay $0x1  }
0xa1: {  	s23 =	simm.s32 $0x1B8B  }
0xa2: {  	_ =	swait.ge [sflag:s23], $0x1  }
0xa3: {  	[sflag:s23] =	ssyncset.done $0x0  }
0xa4: {  	s25 =	simm.s32 $0x1B8E;
	s24 =	sld [smem:$0x3FFE];
	[sflag:s23] =	ssyncadd.s32 $0xFFFFFFFF  }
0xa5: {  	s26 =	simm.s32 $execute0_lowered;
	[smem:$0x3FD2] =	sst s25  }
0xa6: {  	s4 =	sshll.u32 s26, $0x1;
	_ =	strace $0x8000004F;
	[dreg:$0x1] =	wrdreg $0xFFFFFFFF  }
0xa7: {  	s28 =	simm.s32 $_size_execute0_lowered;
	s2 =	sadd.s32 s2, s4;
	[dreg:$0x0] =	wrdreg $0x0  }
0xa8: {  	s4 =	sshll.u32 s28, $0x1;
	[dreg:$0x2] =	wrdreg s2  }
0xa9: {  	[dreg:$0x3] =	wrdreg s4  }
0xaa: {  	[dreg:$0x4] =	wrdreg $0xC0  }
0xab: {  	_ =	task [dreg:s6], $0x5FFFF  }
0xac: {  	[dreg:$0x1] =	wrdreg $0xFFFFFFFF  }
0xad: {  	[dreg:$0x0] =	wrdreg $0x60  }
0xae: {  	[dreg:$0x2] =	wrdreg s24  }
0xaf: {  	[dreg:$0x3] =	wrdreg $0x0  }
0xb0: {  	[dreg:$0x4] =	wrdreg $0x9  }
0xb1: {  	_ =	task.clear_ibuf [dreg:s6], $0x5FFFF;
	_ =	strace $0x9000004F  }
0xb2: {  	s29 =	simm.s32 $0x9;
	_ =	strace $0x80000051  }
0xb3: {  	_ =	swait.ge [sflag:s29], $0x1  }
0xb4: {  	[sflag:s29] =	ssyncadd.s32 $0xFFFFFFFF  }
0xb5: {  	_ =	strace $0x90000051  }
0xb6: {  	_ =	sfence  }
0xb7: {  	s30 =	sld [smem:$0x0];
	_ =	sdelay $0x2  }
0xb8: {  	s31 =	sshll.u32 s1, $0xD;
	s1 =	sshrl.u32 s1, $0x2  }
0xb9: {  	s3 =	sand.u32 $0x4000, s31;
	s1 =	sadd.s32 s1, s30  }
0xba: {  	s0 =	sor.u32 s3, s0;
	s1 =	sshll.u32 s1, $0x11  }
0xbb: {  	s0 =	sor.u32 s1, s0  }
0xbc: {  	s0 =	sadd.s32 $0x8F2B, s0  }
0xbd: {  	[sflag:s0] =	ssyncadd.remote.s32 $0x1  }
0xbe: {  	_ =	sfence.sel $0xFFFF  }
0xbf: {  	[dreg:$0x0] =	wrdreg $0xFFFFFFFF;
	(pc) =	sbr.abs _section_cstart, $3  }
0xc0: {  	[dreg:$0x1] =	wrdreg $0xFFFFFFFF  }
0xc1: {  	_ =	task.clear_ibuf [dreg:s6], $0x2FFFF;
	_ =	strace $0x9FFFFFFF  }
0xc2: {  	(tm) =	ssettm $0x7FFFFFFF  }
0xc3: {  	_ =	shalt  }
tec
execute0_lowered:
.L_overlay_start_1:
0x0: {  	(tag) =	ssettag $0x1  }
0x1: {  	s5 =	rddreg [dreg:$0x0]  }
0x2: {  	s2 =	rddreg [dreg:$0x1]  }
0x3: {  	s0 =	rddreg [dreg:$0x2];
	s1 =	stileid.u32  }
0x4: {  	s3 =	simm.s32 $0x0;
	s4 =	srdreg.scid;
	s7 =	smul.u32 $0x3D0E, s1  }
0x5: {  	s16 =	simm.s32 $0x1EDB0;
	s17 =	simm.s32 $0x1F2B0;
	s24 =	smul.u32 $0xC350, s1  }
0x6: {  	s19 =	simm.s32 $0x1;
	s20 =	simm.s32 $0x0;
	s26 =	smul.u32 $0x7A1C0, s1  }
0x7: {  	[smem:$0x7FF] =	sst s3;
	s6 =	sand.u32 $0x1, s4;
	s14 =	smul.u32 $0x7A120, s1  }
0x8: {  	s10 =	sadd.s32 $0xC6D400, s5;
	s11 =	sadd.s32 $0x1BE00, s5;
	s15 =	smul.u32 $0x186A, s1  }
0x9: {  	s4 =	sadd.s32 $0x34600, s5;
	s31 =	sshll.u32 s1, $0x6;
	s8 =	smul.u32 $0x3D0E0, s6  }
0xa: {  	_ =	strace $0x80000050;
	s25 =	ssub.s32 $0x2, s6;
	s18 =	smul.u32 $0x61A8, s6  }
0xb: {  	s12 =	sshrl.u32 s25, $0x1;
	s28 =	sadd.s32 $0xC340, s24;
	s29 =	sshrl.u32 s26, $0x2  }
0xc: {  	s7 =	sadd.s32 s7, s8;
	s12 =	ssub.s32 s25, s12;
	s30 =	smul.u32 $0xA, s28  }
0xd: {  	s13 =	sadd.s32 s29, s2;
	s6 =	sshrl.u32 s28, $0x3;
	v0 =	vmov s18;
	s18 =	simm.s32 $0x1F7B0  }
0xe: {  	s9 =	sadd.s32 s7, s5;
	s5 =	sor.u32 $0x1C02, s31;
	s6 =	sadd.s32 s11, s6  }
0xf: {  	s11 =	sadd.s32 s15, s11;
	s15 =	simm.s32 $0x1E8B0;
	s7 =	sadd.s32 s10, s30  }
0x10: {  	s8 =	sadd.s32 $0x38400, s9;
	s9 =	smax.u32 s12, $0x1;
	s10 =	sadd.s32 s14, s10  }
0x11: {  	vm0 =	vmmov $0xffff;
	s12 =	sshrl.u32 s13, $0x3;
	s13 =	simm.s32 $0x2;
	s14 =	simm.s32 $0x1E870  }
.LBB2_1:
0x12: {  	[spmem:s12], [sflag:s5] =	dma.local [hbm:s4], $0x3D0E  }
0x13: {  	_ =	swait.ge [sflag:s13], $0x3D0E  }
0x14: {  	[sflag:s13] =	ssyncset.done $0x0  }
0x15: {  	[sflag:s13] =	ssyncadd.s32 $0xFFFFC2F2  }
0x16: {  	s21 =	smov.u32 s10;
	s22 =	simm.s32 $0x0;
	[bflag:$0x0] =	sbarrier.arrive $0xFFFF  }
.LBB2_2:
0x17: {  	s23 =	sadd.s32 s22, s11  }
0x18: {  	[tilespmem:s14], [sflag:$0x2] =	stream.linear.gather [hbm4b:s23+s3], $0x40, $0x38;
	[tilespmem:$0x1FCB0] =	vst v63  }
0x19: {  	_ =	swait.ge [sflag:s13], $0x40  }
0x1a: {  	[sflag:s13] =	ssyncset.done $0x0  }
0x1b: {  	[sflag:s13] =	ssyncadd.s32 $0xFFFFFFC0  }
0x1c: {  	[tilespmem:s15], [sflag:$0x2] =	stream.linear.gather [hbm4b:s21+s3], $0x1400, $0x38;
	[tilespmem:$0x1FCB0] =	vst v63  }
0x1d: {  	_ =	swait.ge [sflag:s13], $0x1400  }
0x1e: {  	[sflag:s13] =	ssyncset.done $0x0  }
0x1f: {  	[sflag:s13] =	ssyncadd.s32 $0xFFFFEC00  }
0x20: {  	v1 =	vld [tilespmem:$0x1E870];
	_ =	sdelay $0x4  }
0x21: {  	v1 =	vsub.s32 v1, v0  }
0x22: {  	v1 =	vmin.u32 v1, $0x61A8;
	_ =	sdelay $0x4  }
0x23: {  	[spmem:s2] =	stream.indirect_vreg.scatter.add.f32 [tilespmem:s15], [sflag:$0x1], $0x50, v1, vm0, $0xb8;
	[tilespmem:$0x1FCB0] =	vst v63  }
0x24: {  	v1 =	vld [tilespmem:$0x1E880];
	_ =	sdelay $0x4  }
0x25: {  	v1 =	vsub.s32 v1, v0  }
0x26: {  	v1 =	vmin.u32 v1, $0x61A8;
	_ =	sdelay $0x4  }
0x27: {  	[spmem:s2] =	stream.indirect_vreg.scatter.add.f32 [tilespmem:s16], [sflag:$0x1], $0x50, v1, vm0, $0xb8;
	[tilespmem:$0x1FCB0] =	vst v63  }
0x28: {  	v1 =	vld [tilespmem:$0x1E890];
	_ =	sdelay $0x4  }
0x29: {  	v1 =	vsub.s32 v1, v0  }
0x2a: {  	v1 =	vmin.u32 v1, $0x61A8;
	_ =	sdelay $0x4  }
0x2b: {  	[spmem:s2] =	stream.indirect_vreg.scatter.add.f32 [tilespmem:s17], [sflag:$0x1], $0x50, v1, vm0, $0xb8;
	[tilespmem:$0x1FCB0] =	vst v63  }
0x2c: {  	v1 =	vld [tilespmem:$0x1E8A0];
	_ =	sdelay $0x4  }
0x2d: {  	v1 =	vsub.s32 v1, v0  }
0x2e: {  	v1 =	vmin.u32 v1, $0x61A8;
	_ =	sdelay $0x4  }
0x2f: {  	[spmem:s2] =	stream.indirect_vreg.scatter.add.f32 [tilespmem:s18], [sflag:$0x1], $0x50, v1, vm0, $0xb8;
	[tilespmem:$0x1FCB0] =	vst v63  }
0x30: {  	_ =	swait.ge [sflag:s19], $0x500  }
0x31: {  	[sflag:s19] =	ssyncset.done $0x0  }
0x32: {  	[sflag:s19] =	ssyncadd.s32 $0xFFFFFB00  }
0x33: {  	_ =	swait.ge [sflag:s19], $0x500  }
0x34: {  	[sflag:s19] =	ssyncset.done $0x0  }
0x35: {  	[sflag:s19] =	ssyncadd.s32 $0xFFFFFB00  }
0x36: {  	p0 =	sne.s32 s22, $0x1860;
	_ =	swait.ge [sflag:s19], $0x500  }
.Ltmp0:
0x37: {  	[sflag:s19] =	ssyncset.done $0x0;
	(pc) =	sbr.rel @p0 .LBB2_2-.Ltmp0, $4  }
0x38: {  	[sflag:s19] =	ssyncadd.s32 $0xFFFFFB00  }
0x39: {  	_ =	swait.ge [sflag:s19], $0x500  }
0x3a: {  	[sflag:s19] =	ssyncset.done $0x0  }
0x3b: {  	s22 =	sadd.s32 $0x8, s22;
	s21 =	sadd.s32 $0x280, s21;
	[sflag:s19] =	ssyncadd.s32 $0xFFFFFB00  }
0x3c: {  	[tilespmem:s14], [sflag:$0x2] =	stream.linear.gather [hbm4b:s6+s3], $0x10, $0x38;
	[tilespmem:$0x1FCB0] =	vst v63  }
0x3d: {  	_ =	swait.ge [sflag:s13], $0x10  }
0x3e: {  	[sflag:s13] =	ssyncset.done $0x0  }
0x3f: {  	[sflag:s13] =	ssyncadd.s32 $0xFFFFFFF0  }
0x40: {  	[tilespmem:s15], [sflag:$0x2] =	stream.linear.gather [hbm4b:s7+s3], $0x500, $0x38;
	[tilespmem:$0x1FCB0] =	vst v63  }
0x41: {  	_ =	swait.ge [sflag:s13], $0x500  }
0x42: {  	[sflag:s13] =	ssyncset.done $0x0  }
0x43: {  	[sflag:s13] =	ssyncadd.s32 $0xFFFFFB00  }
0x44: {  	v1 =	vld [tilespmem:$0x1E870];
	_ =	sdelay $0x4  }
0x45: {  	v1 =	vsub.s32 v1, v0  }
0x46: {  	v1 =	vmin.u32 v1, $0x61A8;
	_ =	sdelay $0x4  }
0x47: {  	[spmem:s2] =	stream.indirect_vreg.scatter.add.f32 [tilespmem:s15], [sflag:$0x2], $0x50, v1, vm0, $0xb8;
	[tilespmem:$0x1FCB0] =	vst v63  }
0x48: {  	_ =	swait.ge [sflag:s13], $0x500  }
0x49: {  	s20 =	sadd.s32 $0x1, s20;
	[sflag:s13] =	ssyncset.done $0x0  }
0x4a: {  	p0 =	sne.s32 s20, s9;
	[sflag:s13] =	ssyncadd.s32 $0xFFFFFB00  }
.Ltmp1:
0x4b: {  	[bflag:$0x0] =	sbarrier.arrive $0xFFFF;
	(pc) =	sbr.rel @p0 .LBB2_1-.Ltmp1, $4  }
0x4c: {  	[hbm:s8], [sflag:s5] =	dma.local [spmem:s12], $0x3D0E  }
0x4d: {  	_ =	swait.ge [sflag:s13], $0x3D0E  }
0x4e: {  	[sflag:s13] =	ssyncset.done $0x0  }
0x4f: {  	[sflag:s13] =	ssyncadd.s32 $0xFFFFC2F2  }
0x50: {  	_ =	sfence.sel $0x180000  }
0x51: {  	[bflag:$0x0] =	sbarrier.arrive $0xFFFF  }
0x52: {  	p0 =	sne.s32 s1, $0x0;
	_ =	strace $0x90000050  }
0x53: {  	s0 =	sadd.s32 @!p0 $0x100000, s0;
	[bflag:$0x2] =	sbarrier.arrive $0xFFFF  }
0x54: {  	[sflag:s0] =	ssyncadd.tile.s32 @!p0 $0x1;
	_ =	shalt  }
.Lfunc_end2:
_tile_overlayer_lowered:
.L_overlay_start_2:
0x55: {  	(tag) =	ssettag $0x2  }
0x56: {  	s0 =	rddreg [dreg:$0x0];
	s2 =	stileid.u32  }
0x57: {  	s1 =	rddreg [dreg:$0x1];
	p0 =	sne.s32 s2, $0x0  }
0x58: {  	s3 =	rddreg [dreg:$0x2];
	[bflag:$0x3] =	sbarrier.arrive $0xFFFF;
	s2 =	simm.s32 @!p0 $0x1C02  }
0x59: {  	[timem:s3], [sflag:s2] =	dma.local @!p0 [hbm:s0], s1  }
0x5a: {  	s0 =	simm.s32 @!p0 $0x2  }
0x5b: {  	_ =	swait.ge @!p0 [sflag:s0], s1  }
0x5c: {  	s1 =	ssub.s32 @!p0 $0x0, s1;
	[sflag:s0] =	ssyncset.done @!p0 $0x0  }
0x5d: {  	[sflag:s0] =	ssyncadd.s32 @!p0 s1  }
0x5e: {  	[bflag:$0x3] =	sbarrier.arrive $0xFFFF  }
0x5f: {  	_ =	shalt  }

</sc_bundles>
